<compile_context>
chip_gen: v7x
topology: tpu7x:2x2x1
jax: 0.10.2.dev20260603
libtpu: 0.0.44.dev20260713+nightly
codegen_flags: <defaults>
</compile_context>

<pallas_src>
import functools

import jax
import jax.numpy as jnp
from jax import lax
from jax.experimental import pallas as pl
from jax.experimental.pallas import tpu as pltpu
from jax.experimental.pallas import tpu_sc as plsc

N = 10000
E = 320000
F_IN = 128
H = 128
C = 2

NC = 2
NS = 16
NW = NC * NS
EPT = E // NW
CH = 80
NCH = EPT // CH
NPAD = 10240
STRIPE = NPAD // NS

_mesh = plsc.VectorSubcoreMesh(
    core_axis_name="c", subcore_axis_name="s", num_cores=NC, num_subcores=NS
)


@functools.partial(
    pl.kernel,
    out_type=(
        jax.ShapeDtypeStruct((NC * NPAD,), jnp.float32),
        jax.ShapeDtypeStruct((NC * NPAD,), jnp.float32),
    ),
    mesh=_mesh,
    scratch_types=[
        pltpu.VMEM((NCH, CH), jnp.int32),
        pltpu.VMEM((NCH, CH), jnp.int32),
        pltpu.VMEM((NCH, CH), jnp.float32),
        pltpu.VMEM((CH,), jnp.float32),
        pltpu.VMEM((STRIPE,), jnp.float32),
        pltpu.VMEM_SHARED((NPAD,), jnp.float32),
        pltpu.VMEM_SHARED((NPAD,), jnp.float32),
        pltpu.SemaphoreType.DMA,
    ],
)
def _deg_kernel(src_hbm, dst_hbm, deg_out, sl_out,
                sidx, didx, slv, ones, stage, deg_s, sl_s, dsem):
    cid = lax.axis_index("c")
    sid = lax.axis_index("s")
    wid = sid * NC + cid

    one_v = jnp.ones((16,), jnp.float32)
    zero_v = jnp.zeros((16,), jnp.float32)
    for c in range(CH // 16):
        ones[pl.ds(c * 16, 16)] = one_v

    def zfill(i, _):
        stage[pl.ds(i * 16, 16)] = zero_v
        return 0
    lax.fori_loop(0, STRIPE // 16, zfill, 0)

    base = sid * STRIPE
    pltpu.sync_copy(stage, deg_s.at[pl.ds(base, STRIPE)])
    pltpu.sync_copy(stage, sl_s.at[pl.ds(base, STRIPE)])
    plsc.subcore_barrier()

    pltpu.sync_copy(src_hbm.at[wid], sidx)
    pltpu.sync_copy(dst_hbm.at[wid], didx)

    def slvals(j, _):
        for c in range(CH // 16):
            s = sidx[j, pl.ds(c * 16, 16)]
            d = didx[j, pl.ds(c * 16, 16)]
            slv[j, pl.ds(c * 16, 16)] = jnp.where(s == d, 1.0, 0.0).astype(
                jnp.float32)
        return 0
    lax.fori_loop(0, NCH, slvals, 0)

    def accum(j, _):
        pltpu.async_copy(ones, deg_s.at[sidx.at[j]], dsem, add=True)
        pltpu.sync_copy(slv.at[j], sl_s.at[sidx.at[j]], add=True)
        pltpu.make_async_copy(ones, deg_s.at[sidx.at[j]], dsem).wait()
        return 0
    lax.fori_loop(0, NCH, accum, 0)
    plsc.subcore_barrier()

    pltpu.sync_copy(deg_s.at[pl.ds(base, STRIPE)], stage)
    pltpu.sync_copy(stage, deg_out.at[pl.ds(cid * NPAD + base, STRIPE)])
    pltpu.sync_copy(sl_s.at[pl.ds(base, STRIPE)], stage)
    pltpu.sync_copy(stage, sl_out.at[pl.ds(cid * NPAD + base, STRIPE)])


SCH = 125
IBLK = 8
NBLK = EPT // (IBLK * SCH)
ZCH = 80


@functools.partial(
    pl.kernel,
    out_type=jax.ShapeDtypeStruct((NC, NPAD, H), jnp.float32),
    mesh=_mesh,
    scratch_types=[
        pltpu.VMEM((IBLK, SCH), jnp.int32),
        pltpu.VMEM((IBLK, SCH), jnp.int32),
        pltpu.VMEM((SCH, H), jnp.float32),
        pltpu.VMEM((SCH, H), jnp.float32),
        pltpu.VMEM_SHARED((NPAD, H), jnp.float32),
        pltpu.SemaphoreType.DMA,
        pltpu.SemaphoreType.DMA,
    ],
)
def _seg_kernel(y_hbm, src_hbm, dst_hbm, s_out, sidx, didx, rows0, rows1, S,
                sem0, sem1):
    cid = lax.axis_index("c")
    sid = lax.axis_index("s")
    wid = sid * NC + cid

    zero_v = jnp.zeros((16,), jnp.float32)

    def zrow(r, _):
        for c in range(H // 16):
            rows0[r, pl.ds(c * 16, 16)] = zero_v
        return 0
    lax.fori_loop(0, ZCH, zrow, 0)

    base = sid * STRIPE
    zsrc = rows0.at[pl.ds(0, ZCH), :]

    def zstripe(i, _):
        pltpu.sync_copy(zsrc, S.at[pl.ds(base + i * ZCH, ZCH), :])
        return 0
    lax.fori_loop(0, STRIPE // ZCH, zstripe, 0)
    plsc.subcore_barrier()

    def blk(b, _):
        pltpu.sync_copy(src_hbm.at[wid, b], sidx)
        pltpu.sync_copy(dst_hbm.at[wid, b], didx)
        pltpu.async_copy(y_hbm.at[sidx.at[0]], rows0, sem0)
        pltpu.async_copy(y_hbm.at[sidx.at[1]], rows1, sem1)

        def pair(i, _):
            c0 = 2 * i
            c1 = c0 + 1
            pltpu.make_async_copy(y_hbm.at[sidx.at[c0]], rows0, sem0).wait()
            pltpu.sync_copy(rows0, S.at[didx.at[c0]], add=True)

            @pl.when(c0 + 2 < IBLK)
            def _():
                pltpu.async_copy(y_hbm.at[sidx.at[c0 + 2]], rows0, sem0)

            pltpu.make_async_copy(y_hbm.at[sidx.at[c1]], rows1, sem1).wait()
            pltpu.sync_copy(rows1, S.at[didx.at[c1]], add=True)

            @pl.when(c1 + 2 < IBLK)
            def _():
                pltpu.async_copy(y_hbm.at[sidx.at[c1 + 2]], rows1, sem1)
            return 0
        lax.fori_loop(0, IBLK // 2, pair, 0)
        return 0
    lax.fori_loop(0, NBLK, blk, 0)
    plsc.subcore_barrier()

    def rd(i, _):
        pltpu.sync_copy(S.at[pl.ds(base + i * ZCH, ZCH), :],
                        s_out.at[cid, pl.ds(base + i * ZCH, ZCH), :])
        return 0
    lax.fori_loop(0, STRIPE // ZCH, rd, 0)


BLK = 5120
GRID = NPAD // BLK


def _prep_body(degp_ref, slp_ref, x_ref, dinv_ref, slc_ref, y_ref):
    deg_full = jnp.sum(degp_ref[...], axis=0)
    slc = jnp.sum(slp_ref[...], axis=0)
    deg = deg_full - slc
    dinv = jnp.where(deg > 0, lax.rsqrt(jnp.maximum(deg, 1e-30)), 0.0)
    dinv_ref[...] = dinv[:, None]
    slc_ref[...] = slc[:, None]
    y_ref[...] = dinv[:, None] * x_ref[...]


def _prep(degp, slp, xp):
    return pl.pallas_call(
        _prep_body,
        grid=(GRID,),
        in_specs=[
            pl.BlockSpec((NC, BLK), lambda i: (0, i)),
            pl.BlockSpec((NC, BLK), lambda i: (0, i)),
            pl.BlockSpec((BLK, H), lambda i: (i, 0)),
        ],
        out_specs=[
            pl.BlockSpec((BLK, 1), lambda i: (i, 0)),
            pl.BlockSpec((BLK, 1), lambda i: (i, 0)),
            pl.BlockSpec((BLK, H), lambda i: (i, 0)),
        ],
        out_shape=[
            jax.ShapeDtypeStruct((NPAD, 1), jnp.float32),
            jax.ShapeDtypeStruct((NPAD, 1), jnp.float32),
            jax.ShapeDtypeStruct((NPAD, H), jnp.float32),
        ],
    )(degp, slp, xp)


def _mm_body(a_ref, w_ref, b_ref, out_ref):
    out_ref[...] = jnp.dot(a_ref[...], w_ref[...],
                           preferred_element_type=jnp.float32) + b_ref[...]


def _mm(a, w, b):
    return pl.pallas_call(
        _mm_body,
        grid=(GRID,),
        in_specs=[
            pl.BlockSpec((BLK, H), lambda i: (i, 0)),
            pl.BlockSpec((H, H), lambda i: (0, 0)),
            pl.BlockSpec((1, H), lambda i: (0, 0)),
        ],
        out_specs=[pl.BlockSpec((BLK, H), lambda i: (i, 0))],
        out_shape=[jax.ShapeDtypeStruct((NPAD, H), jnp.float32)],
    )(a, w, b)[0]


def _layer_body(p_ref, y_ref, s_ref, dinv_ref, slc_ref, w1_ref,
                h_ref, y2_ref):
    dinv = dinv_ref[...]
    tx1 = -dinv * (s_ref[0] + s_ref[1] - slc_ref[...] * y_ref[...])
    h = p_ref[...] + jnp.dot(tx1, w1_ref[...],
                             preferred_element_type=jnp.float32)
    h = jnp.maximum(h, 0.0)
    h_ref[...] = h
    y2_ref[...] = dinv * h


def _layer(p, y, s, dinv, slc, w1):
    return pl.pallas_call(
        _layer_body,
        grid=(GRID,),
        in_specs=[
            pl.BlockSpec((BLK, H), lambda i: (i, 0)),
            pl.BlockSpec((BLK, H), lambda i: (i, 0)),
            pl.BlockSpec((NC, BLK, H), lambda i: (0, i, 0)),
            pl.BlockSpec((BLK, 1), lambda i: (i, 0)),
            pl.BlockSpec((BLK, 1), lambda i: (i, 0)),
            pl.BlockSpec((H, H), lambda i: (0, 0)),
        ],
        out_specs=[
            pl.BlockSpec((BLK, H), lambda i: (i, 0)),
            pl.BlockSpec((BLK, H), lambda i: (i, 0)),
        ],
        out_shape=[
            jax.ShapeDtypeStruct((NPAD, H), jnp.float32),
            jax.ShapeDtypeStruct((NPAD, H), jnp.float32),
        ],
    )(p, y, s, dinv, slc, w1)


def _final_body(p_ref, y_ref, s_ref, dinv_ref, slc_ref, w1_ref,
                wl_ref, bl_ref, out_ref):
    dinv = dinv_ref[...]
    tx1 = -dinv * (s_ref[0] + s_ref[1] - slc_ref[...] * y_ref[...])
    h = p_ref[...] + jnp.dot(tx1, w1_ref[...],
                             preferred_element_type=jnp.float32)
    h = jnp.maximum(h, 0.0)
    out_ref[...] = (jnp.dot(h, wl_ref[...], preferred_element_type=jnp.float32)
                    + bl_ref[...])


def _final(p2, y2, s, dinv, slc, w1, wl, bl):
    return pl.pallas_call(
        _final_body,
        grid=(GRID,),
        in_specs=[
            pl.BlockSpec((BLK, H), lambda i: (i, 0)),
            pl.BlockSpec((BLK, H), lambda i: (i, 0)),
            pl.BlockSpec((NC, BLK, H), lambda i: (0, i, 0)),
            pl.BlockSpec((BLK, 1), lambda i: (i, 0)),
            pl.BlockSpec((BLK, 1), lambda i: (i, 0)),
            pl.BlockSpec((H, H), lambda i: (0, 0)),
            pl.BlockSpec((H, C), lambda i: (0, 0)),
            pl.BlockSpec((1, C), lambda i: (0, 0)),
        ],
        out_specs=[pl.BlockSpec((BLK, C), lambda i: (i, 0))],
        out_shape=[jax.ShapeDtypeStruct((NPAD, C), jnp.float32)],
    )(p2, y2, s, dinv, slc, w1, wl, bl)[0]


def kernel(x, edge_index, W1_0, W1_1, b1, W2_0, W2_1, b2, Wl, bl):
    src2 = edge_index[0].reshape(NW, NCH, CH)
    dst2 = edge_index[1].reshape(NW, NCH, CH)
    src4 = edge_index[0].reshape(NW, NBLK, IBLK, SCH)
    dst4 = edge_index[1].reshape(NW, NBLK, IBLK, SCH)
    xp = jnp.concatenate(
        [x, jnp.zeros((NPAD - N, F_IN), jnp.float32)], axis=0)

    degp, slp = _deg_kernel(src2, dst2)
    degp = degp.reshape(NC, NPAD)
    slp = slp.reshape(NC, NPAD)
    p1 = _mm(xp, W1_0, b1.reshape(1, H))
    dinv, slc, y1 = _prep(degp, slp, xp)
    s1 = _seg_kernel(y1, src4, dst4)
    h1, y2 = _layer(p1, y1, s1, dinv, slc, W1_1)
    p2 = _mm(h1, W2_0, b2.reshape(1, H))
    s2 = _seg_kernel(y2, src4, dst4)
    out = _final(p2, y2, s2, dinv, slc, W2_1, Wl, bl.reshape(1, C))
    return out[:N]

# --- scband reference (transcript-rebuilt; emitter-appended) ---
"""Pipeline reference for scband-chebyshev-convolution-lin-64364379898206 (READ-ONLY COPY).

The authoritative reference and input builder live on the scoring server;
editing this copy changes nothing except your own understanding.
"""

import jax, jax.numpy as jnp
import numpy as np

N = 10000
E = 320000
F_IN = 128
H = 128
C = 2

def _glorot(key, shape):
    lim = float(np.sqrt(6.0 / (shape[0] + shape[1])))
    return jax.random.uniform(key, shape, minval=-lim, maxval=lim, dtype=jnp.float32)

def setup_inputs(seed: int = 0):
    key = jax.random.key(seed)
    ks = jax.random.split(key, 12)
    x = jax.random.normal(ks[0], (N, F_IN), dtype=jnp.float32)
    edge_index = jax.random.randint(ks[1], (2, E), 0, N, dtype=jnp.int32)
    W1_0 = _glorot(ks[2], (F_IN, H))
    W1_1 = _glorot(ks[3], (F_IN, H))
    b1 = jnp.zeros((H,), dtype=jnp.float32)
    W2_0 = _glorot(ks[4], (H, H))
    W2_1 = _glorot(ks[5], (H, H))
    b2 = jnp.zeros((H,), dtype=jnp.float32)
    Wl = _glorot(ks[6], (H, C))
    bl = jnp.zeros((C,), dtype=jnp.float32)
    return {"x": x, "edge_index": edge_index, "W1_0": W1_0, "W1_1": W1_1, "b1": b1,
            "W2_0": W2_0, "W2_1": W2_1, "b2": b2, "Wl": Wl, "bl": bl}

def _cheb_norm(edge_index, num_nodes):
    # Faithful to PyG ChebConv.__norm__ with normalization='sym', lambda_max=2.0:
    # remove self-loops (mask weight to 0), sym-normalize, L = I - A_hat,
    # scale by 2/lambda_max (=1), subtract 1 on diagonal -> diag weight 0.
    row = edge_index[0]
    col = edge_index[1]
    ew = jnp.where(row == col, 0.0, 1.0).astype(jnp.float32)
    deg = jnp.zeros((num_nodes,), dtype=jnp.float32).at[row].add(ew)
    dinv = jnp.where(deg > 0, deg ** -0.5, 0.0)
    return -(dinv[row] * ew * dinv[col])

def _cheb_conv_k2(x, edge_index, norm, W0, W1, b):
    # K=2 Chebyshev: out = Tx0 @ W0 + Tx1 @ W1 + b, Tx0 = x, Tx1 = L_hat x
    src = edge_index[0]
    dst = edge_index[1]
    Tx1 = jnp.zeros_like(x).at[dst].add(norm[:, None] * x[src])
    return x @ W0 + Tx1 @ W1 + b

def reference(x, edge_index, W1_0, W1_1, b1, W2_0, W2_1, b2, Wl, bl):
    norm = _cheb_norm(edge_index, x.shape[0])
    h = jax.nn.relu(_cheb_conv_k2(x, edge_index, norm, W1_0, W1_1, b1))
    h = jax.nn.relu(_cheb_conv_k2(h, edge_index, norm, W2_0, W2_1, b2))
    return h @ Wl + bl

if __name__ == "__main__":
    import jax
    _d = setup_inputs()
    print(jax.jit(kernel)(*tuple(_d.values())))

</pallas_src>

<mosaic_0001>
#map = affine_map<(d0, d1) -> (0, 0)>
#map1 = affine_map<(d0, d1) -> (0, 0, 0, 0)>
#map2 = affine_map<(d0, d1) -> (0, 0, 0)>
module attributes {stable_mosaic.version = 14 : i64} {
  func.func @_seg_kernel(%arg0: i32, %arg1: i32, %arg2: memref<10240x128xf32, #tpu.memory_space<hbm>>, %arg3: memref<32x10x8x125xi32, #tpu.memory_space<hbm>>, %arg4: memref<32x10x8x125xi32, #tpu.memory_space<hbm>>, %arg5: memref<2x10240x128xf32, #tpu.memory_space<hbm>>, %arg6: memref<8x125xi32, #tpu.memory_space<vmem>>, %arg7: memref<8x125xi32, #tpu.memory_space<vmem>>, %arg8: memref<125x128xf32, #tpu.memory_space<vmem>>, %arg9: memref<125x128xf32, #tpu.memory_space<vmem>>, %arg10: memref<10240x128xf32, #tpu.memory_space<vmem_shared>>, %arg11: memref<!tpu.dma_semaphore, #tpu.memory_space<semaphore_mem>>, %arg12: memref<!tpu.dma_semaphore, #tpu.memory_space<semaphore_mem>>) attributes {dimension_semantics = [#tpu.dimension_semantics<core_parallel>, #tpu.dimension_semantics<subcore_parallel>], iteration_bounds = array<i64: 2, 16>, scalar_prefetch = 0 : i64, scratch_operands = 7 : i64, tpu.core_type = #tpu.core_type<sc_vector_subcore>, window_params = [{transform_indices = #map}, {transform_indices = #map1}, {transform_indices = #map1}, {transform_indices = #map2}]} {
    %mul3A = arith.constant 2 : i32
    %mul3A_0 = arith.muli %arg1, %mul3A : i32
    %add3A = arith.addi %mul3A_0, %arg0 : i32
    %broadcast_in_dim3A = arith.constant 0.000000e+00 : f32
    %broadcast_in_dim3A_1 = vector.broadcast %broadcast_in_dim3A : f32 to vector<16xf32>
    %scan3A = arith.constant 0 : i32
    %scan3A_2 = arith.constant 0 : i32
    %scan3A_3 = arith.constant 80 : i32
    %scan3A_4 = arith.addi %scan3A_2, %scan3A_3 : i32
    %scan3A_5 = arith.constant 1 : i32
    %scan3A_6 = scf.for %scan3A_32 = %scan3A_2 to %scan3A_4 step %scan3A_5 iter_args(%scan3A_33 = %scan3A) -> (i32)  : i32 {
      %swap3A = arith.index_cast %scan3A_32 : i32 to index
      %swap3A_34 = arith.constant 0 : index
      %swap3A_35 = tpu.vector_load %arg8[%swap3A, %swap3A_34] {strides = array<i32>} : memref<125x128xf32, #tpu.memory_space<vmem>>, vector<1x16xf32>,
      %swap3A_36 = vector.shape_cast %swap3A_35 : vector<1x16xf32> to vector<16xf32>
      %swap3A_37 = vector.shape_cast %broadcast_in_dim3A_1 : vector<16xf32> to vector<1x16xf32>
      tpu.vector_store %arg8[%swap3A, %swap3A_34], %swap3A_37 {strides = array<i32>} : memref<125x128xf32, #tpu.memory_space<vmem>>, vector<1x16xf32>,
      %swap3A_38 = arith.index_cast %scan3A_32 : i32 to index
      %swap3A_39 = arith.constant 16 : index
      %swap3A_40 = tpu.vector_load %arg8[%swap3A_38, %swap3A_39] {strides = array<i32>} : memref<125x128xf32, #tpu.memory_space<vmem>>, vector<1x16xf32>,
      %swap3A_41 = vector.shape_cast %swap3A_40 : vector<1x16xf32> to vector<16xf32>
      %swap3A_42 = vector.shape_cast %broadcast_in_dim3A_1 : vector<16xf32> to vector<1x16xf32>
      tpu.vector_store %arg8[%swap3A_38, %swap3A_39], %swap3A_42 {strides = array<i32>} : memref<125x128xf32, #tpu.memory_space<vmem>>, vector<1x16xf32>,
      %swap3A_43 = arith.index_cast %scan3A_32 : i32 to index
      %swap3A_44 = arith.constant 32 : index
      %swap3A_45 = tpu.vector_load %arg8[%swap3A_43, %swap3A_44] {strides = array<i32>} : memref<125x128xf32, #tpu.memory_space<vmem>>, vector<1x16xf32>,
      %swap3A_46 = vector.shape_cast %swap3A_45 : vector<1x16xf32> to vector<16xf32>
      %swap3A_47 = vector.shape_cast %broadcast_in_dim3A_1 : vector<16xf32> to vector<1x16xf32>
      tpu.vector_store %arg8[%swap3A_43, %swap3A_44], %swap3A_47 {strides = array<i32>} : memref<125x128xf32, #tpu.memory_space<vmem>>, vector<1x16xf32>,
      %swap3A_48 = arith.index_cast %scan3A_32 : i32 to index
      %swap3A_49 = arith.constant 48 : index
      %swap3A_50 = tpu.vector_load %arg8[%swap3A_48, %swap3A_49] {strides = array<i32>} : memref<125x128xf32, #tpu.memory_space<vmem>>, vector<1x16xf32>,
      %swap3A_51 = vector.shape_cast %swap3A_50 : vector<1x16xf32> to vector<16xf32>
      %swap3A_52 = vector.shape_cast %broadcast_in_dim3A_1 : vector<16xf32> to vector<1x16xf32>
      tpu.vector_store %arg8[%swap3A_48, %swap3A_49], %swap3A_52 {strides = array<i32>} : memref<125x128xf32, #tpu.memory_space<vmem>>, vector<1x16xf32>,
      %swap3A_53 = arith.index_cast %scan3A_32 : i32 to index
      %swap3A_54 = arith.constant 64 : index
      %swap3A_55 = tpu.vector_load %arg8[%swap3A_53, %swap3A_54] {strides = array<i32>} : memref<125x128xf32, #tpu.memory_space<vmem>>, vector<1x16xf32>,
      %swap3A_56 = vector.shape_cast %swap3A_55 : vector<1x16xf32> to vector<16xf32>
      %swap3A_57 = vector.shape_cast %broadcast_in_dim3A_1 : vector<16xf32> to vector<1x16xf32>
      tpu.vector_store %arg8[%swap3A_53, %swap3A_54], %swap3A_57 {strides = array<i32>} : memref<125x128xf32, #tpu.memory_space<vmem>>, vector<1x16xf32>,
      %swap3A_58 = arith.index_cast %scan3A_32 : i32 to index
      %swap3A_59 = arith.constant 80 : index
      %swap3A_60 = tpu.vector_load %arg8[%swap3A_58, %swap3A_59] {strides = array<i32>} : memref<125x128xf32, #tpu.memory_space<vmem>>, vector<1x16xf32>,
      %swap3A_61 = vector.shape_cast %swap3A_60 : vector<1x16xf32> to vector<16xf32>
      %swap3A_62 = vector.shape_cast %broadcast_in_dim3A_1 : vector<16xf32> to vector<1x16xf32>
      tpu.vector_store %arg8[%swap3A_58, %swap3A_59], %swap3A_62 {strides = array<i32>} : memref<125x128xf32, #tpu.memory_space<vmem>>, vector<1x16xf32>,
      %swap3A_63 = arith.index_cast %scan3A_32 : i32 to index
      %swap3A_64 = arith.constant 96 : index
      %swap3A_65 = tpu.vector_load %arg8[%swap3A_63, %swap3A_64] {strides = array<i32>} : memref<125x128xf32, #tpu.memory_space<vmem>>, vector<1x16xf32>,
      %swap3A_66 = vector.shape_cast %swap3A_65 : vector<1x16xf32> to vector<16xf32>
      %swap3A_67 = vector.shape_cast %broadcast_in_dim3A_1 : vector<16xf32> to vector<1x16xf32>
      tpu.vector_store %arg8[%swap3A_63, %swap3A_64], %swap3A_67 {strides = array<i32>} : memref<125x128xf32, #tpu.memory_space<vmem>>, vector<1x16xf32>,
      %swap3A_68 = arith.index_cast %scan3A_32 : i32 to index
      %swap3A_69 = arith.constant 112 : index
      %swap3A_70 = tpu.vector_load %arg8[%swap3A_68, %swap3A_69] {strides = array<i32>} : memref<125x128xf32, #tpu.memory_space<vmem>>, vector<1x16xf32>,
      %swap3A_71 = vector.shape_cast %swap3A_70 : vector<1x16xf32> to vector<16xf32>
      %swap3A_72 = vector.shape_cast %broadcast_in_dim3A_1 : vector<16xf32> to vector<1x16xf32>
      tpu.vector_store %arg8[%swap3A_68, %swap3A_69], %swap3A_72 {strides = array<i32>} : memref<125x128xf32, #tpu.memory_space<vmem>>, vector<1x16xf32>,
      %scan3A_73 = arith.constant 0 : i32
      scf.yield %scan3A_73 : i32
    }
    %scan3A_7 = arith.constant 80 : i32
    %mul3A_8 = arith.constant 640 : i32
    %mul3A_9 = arith.muli %arg1, %mul3A_8 : i32
    %scan3A_10 = arith.constant 0 : i32
    %scan3A_11 = arith.constant 0 : i32
    %scan3A_12 = arith.constant 8 : i32
    %scan3A_13 = arith.addi %scan3A_11, %scan3A_12 : i32
    %scan3A_14 = arith.constant 1 : i32
    %scan3A_15 = scf.for %scan3A_32 = %scan3A_11 to %scan3A_13 step %scan3A_14 iter_args(%scan3A_33 = %scan3A_10) -> (i32)  : i32 {
      %mul3A_34 = arith.constant 80 : i32
      %mul3A_35 = arith.muli %scan3A_32, %mul3A_34 : i32
      %add3A_36 = arith.addi %mul3A_9, %mul3A_35 : i32
      "tpu.region"() ({
        %run_scoped3A = tpu.sem_alloc : memref<!tpu.dma_semaphore, #tpu.memory_space<semaphore_mem>>
        %dma_start3A = arith.constant 0 : i32
        %dma_start3A_38 = arith.constant 0 : i32
        %dma_start3A_39 = tpu.memref_slice %arg8[%dma_start3A, %dma_start3A_38] : memref<125x128xf32, #tpu.memory_space<vmem>> -> memref<80x128xf32, #tpu.memory_space<vmem>>
        %dma_start3A_40 = arith.constant 0 : i32
        %dma_start3A_41 = tpu.memref_slice %arg10[%add3A_36, %dma_start3A_40] : memref<10240x128xf32, #tpu.memory_space<vmem_shared>> -> memref<80x128xf32, #tpu.memory_space<vmem_shared>>
        %dma_start3A_42 = arith.constant 0 : i32
        %dma_start3A_43 = tpu.memref_slice %arg10[%add3A_36, %dma_start3A_42] : memref<10240x128xf32, #tpu.memory_space<vmem_shared>> -> memref<80x128xf32, #tpu.memory_space<vmem_shared>>
        %dma_start3A_44 = arith.constant 0 : i32
        %dma_start3A_45 = arith.constant 0 : i32
        %dma_start3A_46 = tpu.memref_slice %arg8[%dma_start3A_44, %dma_start3A_45] : memref<125x128xf32, #tpu.memory_space<vmem>> -> memref<80x128xf32, #tpu.memory_space<vmem>>
        tpu.enqueue_dma source(%dma_start3A_46 : memref<80x128xf32, #tpu.memory_space<vmem>>) target(%dma_start3A_43 : memref<80x128xf32, #tpu.memory_space<vmem_shared>>) target_semaphore(%run_scoped3A : memref<!tpu.dma_semaphore, #tpu.memory_space<semaphore_mem>>)
        %dma_wait3A = arith.constant 0 : i32
        %dma_wait3A_47 = arith.constant 0 : i32
        %dma_wait3A_48 = tpu.memref_slice %arg8[%dma_wait3A, %dma_wait3A_47] : memref<125x128xf32, #tpu.memory_space<vmem>> -> memref<80x128xf32, #tpu.memory_space<vmem>>
        %dma_wait3A_49 = arith.constant 0 : i32
        %dma_wait3A_50 = tpu.memref_slice %arg10[%add3A_36, %dma_wait3A_49] : memref<10240x128xf32, #tpu.memory_space<vmem_shared>> -> memref<80x128xf32, #tpu.memory_space<vmem_shared>>
        %dma_wait3A_51 = arith.constant 0 : i32
        %dma_wait3A_52 = tpu.memref_slice %arg10[%add3A_36, %dma_wait3A_51] : memref<10240x128xf32, #tpu.memory_space<vmem_shared>> -> memref<80x128xf32, #tpu.memory_space<vmem_shared>>
        %dma_wait3A_53 = arith.constant 0 : i32
        %dma_wait3A_54 = arith.constant 0 : i32
        %dma_wait3A_55 = tpu.memref_slice %arg8[%dma_wait3A_53, %dma_wait3A_54] : memref<125x128xf32, #tpu.memory_space<vmem>> -> memref<80x128xf32, #tpu.memory_space<vmem>>
        tpu.wait_dma2 semaphore(%run_scoped3A : memref<!tpu.dma_semaphore, #tpu.memory_space<semaphore_mem>>) src(%dma_wait3A_55 : memref<80x128xf32, #tpu.memory_space<vmem>>) dst(%dma_wait3A_52 : memref<80x128xf32, #tpu.memory_space<vmem_shared>>)
        tpu.yield
      }) : () -> ()
      %scan3A_37 = arith.constant 0 : i32
      scf.yield %scan3A_37 : i32
    }
    %scan3A_16 = arith.constant 8 : i32
    %barrier3A = arith.constant 0 : index
    tpu.barrier barrier_id(%barrier3A)
    %scan3A_17 = arith.constant 0 : i32
    %scan3A_18 = arith.constant 0 : i32
    %scan3A_19 = arith.constant 10 : i32
    %scan3A_20 = arith.addi %scan3A_18, %scan3A_19 : i32
    %scan3A_21 = arith.constant 1 : i32
    %scan3A_22 = scf.for %scan3A_32 = %scan3A_18 to %scan3A_20 step %scan3A_21 iter_args(%scan3A_33 = %scan3A_17) -> (i32)  : i32 {
      "tpu.region"() ({
        %run_scoped3A = tpu.sem_alloc : memref<!tpu.dma_semaphore, #tpu.memory_space<semaphore_mem>>
        %dma_start3A_55 = arith.constant 0 : i32
        %dma_start3A_56 = arith.constant 0 : i32
        %dma_start3A_57 = tpu.memref_slice %arg3[%add3A, %scan3A_32, %dma_start3A_55, %dma_start3A_56] : memref<32x10x8x125xi32, #tpu.memory_space<hbm>> -> memref<1x1x8x125xi32, #tpu.memory_space<hbm>>
        %dma_start3A_58 = tpu.memref_squeeze %dma_start3A_57 : memref<1x1x8x125xi32, #tpu.memory_space<hbm>> -> memref<8x125xi32, #tpu.memory_space<hbm>>
        %dma_start3A_59 = arith.constant 0 : i32
        %dma_start3A_60 = arith.constant 0 : i32
        %dma_start3A_61 = tpu.memref_slice %arg3[%add3A, %scan3A_32, %dma_start3A_59, %dma_start3A_60] : memref<32x10x8x125xi32, #tpu.memory_space<hbm>> -> memref<1x1x8x125xi32, #tpu.memory_space<hbm>>
        %dma_start3A_62 = tpu.memref_squeeze %dma_start3A_61 : memref<1x1x8x125xi32, #tpu.memory_space<hbm>> -> memref<8x125xi32, #tpu.memory_space<hbm>>
        tpu.enqueue_dma source(%dma_start3A_62 : memref<8x125xi32, #tpu.memory_space<hbm>>) target(%arg6 : memref<8x125xi32, #tpu.memory_space<vmem>>) target_semaphore(%run_scoped3A : memref<!tpu.dma_semaphore, #tpu.memory_space<semaphore_mem>>)
        %dma_wait3A = arith.constant 0 : i32
        %dma_wait3A_63 = arith.constant 0 : i32
        %dma_wait3A_64 = tpu.memref_slice %arg3[%add3A, %scan3A_32, %dma_wait3A, %dma_wait3A_63] : memref<32x10x8x125xi32, #tpu.memory_space<hbm>> -> memref<1x1x8x125xi32, #tpu.memory_space<hbm>>
        %dma_wait3A_65 = tpu.memref_squeeze %dma_wait3A_64 : memref<1x1x8x125xi32, #tpu.memory_space<hbm>> -> memref<8x125xi32, #tpu.memory_space<hbm>>
        %dma_wait3A_66 = arith.constant 0 : i32
        %dma_wait3A_67 = arith.constant 0 : i32
        %dma_wait3A_68 = tpu.memref_slice %arg3[%add3A, %scan3A_32, %dma_wait3A_66, %dma_wait3A_67] : memref<32x10x8x125xi32, #tpu.memory_space<hbm>> -> memref<1x1x8x125xi32, #tpu.memory_space<hbm>>
        %dma_wait3A_69 = tpu.memref_squeeze %dma_wait3A_68 : memref<1x1x8x125xi32, #tpu.memory_space<hbm>> -> memref<8x125xi32, #tpu.memory_space<hbm>>
        tpu.wait_dma2 semaphore(%run_scoped3A : memref<!tpu.dma_semaphore, #tpu.memory_space<semaphore_mem>>) src(%dma_wait3A_69 : memref<8x125xi32, #tpu.memory_space<hbm>>) dst(%arg6 : memref<8x125xi32, #tpu.memory_space<vmem>>)
        tpu.yield
      }) : () -> ()
      "tpu.region"() ({
        %run_scoped3A = tpu.sem_alloc : memref<!tpu.dma_semaphore, #tpu.memory_space<semaphore_mem>>
        %dma_start3A_55 = arith.constant 0 : i32
        %dma_start3A_56 = arith.constant 0 : i32
        %dma_start3A_57 = tpu.memref_slice %arg4[%add3A, %scan3A_32, %dma_start3A_55, %dma_start3A_56] : memref<32x10x8x125xi32, #tpu.memory_space<hbm>> -> memref<1x1x8x125xi32, #tpu.memory_space<hbm>>
        %dma_start3A_58 = tpu.memref_squeeze %dma_start3A_57 : memref<1x1x8x125xi32, #tpu.memory_space<hbm>> -> memref<8x125xi32, #tpu.memory_space<hbm>>
        %dma_start3A_59 = arith.constant 0 : i32
        %dma_start3A_60 = arith.constant 0 : i32
        %dma_start3A_61 = tpu.memref_slice %arg4[%add3A, %scan3A_32, %dma_start3A_59, %dma_start3A_60] : memref<32x10x8x125xi32, #tpu.memory_space<hbm>> -> memref<1x1x8x125xi32, #tpu.memory_space<hbm>>
        %dma_start3A_62 = tpu.memref_squeeze %dma_start3A_61 : memref<1x1x8x125xi32, #tpu.memory_space<hbm>> -> memref<8x125xi32, #tpu.memory_space<hbm>>
        tpu.enqueue_dma source(%dma_start3A_62 : memref<8x125xi32, #tpu.memory_space<hbm>>) target(%arg7 : memref<8x125xi32, #tpu.memory_space<vmem>>) target_semaphore(%run_scoped3A : memref<!tpu.dma_semaphore, #tpu.memory_space<semaphore_mem>>)
        %dma_wait3A = arith.constant 0 : i32
        %dma_wait3A_63 = arith.constant 0 : i32
        %dma_wait3A_64 = tpu.memref_slice %arg4[%add3A, %scan3A_32, %dma_wait3A, %dma_wait3A_63] : memref<32x10x8x125xi32, #tpu.memory_space<hbm>> -> memref<1x1x8x125xi32, #tpu.memory_space<hbm>>
        %dma_wait3A_65 = tpu.memref_squeeze %dma_wait3A_64 : memref<1x1x8x125xi32, #tpu.memory_space<hbm>> -> memref<8x125xi32, #tpu.memory_space<hbm>>
        %dma_wait3A_66 = arith.constant 0 : i32
        %dma_wait3A_67 = arith.constant 0 : i32
        %dma_wait3A_68 = tpu.memref_slice %arg4[%add3A, %scan3A_32, %dma_wait3A_66, %dma_wait3A_67] : memref<32x10x8x125xi32, #tpu.memory_space<hbm>> -> memref<1x1x8x125xi32, #tpu.memory_space<hbm>>
        %dma_wait3A_69 = tpu.memref_squeeze %dma_wait3A_68 : memref<1x1x8x125xi32, #tpu.memory_space<hbm>> -> memref<8x125xi32, #tpu.memory_space<hbm>>
        tpu.wait_dma2 semaphore(%run_scoped3A : memref<!tpu.dma_semaphore, #tpu.memory_space<semaphore_mem>>) src(%dma_wait3A_69 : memref<8x125xi32, #tpu.memory_space<hbm>>) dst(%arg7 : memref<8x125xi32, #tpu.memory_space<vmem>>)
        tpu.yield
      }) : () -> ()
      %dma_start3A = arith.constant 0 : i32
      %dma_start3A_34 = arith.constant 0 : i32
      %dma_start3A_35 = tpu.memref_slice %arg6[%dma_start3A, %dma_start3A_34] : memref<8x125xi32, #tpu.memory_space<vmem>> -> memref<1x125xi32, #tpu.memory_space<vmem>>
      %dma_start3A_36 = tpu.memref_squeeze %dma_start3A_35 : memref<1x125xi32, #tpu.memory_space<vmem>> -> memref<125xi32, #tpu.memory_space<vmem>>
      %dma_start3A_37 = arith.constant 0 : i32
      %dma_start3A_38 = arith.constant 0 : i32
      %dma_start3A_39 = tpu.memref_slice %arg2[%dma_start3A_37, %dma_start3A_38] : memref<10240x128xf32, #tpu.memory_space<hbm>> -> memref<10240x128xf32, #tpu.memory_space<hbm>>
      tpu.enqueue_indirect_dma source(%dma_start3A_39 : memref<10240x128xf32, #tpu.memory_space<hbm>>) target(%arg8 : memref<125x128xf32, #tpu.memory_space<vmem>>) offsets(%dma_start3A_36 : memref<125xi32, #tpu.memory_space<vmem>>) semaphore(%arg11 : memref<!tpu.dma_semaphore, #tpu.memory_space<semaphore_mem>>)
      %dma_start3A_40 = arith.constant 1 : i32
      %dma_start3A_41 = arith.constant 0 : i32
      %dma_start3A_42 = tpu.memref_slice %arg6[%dma_start3A_40, %dma_start3A_41] : memref<8x125xi32, #tpu.memory_space<vmem>> -> memref<1x125xi32, #tpu.memory_space<vmem>>
      %dma_start3A_43 = tpu.memref_squeeze %dma_start3A_42 : memref<1x125xi32, #tpu.memory_space<vmem>> -> memref<125xi32, #tpu.memory_space<vmem>>
      %dma_start3A_44 = arith.constant 0 : i32
      %dma_start3A_45 = arith.constant 0 : i32
      %dma_start3A_46 = tpu.memref_slice %arg2[%dma_start3A_44, %dma_start3A_45] : memref<10240x128xf32, #tpu.memory_space<hbm>> -> memref<10240x128xf32, #tpu.memory_space<hbm>>
      tpu.enqueue_indirect_dma source(%dma_start3A_46 : memref<10240x128xf32, #tpu.memory_space<hbm>>) target(%arg9 : memref<125x128xf32, #tpu.memory_space<vmem>>) offsets(%dma_start3A_43 : memref<125xi32, #tpu.memory_space<vmem>>) semaphore(%arg12 : memref<!tpu.dma_semaphore, #tpu.memory_space<semaphore_mem>>)
      %scan3A_47 = arith.constant 0 : i32
      %scan3A_48 = arith.constant 0 : i32
      %scan3A_49 = arith.constant 4 : i32
      %scan3A_50 = arith.addi %scan3A_48, %scan3A_49 : i32
      %scan3A_51 = arith.constant 1 : i32
      %scan3A_52 = scf.for %scan3A_55 = %scan3A_48 to %scan3A_50 step %scan3A_51 iter_args(%scan3A_56 = %scan3A_47) -> (i32)  : i32 {
        %mul3A_57 = arith.constant 2 : i32
        %mul3A_58 = arith.muli %mul3A_57, %scan3A_55 : i32
        %add3A_59 = arith.constant 1 : i32
        %add3A_60 = arith.addi %mul3A_58, %add3A_59 : i32
        %dma_wait3A = arith.constant 0 : i32
        %dma_wait3A_61 = tpu.memref_slice %arg6[%mul3A_58, %dma_wait3A] : memref<8x125xi32, #tpu.memory_space<vmem>> -> memref<1x125xi32, #tpu.memory_space<vmem>>
        %dma_wait3A_62 = tpu.memref_squeeze %dma_wait3A_61 : memref<1x125xi32, #tpu.memory_space<vmem>> -> memref<125xi32, #tpu.memory_space<vmem>>
        %dma_wait3A_63 = arith.constant 0 : i32
        %dma_wait3A_64 = arith.constant 0 : i32
        %dma_wait3A_65 = tpu.memref_slice %arg2[%dma_wait3A_63, %dma_wait3A_64] : memref<10240x128xf32, #tpu.memory_space<hbm>> -> memref<10240x128xf32, #tpu.memory_space<hbm>>
        tpu.wait_indirect_dma semaphore(%arg11 : memref<!tpu.dma_semaphore, #tpu.memory_space<semaphore_mem>>) src(%dma_wait3A_65 : memref<10240x128xf32, #tpu.memory_space<hbm>>) dst(%arg8 : memref<125x128xf32, #tpu.memory_space<vmem>>)
        "tpu.region"() ({
          %run_scoped3A = tpu.sem_alloc : memref<!tpu.dma_semaphore, #tpu.memory_space<semaphore_mem>>
          %dma_start3A_84 = arith.constant 0 : i32
          %dma_start3A_85 = tpu.memref_slice %arg7[%mul3A_58, %dma_start3A_84] : memref<8x125xi32, #tpu.memory_space<vmem>> -> memref<1x125xi32, #tpu.memory_space<vmem>>
          %dma_start3A_86 = tpu.memref_squeeze %dma_start3A_85 : memref<1x125xi32, #tpu.memory_space<vmem>> -> memref<125xi32, #tpu.memory_space<vmem>>
          %dma_start3A_87 = arith.constant 0 : i32
          %dma_start3A_88 = arith.constant 0 : i32
          %dma_start3A_89 = tpu.memref_slice %arg10[%dma_start3A_87, %dma_start3A_88] : memref<10240x128xf32, #tpu.memory_space<vmem_shared>> -> memref<10240x128xf32, #tpu.memory_space<vmem_shared>>
          tpu.enqueue_indirect_dma source(%arg8 : memref<125x128xf32, #tpu.memory_space<vmem>>) target(%dma_start3A_89 : memref<10240x128xf32, #tpu.memory_space<vmem_shared>>) offsets(%dma_start3A_86 : memref<125xi32, #tpu.memory_space<vmem>>) semaphore(%run_scoped3A : memref<!tpu.dma_semaphore, #tpu.memory_space<semaphore_mem>>) {add = true}
          %dma_wait3A_90 = arith.constant 0 : i32
          %dma_wait3A_91 = tpu.memref_slice %arg7[%mul3A_58, %dma_wait3A_90] : memref<8x125xi32, #tpu.memory_space<vmem>> -> memref<1x125xi32, #tpu.memory_space<vmem>>
          %dma_wait3A_92 = tpu.memref_squeeze %dma_wait3A_91 : memref<1x125xi32, #tpu.memory_space<vmem>> -> memref<125xi32, #tpu.memory_space<vmem>>
          %dma_wait3A_93 = arith.constant 0 : i32
          %dma_wait3A_94 = arith.constant 0 : i32
          %dma_wait3A_95 = tpu.memref_slice %arg10[%dma_wait3A_93, %dma_wait3A_94] : memref<10240x128xf32, #tpu.memory_space<vmem_shared>> -> memref<10240x128xf32, #tpu.memory_space<vmem_shared>>
          tpu.wait_indirect_dma semaphore(%run_scoped3A : memref<!tpu.dma_semaphore, #tpu.memory_space<semaphore_mem>>) src(%arg8 : memref<125x128xf32, #tpu.memory_space<vmem>>) dst(%dma_wait3A_95 : memref<10240x128xf32, #tpu.memory_space<vmem_shared>>)
          tpu.yield
        }) : () -> ()
        %add3A_66 = arith.constant 2 : i32
        %add3A_67 = arith.addi %mul3A_58, %add3A_66 : i32
        %lt3A = arith.constant 8 : i32
        %lt3A_68 = arith.cmpi slt, %add3A_67, %lt3A : i32
        %convert_element_type3A = arith.extui %lt3A_68 : i1 to i32
        %cond3A = arith.constant 0 : i32
        %cond3A_69 = arith.cmpi ne, %convert_element_type3A, %cond3A : i32
        scf.if %cond3A_69 {
          %add3A_84 = arith.constant 2 : i32
          %add3A_85 = arith.addi %mul3A_58, %add3A_84 : i32
          %dma_start3A_86 = arith.constant 0 : i32
          %dma_start3A_87 = tpu.memref_slice %arg6[%add3A_85, %dma_start3A_86] : memref<8x125xi32, #tpu.memory_space<vmem>> -> memref<1x125xi32, #tpu.memory_space<vmem>>
          %dma_start3A_88 = tpu.memref_squeeze %dma_start3A_87 : memref<1x125xi32, #tpu.memory_space<vmem>> -> memref<125xi32, #tpu.memory_space<vmem>>
          %dma_start3A_89 = arith.constant 0 : i32
          %dma_start3A_90 = arith.constant 0 : i32
          %dma_start3A_91 = tpu.memref_slice %arg2[%dma_start3A_89, %dma_start3A_90] : memref<10240x128xf32, #tpu.memory_space<hbm>> -> memref<10240x128xf32, #tpu.memory_space<hbm>>
          tpu.enqueue_indirect_dma source(%dma_start3A_91 : memref<10240x128xf32, #tpu.memory_space<hbm>>) target(%arg8 : memref<125x128xf32, #tpu.memory_space<vmem>>) offsets(%dma_start3A_88 : memref<125xi32, #tpu.memory_space<vmem>>) semaphore(%arg11 : memref<!tpu.dma_semaphore, #tpu.memory_space<semaphore_mem>>)
        } else {
        }
        %dma_wait3A_70 = arith.constant 0 : i32
        %dma_wait3A_71 = tpu.memref_slice %arg6[%add3A_60, %dma_wait3A_70] : memref<8x125xi32, #tpu.memory_space<vmem>> -> memref<1x125xi32, #tpu.memory_space<vmem>>
        %dma_wait3A_72 = tpu.memref_squeeze %dma_wait3A_71 : memref<1x125xi32, #tpu.memory_space<vmem>> -> memref<125xi32, #tpu.memory_space<vmem>>
        %dma_wait3A_73 = arith.constant 0 : i32
        %dma_wait3A_74 = arith.constant 0 : i32
        %dma_wait3A_75 = tpu.memref_slice %arg2[%dma_wait3A_73, %dma_wait3A_74] : memref<10240x128xf32, #tpu.memory_space<hbm>> -> memref<10240x128xf32, #tpu.memory_space<hbm>>
        tpu.wait_indirect_dma semaphore(%arg12 : memref<!tpu.dma_semaphore, #tpu.memory_space<semaphore_mem>>) src(%dma_wait3A_75 : memref<10240x128xf32, #tpu.memory_space<hbm>>) dst(%arg9 : memref<125x128xf32, #tpu.memory_space<vmem>>)
        "tpu.region"() ({
          %run_scoped3A = tpu.sem_alloc : memref<!tpu.dma_semaphore, #tpu.memory_space<semaphore_mem>>
          %dma_start3A_84 = arith.constant 0 : i32
          %dma_start3A_85 = tpu.memref_slice %arg7[%add3A_60, %dma_start3A_84] : memref<8x125xi32, #tpu.memory_space<vmem>> -> memref<1x125xi32, #tpu.memory_space<vmem>>
          %dma_start3A_86 = tpu.memref_squeeze %dma_start3A_85 : memref<1x125xi32, #tpu.memory_space<vmem>> -> memref<125xi32, #tpu.memory_space<vmem>>
          %dma_start3A_87 = arith.constant 0 : i32
          %dma_start3A_88 = arith.constant 0 : i32
          %dma_start3A_89 = tpu.memref_slice %arg10[%dma_start3A_87, %dma_start3A_88] : memref<10240x128xf32, #tpu.memory_space<vmem_shared>> -> memref<10240x128xf32, #tpu.memory_space<vmem_shared>>
          tpu.enqueue_indirect_dma source(%arg9 : memref<125x128xf32, #tpu.memory_space<vmem>>) target(%dma_start3A_89 : memref<10240x128xf32, #tpu.memory_space<vmem_shared>>) offsets(%dma_start3A_86 : memref<125xi32, #tpu.memory_space<vmem>>) semaphore(%run_scoped3A : memref<!tpu.dma_semaphore, #tpu.memory_space<semaphore_mem>>) {add = true}
          %dma_wait3A_90 = arith.constant 0 : i32
          %dma_wait3A_91 = tpu.memref_slice %arg7[%add3A_60, %dma_wait3A_90] : memref<8x125xi32, #tpu.memory_space<vmem>> -> memref<1x125xi32, #tpu.memory_space<vmem>>
          %dma_wait3A_92 = tpu.memref_squeeze %dma_wait3A_91 : memref<1x125xi32, #tpu.memory_space<vmem>> -> memref<125xi32, #tpu.memory_space<vmem>>
          %dma_wait3A_93 = arith.constant 0 : i32
          %dma_wait3A_94 = arith.constant 0 : i32
          %dma_wait3A_95 = tpu.memref_slice %arg10[%dma_wait3A_93, %dma_wait3A_94] : memref<10240x128xf32, #tpu.memory_space<vmem_shared>> -> memref<10240x128xf32, #tpu.memory_space<vmem_shared>>
          tpu.wait_indirect_dma semaphore(%run_scoped3A : memref<!tpu.dma_semaphore, #tpu.memory_space<semaphore_mem>>) src(%arg9 : memref<125x128xf32, #tpu.memory_space<vmem>>) dst(%dma_wait3A_95 : memref<10240x128xf32, #tpu.memory_space<vmem_shared>>)
          tpu.yield
        }) : () -> ()
        %add3A_76 = arith.constant 2 : i32
        %add3A_77 = arith.addi %add3A_60, %add3A_76 : i32
        %lt3A_78 = arith.constant 8 : i32
        %lt3A_79 = arith.cmpi slt, %add3A_77, %lt3A_78 : i32
        %convert_element_type3A_80 = arith.extui %lt3A_79 : i1 to i32
        %cond3A_81 = arith.constant 0 : i32
        %cond3A_82 = arith.cmpi ne, %convert_element_type3A_80, %cond3A_81 : i32
        scf.if %cond3A_82 {
          %add3A_84 = arith.constant 2 : i32
          %add3A_85 = arith.addi %add3A_60, %add3A_84 : i32
          %dma_start3A_86 = arith.constant 0 : i32
          %dma_start3A_87 = tpu.memref_slice %arg6[%add3A_85, %dma_start3A_86] : memref<8x125xi32, #tpu.memory_space<vmem>> -> memref<1x125xi32, #tpu.memory_space<vmem>>
          %dma_start3A_88 = tpu.memref_squeeze %dma_start3A_87 : memref<1x125xi32, #tpu.memory_space<vmem>> -> memref<125xi32, #tpu.memory_space<vmem>>
          %dma_start3A_89 = arith.constant 0 : i32
          %dma_start3A_90 = arith.constant 0 : i32
          %dma_start3A_91 = tpu.memref_slice %arg2[%dma_start3A_89, %dma_start3A_90] : memref<10240x128xf32, #tpu.memory_space<hbm>> -> memref<10240x128xf32, #tpu.memory_space<hbm>>
          tpu.enqueue_indirect_dma source(%dma_start3A_91 : memref<10240x128xf32, #tpu.memory_space<hbm>>) target(%arg9 : memref<125x128xf32, #tpu.memory_space<vmem>>) offsets(%dma_start3A_88 : memref<125xi32, #tpu.memory_space<vmem>>) semaphore(%arg12 : memref<!tpu.dma_semaphore, #tpu.memory_space<semaphore_mem>>)
        } else {
        }
        %scan3A_83 = arith.constant 0 : i32
        scf.yield %scan3A_83 : i32
      }
      %scan3A_53 = arith.constant 4 : i32
      %scan3A_54 = arith.constant 0 : i32
      scf.yield %scan3A_54 : i32
    }
    %scan3A_23 = arith.constant 10 : i32
    %barrier3A_24 = arith.constant 0 : index
    tpu.barrier barrier_id(%barrier3A_24)
    %scan3A_25 = arith.constant 0 : i32
    %scan3A_26 = arith.constant 0 : i32
    %scan3A_27 = arith.constant 8 : i32
    %scan3A_28 = arith.addi %scan3A_26, %scan3A_27 : i32
    %scan3A_29 = arith.constant 1 : i32
    %scan3A_30 = scf.for %scan3A_32 = %scan3A_26 to %scan3A_28 step %scan3A_29 iter_args(%scan3A_33 = %scan3A_25) -> (i32)  : i32 {
      %mul3A_34 = arith.constant 80 : i32
      %mul3A_35 = arith.muli %scan3A_32, %mul3A_34 : i32
      %add3A_36 = arith.addi %mul3A_9, %mul3A_35 : i32
      %mul3A_37 = arith.constant 80 : i32
      %mul3A_38 = arith.muli %scan3A_32, %mul3A_37 : i32
      %add3A_39 = arith.addi %mul3A_9, %mul3A_38 : i32
      "tpu.region"() ({
        %run_scoped3A = tpu.sem_alloc : memref<!tpu.dma_semaphore, #tpu.memory_space<semaphore_mem>>
        %dma_start3A = arith.constant 0 : i32
        %dma_start3A_41 = tpu.memref_slice %arg5[%arg0, %add3A_39, %dma_start3A] : memref<2x10240x128xf32, #tpu.memory_space<hbm>> -> memref<1x80x128xf32, #tpu.memory_space<hbm>>
        %dma_start3A_42 = tpu.memref_squeeze %dma_start3A_41 : memref<1x80x128xf32, #tpu.memory_space<hbm>> -> memref<80x128xf32, #tpu.memory_space<hbm>>
        %dma_start3A_43 = arith.constant 0 : i32
        %dma_start3A_44 = tpu.memref_slice %arg10[%add3A_36, %dma_start3A_43] : memref<10240x128xf32, #tpu.memory_space<vmem_shared>> -> memref<80x128xf32, #tpu.memory_space<vmem_shared>>
        tpu.enqueue_dma source(%dma_start3A_44 : memref<80x128xf32, #tpu.memory_space<vmem_shared>>) target(%dma_start3A_42 : memref<80x128xf32, #tpu.memory_space<hbm>>) target_semaphore(%run_scoped3A : memref<!tpu.dma_semaphore, #tpu.memory_space<semaphore_mem>>)
        %dma_wait3A = arith.constant 0 : i32
        %dma_wait3A_45 = tpu.memref_slice %arg5[%arg0, %add3A_39, %dma_wait3A] : memref<2x10240x128xf32, #tpu.memory_space<hbm>> -> memref<1x80x128xf32, #tpu.memory_space<hbm>>
        %dma_wait3A_46 = tpu.memref_squeeze %dma_wait3A_45 : memref<1x80x128xf32, #tpu.memory_space<hbm>> -> memref<80x128xf32, #tpu.memory_space<hbm>>
        %dma_wait3A_47 = arith.constant 0 : i32
        %dma_wait3A_48 = tpu.memref_slice %arg10[%add3A_36, %dma_wait3A_47] : memref<10240x128xf32, #tpu.memory_space<vmem_shared>> -> memref<80x128xf32, #tpu.memory_space<vmem_shared>>
        tpu.wait_dma2 semaphore(%run_scoped3A : memref<!tpu.dma_semaphore, #tpu.memory_space<semaphore_mem>>) src(%dma_wait3A_48 : memref<80x128xf32, #tpu.memory_space<vmem_shared>>) dst(%dma_wait3A_46 : memref<80x128xf32, #tpu.memory_space<hbm>>)
        tpu.yield
      }) : () -> ()
      %scan3A_40 = arith.constant 0 : i32
      scf.yield %scan3A_40 : i32
    }
    %scan3A_31 = arith.constant 8 : i32
    return
  }
}

#map = affine_map<(d0, d1) -> (0, 0, 0)>
#map1 = affine_map<(d0, d1) -> (0)>
module attributes {stable_mosaic.version = 14 : i64} {
  func.func @_deg_kernel(%arg0: i32, %arg1: i32, %arg2: memref<32x125x80xi32, #tpu.memory_space<hbm>>, %arg3: memref<32x125x80xi32, #tpu.memory_space<hbm>>, %arg4: memref<20480xf32, #tpu.memory_space<hbm>>, %arg5: memref<20480xf32, #tpu.memory_space<hbm>>, %arg6: memref<125x80xi32, #tpu.memory_space<vmem>>, %arg7: memref<125x80xi32, #tpu.memory_space<vmem>>, %arg8: memref<125x80xf32, #tpu.memory_space<vmem>>, %arg9: memref<80xf32, #tpu.memory_space<vmem>>, %arg10: memref<640xf32, #tpu.memory_space<vmem>>, %arg11: memref<10240xf32, #tpu.memory_space<vmem_shared>>, %arg12: memref<10240xf32, #tpu.memory_space<vmem_shared>>, %arg13: memref<!tpu.dma_semaphore, #tpu.memory_space<semaphore_mem>>) attributes {dimension_semantics = [#tpu.dimension_semantics<core_parallel>, #tpu.dimension_semantics<subcore_parallel>], iteration_bounds = array<i64: 2, 16>, scalar_prefetch = 0 : i64, scratch_operands = 8 : i64, tpu.core_type = #tpu.core_type<sc_vector_subcore>, window_params = [{transform_indices = #map}, {transform_indices = #map}, {transform_indices = #map1}, {transform_indices = #map1}]} {
    %mul3A = arith.constant 2 : i32
    %mul3A_0 = arith.muli %arg1, %mul3A : i32
    %add3A = arith.addi %mul3A_0, %arg0 : i32
    %broadcast_in_dim3A = arith.constant 1.000000e+00 : f32
    %broadcast_in_dim3A_1 = vector.broadcast %broadcast_in_dim3A : f32 to vector<16xf32>
    %broadcast_in_dim3A_2 = arith.constant 0.000000e+00 : f32
    %broadcast_in_dim3A_3 = vector.broadcast %broadcast_in_dim3A_2 : f32 to vector<16xf32>
    %swap3A = arith.constant 0 : index
    %swap3A_4 = tpu.vector_load %arg9[%swap3A] {strides = array<i32>} : memref<80xf32, #tpu.memory_space<vmem>>, vector<16xf32>,
    %swap3A_5 = vector.shape_cast %swap3A_4 : vector<16xf32> to vector<16xf32>
    %swap3A_6 = vector.shape_cast %broadcast_in_dim3A_1 : vector<16xf32> to vector<16xf32>
    tpu.vector_store %arg9[%swap3A], %swap3A_6 {strides = array<i32>} : memref<80xf32, #tpu.memory_space<vmem>>, vector<16xf32>,
    %swap3A_7 = arith.constant 16 : index
    %swap3A_8 = tpu.vector_load %arg9[%swap3A_7] {strides = array<i32>} : memref<80xf32, #tpu.memory_space<vmem>>, vector<16xf32>,
    %swap3A_9 = vector.shape_cast %swap3A_8 : vector<16xf32> to vector<16xf32>
    %swap3A_10 = vector.shape_cast %broadcast_in_dim3A_1 : vector<16xf32> to vector<16xf32>
    tpu.vector_store %arg9[%swap3A_7], %swap3A_10 {strides = array<i32>} : memref<80xf32, #tpu.memory_space<vmem>>, vector<16xf32>,
    %swap3A_11 = arith.constant 32 : index
    %swap3A_12 = tpu.vector_load %arg9[%swap3A_11] {strides = array<i32>} : memref<80xf32, #tpu.memory_space<vmem>>, vector<16xf32>,
    %swap3A_13 = vector.shape_cast %swap3A_12 : vector<16xf32> to vector<16xf32>
    %swap3A_14 = vector.shape_cast %broadcast_in_dim3A_1 : vector<16xf32> to vector<16xf32>
    tpu.vector_store %arg9[%swap3A_11], %swap3A_14 {strides = array<i32>} : memref<80xf32, #tpu.memory_space<vmem>>, vector<16xf32>,
    %swap3A_15 = arith.constant 48 : index
    %swap3A_16 = tpu.vector_load %arg9[%swap3A_15] {strides = array<i32>} : memref<80xf32, #tpu.memory_space<vmem>>, vector<16xf32>,
    %swap3A_17 = vector.shape_cast %swap3A_16 : vector<16xf32> to vector<16xf32>
    %swap3A_18 = vector.shape_cast %broadcast_in_dim3A_1 : vector<16xf32> to vector<16xf32>
    tpu.vector_store %arg9[%swap3A_15], %swap3A_18 {strides = array<i32>} : memref<80xf32, #tpu.memory_space<vmem>>, vector<16xf32>,
    %swap3A_19 = arith.constant 64 : index
    %swap3A_20 = tpu.vector_load %arg9[%swap3A_19] {strides = array<i32>} : memref<80xf32, #tpu.memory_space<vmem>>, vector<16xf32>,
    %swap3A_21 = vector.shape_cast %swap3A_20 : vector<16xf32> to vector<16xf32>
    %swap3A_22 = vector.shape_cast %broadcast_in_dim3A_1 : vector<16xf32> to vector<16xf32>
    tpu.vector_store %arg9[%swap3A_19], %swap3A_22 {strides = array<i32>} : memref<80xf32, #tpu.memory_space<vmem>>, vector<16xf32>,
    %scan3A = arith.constant 0 : i32
    %scan3A_23 = arith.constant 0 : i32
    %scan3A_24 = arith.constant 40 : i32
    %scan3A_25 = arith.addi %scan3A_23, %scan3A_24 : i32
    %scan3A_26 = arith.constant 1 : i32
    %scan3A_27 = scf.for %scan3A_52 = %scan3A_23 to %scan3A_25 step %scan3A_26 iter_args(%scan3A_53 = %scan3A) -> (i32)  : i32 {
      %mul3A_54 = arith.constant 16 : i32
      %mul3A_55 = arith.muli %scan3A_52, %mul3A_54 : i32
      %swap3A_56 = arith.index_cast %mul3A_55 : i32 to index
      %swap3A_57 = tpu.vector_load %arg10[%swap3A_56] {strides = array<i32>} : memref<640xf32, #tpu.memory_space<vmem>>, vector<16xf32>,
      %swap3A_58 = vector.shape_cast %swap3A_57 : vector<16xf32> to vector<16xf32>
      %swap3A_59 = vector.shape_cast %broadcast_in_dim3A_3 : vector<16xf32> to vector<16xf32>
      tpu.vector_store %arg10[%swap3A_56], %swap3A_59 {strides = array<i32>} : memref<640xf32, #tpu.memory_space<vmem>>, vector<16xf32>,
      %scan3A_60 = arith.constant 0 : i32
      scf.yield %scan3A_60 : i32
    }
    %scan3A_28 = arith.constant 40 : i32
    %mul3A_29 = arith.constant 640 : i32
    %mul3A_30 = arith.muli %arg1, %mul3A_29 : i32
    "tpu.region"() ({
      %run_scoped3A = tpu.sem_alloc : memref<!tpu.dma_semaphore, #tpu.memory_space<semaphore_mem>>
      %dma_start3A = tpu.memref_slice %arg11[%mul3A_30] : memref<10240xf32, #tpu.memory_space<vmem_shared>> -> memref<640xf32, #tpu.memory_space<vmem_shared>>
      %dma_start3A_52 = tpu.memref_slice %arg11[%mul3A_30] : memref<10240xf32, #tpu.memory_space<vmem_shared>> -> memref<640xf32, #tpu.memory_space<vmem_shared>>
      tpu.enqueue_dma source(%arg10 : memref<640xf32, #tpu.memory_space<vmem>>) target(%dma_start3A_52 : memref<640xf32, #tpu.memory_space<vmem_shared>>) target_semaphore(%run_scoped3A : memref<!tpu.dma_semaphore, #tpu.memory_space<semaphore_mem>>)
      %dma_wait3A = tpu.memref_slice %arg11[%mul3A_30] : memref<10240xf32, #tpu.memory_space<vmem_shared>> -> memref<640xf32, #tpu.memory_space<vmem_shared>>
      %dma_wait3A_53 = tpu.memref_slice %arg11[%mul3A_30] : memref<10240xf32, #tpu.memory_space<vmem_shared>> -> memref<640xf32, #tpu.memory_space<vmem_shared>>
      tpu.wait_dma2 semaphore(%run_scoped3A : memref<!tpu.dma_semaphore, #tpu.memory_space<semaphore_mem>>) src(%arg10 : memref<640xf32, #tpu.memory_space<vmem>>) dst(%dma_wait3A_53 : memref<640xf32, #tpu.memory_space<vmem_shared>>)
      tpu.yield
    }) : () -> ()
    "tpu.region"() ({
      %run_scoped3A = tpu.sem_alloc : memref<!tpu.dma_semaphore, #tpu.memory_space<semaphore_mem>>
      %dma_start3A = tpu.memref_slice %arg12[%mul3A_30] : memref<10240xf32, #tpu.memory_space<vmem_shared>> -> memref<640xf32, #tpu.memory_space<vmem_shared>>
      %dma_start3A_52 = tpu.memref_slice %arg12[%mul3A_30] : memref<10240xf32, #tpu.memory_space<vmem_shared>> -> memref<640xf32, #tpu.memory_space<vmem_shared>>
      tpu.enqueue_dma source(%arg10 : memref<640xf32, #tpu.memory_space<vmem>>) target(%dma_start3A_52 : memref<640xf32, #tpu.memory_space<vmem_shared>>) target_semaphore(%run_scoped3A : memref<!tpu.dma_semaphore, #tpu.memory_space<semaphore_mem>>)
      %dma_wait3A = tpu.memref_slice %arg12[%mul3A_30] : memref<10240xf32, #tpu.memory_space<vmem_shared>> -> memref<640xf32, #tpu.memory_space<vmem_shared>>
      %dma_wait3A_53 = tpu.memref_slice %arg12[%mul3A_30] : memref<10240xf32, #tpu.memory_space<vmem_shared>> -> memref<640xf32, #tpu.memory_space<vmem_shared>>
      tpu.wait_dma2 semaphore(%run_scoped3A : memref<!tpu.dma_semaphore, #tpu.memory_space<semaphore_mem>>) src(%arg10 : memref<640xf32, #tpu.memory_space<vmem>>) dst(%dma_wait3A_53 : memref<640xf32, #tpu.memory_space<vmem_shared>>)
      tpu.yield
    }) : () -> ()
    %barrier3A = arith.constant 0 : index
    tpu.barrier barrier_id(%barrier3A)
    "tpu.region"() ({
      %run_scoped3A = tpu.sem_alloc : memref<!tpu.dma_semaphore, #tpu.memory_space<semaphore_mem>>
      %dma_start3A = arith.constant 0 : i32
      %dma_start3A_52 = arith.constant 0 : i32
      %dma_start3A_53 = tpu.memref_slice %arg2[%add3A, %dma_start3A, %dma_start3A_52] : memref<32x125x80xi32, #tpu.memory_space<hbm>> -> memref<1x125x80xi32, #tpu.memory_space<hbm>>
      %dma_start3A_54 = tpu.memref_squeeze %dma_start3A_53 : memref<1x125x80xi32, #tpu.memory_space<hbm>> -> memref<125x80xi32, #tpu.memory_space<hbm>>
      %dma_start3A_55 = arith.constant 0 : i32
      %dma_start3A_56 = arith.constant 0 : i32
      %dma_start3A_57 = tpu.memref_slice %arg2[%add3A, %dma_start3A_55, %dma_start3A_56] : memref<32x125x80xi32, #tpu.memory_space<hbm>> -> memref<1x125x80xi32, #tpu.memory_space<hbm>>
      %dma_start3A_58 = tpu.memref_squeeze %dma_start3A_57 : memref<1x125x80xi32, #tpu.memory_space<hbm>> -> memref<125x80xi32, #tpu.memory_space<hbm>>
      tpu.enqueue_dma source(%dma_start3A_58 : memref<125x80xi32, #tpu.memory_space<hbm>>) target(%arg6 : memref<125x80xi32, #tpu.memory_space<vmem>>) target_semaphore(%run_scoped3A : memref<!tpu.dma_semaphore, #tpu.memory_space<semaphore_mem>>)
      %dma_wait3A = arith.constant 0 : i32
      %dma_wait3A_59 = arith.constant 0 : i32
      %dma_wait3A_60 = tpu.memref_slice %arg2[%add3A, %dma_wait3A, %dma_wait3A_59] : memref<32x125x80xi32, #tpu.memory_space<hbm>> -> memref<1x125x80xi32, #tpu.memory_space<hbm>>
      %dma_wait3A_61 = tpu.memref_squeeze %dma_wait3A_60 : memref<1x125x80xi32, #tpu.memory_space<hbm>> -> memref<125x80xi32, #tpu.memory_space<hbm>>
      %dma_wait3A_62 = arith.constant 0 : i32
      %dma_wait3A_63 = arith.constant 0 : i32
      %dma_wait3A_64 = tpu.memref_slice %arg2[%add3A, %dma_wait3A_62, %dma_wait3A_63] : memref<32x125x80xi32, #tpu.memory_space<hbm>> -> memref<1x125x80xi32, #tpu.memory_space<hbm>>
      %dma_wait3A_65 = tpu.memref_squeeze %dma_wait3A_64 : memref<1x125x80xi32, #tpu.memory_space<hbm>> -> memref<125x80xi32, #tpu.memory_space<hbm>>
      tpu.wait_dma2 semaphore(%run_scoped3A : memref<!tpu.dma_semaphore, #tpu.memory_space<semaphore_mem>>) src(%dma_wait3A_65 : memref<125x80xi32, #tpu.memory_space<hbm>>) dst(%arg6 : memref<125x80xi32, #tpu.memory_space<vmem>>)
      tpu.yield
    }) : () -> ()
    "tpu.region"() ({
      %run_scoped3A = tpu.sem_alloc : memref<!tpu.dma_semaphore, #tpu.memory_space<semaphore_mem>>
      %dma_start3A = arith.constant 0 : i32
      %dma_start3A_52 = arith.constant 0 : i32
      %dma_start3A_53 = tpu.memref_slice %arg3[%add3A, %dma_start3A, %dma_start3A_52] : memref<32x125x80xi32, #tpu.memory_space<hbm>> -> memref<1x125x80xi32, #tpu.memory_space<hbm>>
      %dma_start3A_54 = tpu.memref_squeeze %dma_start3A_53 : memref<1x125x80xi32, #tpu.memory_space<hbm>> -> memref<125x80xi32, #tpu.memory_space<hbm>>
      %dma_start3A_55 = arith.constant 0 : i32
      %dma_start3A_56 = arith.constant 0 : i32
      %dma_start3A_57 = tpu.memref_slice %arg3[%add3A, %dma_start3A_55, %dma_start3A_56] : memref<32x125x80xi32, #tpu.memory_space<hbm>> -> memref<1x125x80xi32, #tpu.memory_space<hbm>>
      %dma_start3A_58 = tpu.memref_squeeze %dma_start3A_57 : memref<1x125x80xi32, #tpu.memory_space<hbm>> -> memref<125x80xi32, #tpu.memory_space<hbm>>
      tpu.enqueue_dma source(%dma_start3A_58 : memref<125x80xi32, #tpu.memory_space<hbm>>) target(%arg7 : memref<125x80xi32, #tpu.memory_space<vmem>>) target_semaphore(%run_scoped3A : memref<!tpu.dma_semaphore, #tpu.memory_space<semaphore_mem>>)
      %dma_wait3A = arith.constant 0 : i32
      %dma_wait3A_59 = arith.constant 0 : i32
      %dma_wait3A_60 = tpu.memref_slice %arg3[%add3A, %dma_wait3A, %dma_wait3A_59] : memref<32x125x80xi32, #tpu.memory_space<hbm>> -> memref<1x125x80xi32, #tpu.memory_space<hbm>>
      %dma_wait3A_61 = tpu.memref_squeeze %dma_wait3A_60 : memref<1x125x80xi32, #tpu.memory_space<hbm>> -> memref<125x80xi32, #tpu.memory_space<hbm>>
      %dma_wait3A_62 = arith.constant 0 : i32
      %dma_wait3A_63 = arith.constant 0 : i32
      %dma_wait3A_64 = tpu.memref_slice %arg3[%add3A, %dma_wait3A_62, %dma_wait3A_63] : memref<32x125x80xi32, #tpu.memory_space<hbm>> -> memref<1x125x80xi32, #tpu.memory_space<hbm>>
      %dma_wait3A_65 = tpu.memref_squeeze %dma_wait3A_64 : memref<1x125x80xi32, #tpu.memory_space<hbm>> -> memref<125x80xi32, #tpu.memory_space<hbm>>
      tpu.wait_dma2 semaphore(%run_scoped3A : memref<!tpu.dma_semaphore, #tpu.memory_space<semaphore_mem>>) src(%dma_wait3A_65 : memref<125x80xi32, #tpu.memory_space<hbm>>) dst(%arg7 : memref<125x80xi32, #tpu.memory_space<vmem>>)
      tpu.yield
    }) : () -> ()
    %scan3A_31 = arith.constant 0 : i32
    %scan3A_32 = arith.constant 0 : i32
    %scan3A_33 = arith.constant 125 : i32
    %scan3A_34 = arith.addi %scan3A_32, %scan3A_33 : i32
    %scan3A_35 = arith.constant 1 : i32
    %scan3A_36 = scf.for %scan3A_52 = %scan3A_32 to %scan3A_34 step %scan3A_35 iter_args(%scan3A_53 = %scan3A_31) -> (i32)  : i32 {
      %get3A = arith.index_cast %scan3A_52 : i32 to index
      %get3A_54 = arith.constant 0 : index
      %get3A_55 = tpu.vector_load %arg6[%get3A, %get3A_54] {strides = array<i32>} : memref<125x80xi32, #tpu.memory_space<vmem>>, vector<1x16xi32>,
      %get3A_56 = vector.shape_cast %get3A_55 : vector<1x16xi32> to vector<16xi32>
      %get3A_57 = arith.index_cast %scan3A_52 : i32 to index
      %get3A_58 = arith.constant 0 : index
      %get3A_59 = tpu.vector_load %arg7[%get3A_57, %get3A_58] {strides = array<i32>} : memref<125x80xi32, #tpu.memory_space<vmem>>, vector<1x16xi32>,
      %get3A_60 = vector.shape_cast %get3A_59 : vector<1x16xi32> to vector<16xi32>
      %eq3A = arith.cmpi eq, %get3A_56, %get3A_60 : vector<16xi32>
      %jit3A = arith.constant 1.000000e+00 : f32
      %jit3A_61 = arith.constant 0.000000e+00 : f32
      %broadcast_in_dim3A_62 = vector.broadcast %jit3A : f32 to vector<16xf32>
      %broadcast_in_dim3A_63 = vector.broadcast %jit3A_61 : f32 to vector<16xf32>
      %select_n3A = arith.select %eq3A, %broadcast_in_dim3A_62, %broadcast_in_dim3A_63 : vector<16xi1>, vector<16xf32>
      %swap3A_64 = arith.index_cast %scan3A_52 : i32 to index
      %swap3A_65 = arith.constant 0 : index
      %swap3A_66 = tpu.vector_load %arg8[%swap3A_64, %swap3A_65] {strides = array<i32>} : memref<125x80xf32, #tpu.memory_space<vmem>>, vector<1x16xf32>,
      %swap3A_67 = vector.shape_cast %swap3A_66 : vector<1x16xf32> to vector<16xf32>
      %swap3A_68 = vector.shape_cast %select_n3A : vector<16xf32> to vector<1x16xf32>
      tpu.vector_store %arg8[%swap3A_64, %swap3A_65], %swap3A_68 {strides = array<i32>} : memref<125x80xf32, #tpu.memory_space<vmem>>, vector<1x16xf32>,
      %get3A_69 = arith.index_cast %scan3A_52 : i32 to index
      %get3A_70 = arith.constant 16 : index
      %get3A_71 = tpu.vector_load %arg6[%get3A_69, %get3A_70] {strides = array<i32>} : memref<125x80xi32, #tpu.memory_space<vmem>>, vector<1x16xi32>,
      %get3A_72 = vector.shape_cast %get3A_71 : vector<1x16xi32> to vector<16xi32>
      %get3A_73 = arith.index_cast %scan3A_52 : i32 to index
      %get3A_74 = arith.constant 16 : index
      %get3A_75 = tpu.vector_load %arg7[%get3A_73, %get3A_74] {strides = array<i32>} : memref<125x80xi32, #tpu.memory_space<vmem>>, vector<1x16xi32>,
      %get3A_76 = vector.shape_cast %get3A_75 : vector<1x16xi32> to vector<16xi32>
      %eq3A_77 = arith.cmpi eq, %get3A_72, %get3A_76 : vector<16xi32>
      %jit3A_78 = arith.constant 1.000000e+00 : f32
      %jit3A_79 = arith.constant 0.000000e+00 : f32
      %broadcast_in_dim3A_80 = vector.broadcast %jit3A_78 : f32 to vector<16xf32>
      %broadcast_in_dim3A_81 = vector.broadcast %jit3A_79 : f32 to vector<16xf32>
      %select_n3A_82 = arith.select %eq3A_77, %broadcast_in_dim3A_80, %broadcast_in_dim3A_81 : vector<16xi1>, vector<16xf32>
      %swap3A_83 = arith.index_cast %scan3A_52 : i32 to index
      %swap3A_84 = arith.constant 16 : index
      %swap3A_85 = tpu.vector_load %arg8[%swap3A_83, %swap3A_84] {strides = array<i32>} : memref<125x80xf32, #tpu.memory_space<vmem>>, vector<1x16xf32>,
      %swap3A_86 = vector.shape_cast %swap3A_85 : vector<1x16xf32> to vector<16xf32>
      %swap3A_87 = vector.shape_cast %select_n3A_82 : vector<16xf32> to vector<1x16xf32>
      tpu.vector_store %arg8[%swap3A_83, %swap3A_84], %swap3A_87 {strides = array<i32>} : memref<125x80xf32, #tpu.memory_space<vmem>>, vector<1x16xf32>,
      %get3A_88 = arith.index_cast %scan3A_52 : i32 to index
      %get3A_89 = arith.constant 32 : index
      %get3A_90 = tpu.vector_load %arg6[%get3A_88, %get3A_89] {strides = array<i32>} : memref<125x80xi32, #tpu.memory_space<vmem>>, vector<1x16xi32>,
      %get3A_91 = vector.shape_cast %get3A_90 : vector<1x16xi32> to vector<16xi32>
      %get3A_92 = arith.index_cast %scan3A_52 : i32 to index
      %get3A_93 = arith.constant 32 : index
      %get3A_94 = tpu.vector_load %arg7[%get3A_92, %get3A_93] {strides = array<i32>} : memref<125x80xi32, #tpu.memory_space<vmem>>, vector<1x16xi32>,
      %get3A_95 = vector.shape_cast %get3A_94 : vector<1x16xi32> to vector<16xi32>
      %eq3A_96 = arith.cmpi eq, %get3A_91, %get3A_95 : vector<16xi32>
      %jit3A_97 = arith.constant 1.000000e+00 : f32
      %jit3A_98 = arith.constant 0.000000e+00 : f32
      %broadcast_in_dim3A_99 = vector.broadcast %jit3A_97 : f32 to vector<16xf32>
      %broadcast_in_dim3A_100 = vector.broadcast %jit3A_98 : f32 to vector<16xf32>
      %select_n3A_101 = arith.select %eq3A_96, %broadcast_in_dim3A_99, %broadcast_in_dim3A_100 : vector<16xi1>, vector<16xf32>
      %swap3A_102 = arith.index_cast %scan3A_52 : i32 to index
      %swap3A_103 = arith.constant 32 : index
      %swap3A_104 = tpu.vector_load %arg8[%swap3A_102, %swap3A_103] {strides = array<i32>} : memref<125x80xf32, #tpu.memory_space<vmem>>, vector<1x16xf32>,
      %swap3A_105 = vector.shape_cast %swap3A_104 : vector<1x16xf32> to vector<16xf32>
      %swap3A_106 = vector.shape_cast %select_n3A_101 : vector<16xf32> to vector<1x16xf32>
      tpu.vector_store %arg8[%swap3A_102, %swap3A_103], %swap3A_106 {strides = array<i32>} : memref<125x80xf32, #tpu.memory_space<vmem>>, vector<1x16xf32>,
      %get3A_107 = arith.index_cast %scan3A_52 : i32 to index
      %get3A_108 = arith.constant 48 : index
      %get3A_109 = tpu.vector_load %arg6[%get3A_107, %get3A_108] {strides = array<i32>} : memref<125x80xi32, #tpu.memory_space<vmem>>, vector<1x16xi32>,
      %get3A_110 = vector.shape_cast %get3A_109 : vector<1x16xi32> to vector<16xi32>
      %get3A_111 = arith.index_cast %scan3A_52 : i32 to index
      %get3A_112 = arith.constant 48 : index
      %get3A_113 = tpu.vector_load %arg7[%get3A_111, %get3A_112] {strides = array<i32>} : memref<125x80xi32, #tpu.memory_space<vmem>>, vector<1x16xi32>,
      %get3A_114 = vector.shape_cast %get3A_113 : vector<1x16xi32> to vector<16xi32>
      %eq3A_115 = arith.cmpi eq, %get3A_110, %get3A_114 : vector<16xi32>
      %jit3A_116 = arith.constant 1.000000e+00 : f32
      %jit3A_117 = arith.constant 0.000000e+00 : f32
      %broadcast_in_dim3A_118 = vector.broadcast %jit3A_116 : f32 to vector<16xf32>
      %broadcast_in_dim3A_119 = vector.broadcast %jit3A_117 : f32 to vector<16xf32>
      %select_n3A_120 = arith.select %eq3A_115, %broadcast_in_dim3A_118, %broadcast_in_dim3A_119 : vector<16xi1>, vector<16xf32>
      %swap3A_121 = arith.index_cast %scan3A_52 : i32 to index
      %swap3A_122 = arith.constant 48 : index
      %swap3A_123 = tpu.vector_load %arg8[%swap3A_121, %swap3A_122] {strides = array<i32>} : memref<125x80xf32, #tpu.memory_space<vmem>>, vector<1x16xf32>,
      %swap3A_124 = vector.shape_cast %swap3A_123 : vector<1x16xf32> to vector<16xf32>
      %swap3A_125 = vector.shape_cast %select_n3A_120 : vector<16xf32> to vector<1x16xf32>
      tpu.vector_store %arg8[%swap3A_121, %swap3A_122], %swap3A_125 {strides = array<i32>} : memref<125x80xf32, #tpu.memory_space<vmem>>, vector<1x16xf32>,
      %get3A_126 = arith.index_cast %scan3A_52 : i32 to index
      %get3A_127 = arith.constant 64 : index
      %get3A_128 = tpu.vector_load %arg6[%get3A_126, %get3A_127] {strides = array<i32>} : memref<125x80xi32, #tpu.memory_space<vmem>>, vector<1x16xi32>,
      %get3A_129 = vector.shape_cast %get3A_128 : vector<1x16xi32> to vector<16xi32>
      %get3A_130 = arith.index_cast %scan3A_52 : i32 to index
      %get3A_131 = arith.constant 64 : index
      %get3A_132 = tpu.vector_load %arg7[%get3A_130, %get3A_131] {strides = array<i32>} : memref<125x80xi32, #tpu.memory_space<vmem>>, vector<1x16xi32>,
      %get3A_133 = vector.shape_cast %get3A_132 : vector<1x16xi32> to vector<16xi32>
      %eq3A_134 = arith.cmpi eq, %get3A_129, %get3A_133 : vector<16xi32>
      %jit3A_135 = arith.constant 1.000000e+00 : f32
      %jit3A_136 = arith.constant 0.000000e+00 : f32
      %broadcast_in_dim3A_137 = vector.broadcast %jit3A_135 : f32 to vector<16xf32>
      %broadcast_in_dim3A_138 = vector.broadcast %jit3A_136 : f32 to vector<16xf32>
      %select_n3A_139 = arith.select %eq3A_134, %broadcast_in_dim3A_137, %broadcast_in_dim3A_138 : vector<16xi1>, vector<16xf32>
      %swap3A_140 = arith.index_cast %scan3A_52 : i32 to index
      %swap3A_141 = arith.constant 64 : index
      %swap3A_142 = tpu.vector_load %arg8[%swap3A_140, %swap3A_141] {strides = array<i32>} : memref<125x80xf32, #tpu.memory_space<vmem>>, vector<1x16xf32>,
      %swap3A_143 = vector.shape_cast %swap3A_142 : vector<1x16xf32> to vector<16xf32>
      %swap3A_144 = vector.shape_cast %select_n3A_139 : vector<16xf32> to vector<1x16xf32>
      tpu.vector_store %arg8[%swap3A_140, %swap3A_141], %swap3A_144 {strides = array<i32>} : memref<125x80xf32, #tpu.memory_space<vmem>>, vector<1x16xf32>,
      %scan3A_145 = arith.constant 0 : i32
      scf.yield %scan3A_145 : i32
    }
    %scan3A_37 = arith.constant 125 : i32
    %scan3A_38 = arith.constant 0 : i32
    %scan3A_39 = arith.constant 0 : i32
    %scan3A_40 = arith.constant 125 : i32
    %scan3A_41 = arith.addi %scan3A_39, %scan3A_40 : i32
    %scan3A_42 = arith.constant 1 : i32
    %scan3A_43 = scf.for %scan3A_52 = %scan3A_39 to %scan3A_41 step %scan3A_42 iter_args(%scan3A_53 = %scan3A_38) -> (i32)  : i32 {
      %dma_start3A = arith.constant 0 : i32
      %dma_start3A_54 = tpu.memref_slice %arg6[%scan3A_52, %dma_start3A] : memref<125x80xi32, #tpu.memory_space<vmem>> -> memref<1x80xi32, #tpu.memory_space<vmem>>
      %dma_start3A_55 = tpu.memref_squeeze %dma_start3A_54 : memref<1x80xi32, #tpu.memory_space<vmem>> -> memref<80xi32, #tpu.memory_space<vmem>>
      %dma_start3A_56 = arith.constant 0 : i32
      %dma_start3A_57 = tpu.memref_slice %arg11[%dma_start3A_56] : memref<10240xf32, #tpu.memory_space<vmem_shared>> -> memref<10240xf32, #tpu.memory_space<vmem_shared>>
      tpu.enqueue_indirect_dma source(%arg9 : memref<80xf32, #tpu.memory_space<vmem>>) target(%dma_start3A_57 : memref<10240xf32, #tpu.memory_space<vmem_shared>>) offsets(%dma_start3A_55 : memref<80xi32, #tpu.memory_space<vmem>>) semaphore(%arg13 : memref<!tpu.dma_semaphore, #tpu.memory_space<semaphore_mem>>) {add = true}
      "tpu.region"() ({
        %run_scoped3A = tpu.sem_alloc : memref<!tpu.dma_semaphore, #tpu.memory_space<semaphore_mem>>
        %dma_start3A_63 = arith.constant 0 : i32
        %dma_start3A_64 = tpu.memref_slice %arg8[%scan3A_52, %dma_start3A_63] : memref<125x80xf32, #tpu.memory_space<vmem>> -> memref<1x80xf32, #tpu.memory_space<vmem>>
        %dma_start3A_65 = tpu.memref_squeeze %dma_start3A_64 : memref<1x80xf32, #tpu.memory_space<vmem>> -> memref<80xf32, #tpu.memory_space<vmem>>
        %dma_start3A_66 = arith.constant 0 : i32
        %dma_start3A_67 = tpu.memref_slice %arg6[%scan3A_52, %dma_start3A_66] : memref<125x80xi32, #tpu.memory_space<vmem>> -> memref<1x80xi32, #tpu.memory_space<vmem>>
        %dma_start3A_68 = tpu.memref_squeeze %dma_start3A_67 : memref<1x80xi32, #tpu.memory_space<vmem>> -> memref<80xi32, #tpu.memory_space<vmem>>
        %dma_start3A_69 = arith.constant 0 : i32
        %dma_start3A_70 = tpu.memref_slice %arg12[%dma_start3A_69] : memref<10240xf32, #tpu.memory_space<vmem_shared>> -> memref<10240xf32, #tpu.memory_space<vmem_shared>>
        tpu.enqueue_indirect_dma source(%dma_start3A_65 : memref<80xf32, #tpu.memory_space<vmem>>) target(%dma_start3A_70 : memref<10240xf32, #tpu.memory_space<vmem_shared>>) offsets(%dma_start3A_68 : memref<80xi32, #tpu.memory_space<vmem>>) semaphore(%run_scoped3A : memref<!tpu.dma_semaphore, #tpu.memory_space<semaphore_mem>>) {add = true}
        %dma_wait3A_71 = arith.constant 0 : i32
        %dma_wait3A_72 = tpu.memref_slice %arg8[%scan3A_52, %dma_wait3A_71] : memref<125x80xf32, #tpu.memory_space<vmem>> -> memref<1x80xf32, #tpu.memory_space<vmem>>
        %dma_wait3A_73 = tpu.memref_squeeze %dma_wait3A_72 : memref<1x80xf32, #tpu.memory_space<vmem>> -> memref<80xf32, #tpu.memory_space<vmem>>
        %dma_wait3A_74 = arith.constant 0 : i32
        %dma_wait3A_75 = tpu.memref_slice %arg6[%scan3A_52, %dma_wait3A_74] : memref<125x80xi32, #tpu.memory_space<vmem>> -> memref<1x80xi32, #tpu.memory_space<vmem>>
        %dma_wait3A_76 = tpu.memref_squeeze %dma_wait3A_75 : memref<1x80xi32, #tpu.memory_space<vmem>> -> memref<80xi32, #tpu.memory_space<vmem>>
        %dma_wait3A_77 = arith.constant 0 : i32
        %dma_wait3A_78 = tpu.memref_slice %arg12[%dma_wait3A_77] : memref<10240xf32, #tpu.memory_space<vmem_shared>> -> memref<10240xf32, #tpu.memory_space<vmem_shared>>
        tpu.wait_indirect_dma semaphore(%run_scoped3A : memref<!tpu.dma_semaphore, #tpu.memory_space<semaphore_mem>>) src(%dma_wait3A_73 : memref<80xf32, #tpu.memory_space<vmem>>) dst(%dma_wait3A_78 : memref<10240xf32, #tpu.memory_space<vmem_shared>>)
        tpu.yield
      }) : () -> ()
      %dma_wait3A = arith.constant 0 : i32
      %dma_wait3A_58 = tpu.memref_slice %arg6[%scan3A_52, %dma_wait3A] : memref<125x80xi32, #tpu.memory_space<vmem>> -> memref<1x80xi32, #tpu.memory_space<vmem>>
      %dma_wait3A_59 = tpu.memref_squeeze %dma_wait3A_58 : memref<1x80xi32, #tpu.memory_space<vmem>> -> memref<80xi32, #tpu.memory_space<vmem>>
      %dma_wait3A_60 = arith.constant 0 : i32
      %dma_wait3A_61 = tpu.memref_slice %arg11[%dma_wait3A_60] : memref<10240xf32, #tpu.memory_space<vmem_shared>> -> memref<10240xf32, #tpu.memory_space<vmem_shared>>
      tpu.wait_indirect_dma semaphore(%arg13 : memref<!tpu.dma_semaphore, #tpu.memory_space<semaphore_mem>>) src(%arg9 : memref<80xf32, #tpu.memory_space<vmem>>) dst(%dma_wait3A_61 : memref<10240xf32, #tpu.memory_space<vmem_shared>>)
      %scan3A_62 = arith.constant 0 : i32
      scf.yield %scan3A_62 : i32
    }
    %scan3A_44 = arith.constant 125 : i32
    %barrier3A_45 = arith.constant 0 : index
    tpu.barrier barrier_id(%barrier3A_45)
    "tpu.region"() ({
      %run_scoped3A = tpu.sem_alloc : memref<!tpu.dma_semaphore, #tpu.memory_space<semaphore_mem>>
      %dma_start3A = tpu.memref_slice %arg11[%mul3A_30] : memref<10240xf32, #tpu.memory_space<vmem_shared>> -> memref<640xf32, #tpu.memory_space<vmem_shared>>
      %dma_start3A_52 = tpu.memref_slice %arg11[%mul3A_30] : memref<10240xf32, #tpu.memory_space<vmem_shared>> -> memref<640xf32, #tpu.memory_space<vmem_shared>>
      tpu.enqueue_dma source(%dma_start3A_52 : memref<640xf32, #tpu.memory_space<vmem_shared>>) target(%arg10 : memref<640xf32, #tpu.memory_space<vmem>>) target_semaphore(%run_scoped3A : memref<!tpu.dma_semaphore, #tpu.memory_space<semaphore_mem>>)
      %dma_wait3A = tpu.memref_slice %arg11[%mul3A_30] : memref<10240xf32, #tpu.memory_space<vmem_shared>> -> memref<640xf32, #tpu.memory_space<vmem_shared>>
      %dma_wait3A_53 = tpu.memref_slice %arg11[%mul3A_30] : memref<10240xf32, #tpu.memory_space<vmem_shared>> -> memref<640xf32, #tpu.memory_space<vmem_shared>>
      tpu.wait_dma2 semaphore(%run_scoped3A : memref<!tpu.dma_semaphore, #tpu.memory_space<semaphore_mem>>) src(%dma_wait3A_53 : memref<640xf32, #tpu.memory_space<vmem_shared>>) dst(%arg10 : memref<640xf32, #tpu.memory_space<vmem>>)
      tpu.yield
    }) : () -> ()
    %mul3A_46 = arith.constant 10240 : i32
    %mul3A_47 = arith.muli %arg0, %mul3A_46 : i32
    %add3A_48 = arith.addi %mul3A_47, %mul3A_30 : i32
    "tpu.region"() ({
      %run_scoped3A = tpu.sem_alloc : memref<!tpu.dma_semaphore, #tpu.memory_space<semaphore_mem>>
      %dma_start3A = tpu.memref_slice %arg4[%add3A_48] : memref<20480xf32, #tpu.memory_space<hbm>> -> memref<640xf32, #tpu.memory_space<hbm>>
      %dma_start3A_52 = tpu.memref_slice %arg4[%add3A_48] : memref<20480xf32, #tpu.memory_space<hbm>> -> memref<640xf32, #tpu.memory_space<hbm>>
      tpu.enqueue_dma source(%arg10 : memref<640xf32, #tpu.memory_space<vmem>>) target(%dma_start3A_52 : memref<640xf32, #tpu.memory_space<hbm>>) target_semaphore(%run_scoped3A : memref<!tpu.dma_semaphore, #tpu.memory_space<semaphore_mem>>)
      %dma_wait3A = tpu.memref_slice %arg4[%add3A_48] : memref<20480xf32, #tpu.memory_space<hbm>> -> memref<640xf32, #tpu.memory_space<hbm>>
      %dma_wait3A_53 = tpu.memref_slice %arg4[%add3A_48] : memref<20480xf32, #tpu.memory_space<hbm>> -> memref<640xf32, #tpu.memory_space<hbm>>
      tpu.wait_dma2 semaphore(%run_scoped3A : memref<!tpu.dma_semaphore, #tpu.memory_space<semaphore_mem>>) src(%arg10 : memref<640xf32, #tpu.memory_space<vmem>>) dst(%dma_wait3A_53 : memref<640xf32, #tpu.memory_space<hbm>>)
      tpu.yield
    }) : () -> ()
    "tpu.region"() ({
      %run_scoped3A = tpu.sem_alloc : memref<!tpu.dma_semaphore, #tpu.memory_space<semaphore_mem>>
      %dma_start3A = tpu.memref_slice %arg12[%mul3A_30] : memref<10240xf32, #tpu.memory_space<vmem_shared>> -> memref<640xf32, #tpu.memory_space<vmem_shared>>
      %dma_start3A_52 = tpu.memref_slice %arg12[%mul3A_30] : memref<10240xf32, #tpu.memory_space<vmem_shared>> -> memref<640xf32, #tpu.memory_space<vmem_shared>>
      tpu.enqueue_dma source(%dma_start3A_52 : memref<640xf32, #tpu.memory_space<vmem_shared>>) target(%arg10 : memref<640xf32, #tpu.memory_space<vmem>>) target_semaphore(%run_scoped3A : memref<!tpu.dma_semaphore, #tpu.memory_space<semaphore_mem>>)
      %dma_wait3A = tpu.memref_slice %arg12[%mul3A_30] : memref<10240xf32, #tpu.memory_space<vmem_shared>> -> memref<640xf32, #tpu.memory_space<vmem_shared>>
      %dma_wait3A_53 = tpu.memref_slice %arg12[%mul3A_30] : memref<10240xf32, #tpu.memory_space<vmem_shared>> -> memref<640xf32, #tpu.memory_space<vmem_shared>>
      tpu.wait_dma2 semaphore(%run_scoped3A : memref<!tpu.dma_semaphore, #tpu.memory_space<semaphore_mem>>) src(%dma_wait3A_53 : memref<640xf32, #tpu.memory_space<vmem_shared>>) dst(%arg10 : memref<640xf32, #tpu.memory_space<vmem>>)
      tpu.yield
    }) : () -> ()
    %mul3A_49 = arith.constant 10240 : i32
    %mul3A_50 = arith.muli %arg0, %mul3A_49 : i32
    %add3A_51 = arith.addi %mul3A_50, %mul3A_30 : i32
    "tpu.region"() ({
      %run_scoped3A = tpu.sem_alloc : memref<!tpu.dma_semaphore, #tpu.memory_space<semaphore_mem>>
      %dma_start3A = tpu.memref_slice %arg5[%add3A_51] : memref<20480xf32, #tpu.memory_space<hbm>> -> memref<640xf32, #tpu.memory_space<hbm>>
      %dma_start3A_52 = tpu.memref_slice %arg5[%add3A_51] : memref<20480xf32, #tpu.memory_space<hbm>> -> memref<640xf32, #tpu.memory_space<hbm>>
      tpu.enqueue_dma source(%arg10 : memref<640xf32, #tpu.memory_space<vmem>>) target(%dma_start3A_52 : memref<640xf32, #tpu.memory_space<hbm>>) target_semaphore(%run_scoped3A : memref<!tpu.dma_semaphore, #tpu.memory_space<semaphore_mem>>)
      %dma_wait3A = tpu.memref_slice %arg5[%add3A_51] : memref<20480xf32, #tpu.memory_space<hbm>> -> memref<640xf32, #tpu.memory_space<hbm>>
      %dma_wait3A_53 = tpu.memref_slice %arg5[%add3A_51] : memref<20480xf32, #tpu.memory_space<hbm>> -> memref<640xf32, #tpu.memory_space<hbm>>
      tpu.wait_dma2 semaphore(%run_scoped3A : memref<!tpu.dma_semaphore, #tpu.memory_space<semaphore_mem>>) src(%arg10 : memref<640xf32, #tpu.memory_space<vmem>>) dst(%dma_wait3A_53 : memref<640xf32, #tpu.memory_space<hbm>>)
      tpu.yield
    }) : () -> ()
    return
  }
}

#map = affine_map<(d0, d1) -> (0, 0)>
#map1 = affine_map<(d0, d1) -> (0, 0, 0, 0)>
#map2 = affine_map<(d0, d1) -> (0, 0, 0)>
module attributes {stable_mosaic.version = 14 : i64} {
  func.func @_seg_kernel(%arg0: i32, %arg1: i32, %arg2: memref<10240x128xf32, #tpu.memory_space<hbm>>, %arg3: memref<32x10x8x125xi32, #tpu.memory_space<hbm>>, %arg4: memref<32x10x8x125xi32, #tpu.memory_space<hbm>>, %arg5: memref<2x10240x128xf32, #tpu.memory_space<hbm>>, %arg6: memref<8x125xi32, #tpu.memory_space<vmem>>, %arg7: memref<8x125xi32, #tpu.memory_space<vmem>>, %arg8: memref<125x128xf32, #tpu.memory_space<vmem>>, %arg9: memref<125x128xf32, #tpu.memory_space<vmem>>, %arg10: memref<10240x128xf32, #tpu.memory_space<vmem_shared>>, %arg11: memref<!tpu.dma_semaphore, #tpu.memory_space<semaphore_mem>>, %arg12: memref<!tpu.dma_semaphore, #tpu.memory_space<semaphore_mem>>) attributes {dimension_semantics = [#tpu.dimension_semantics<core_parallel>, #tpu.dimension_semantics<subcore_parallel>], iteration_bounds = array<i64: 2, 16>, scalar_prefetch = 0 : i64, scratch_operands = 7 : i64, tpu.core_type = #tpu.core_type<sc_vector_subcore>, window_params = [{transform_indices = #map}, {transform_indices = #map1}, {transform_indices = #map1}, {transform_indices = #map2}]} {
    %mul3A = arith.constant 2 : i32
    %mul3A_0 = arith.muli %arg1, %mul3A : i32
    %add3A = arith.addi %mul3A_0, %arg0 : i32
    %broadcast_in_dim3A = arith.constant 0.000000e+00 : f32
    %broadcast_in_dim3A_1 = vector.broadcast %broadcast_in_dim3A : f32 to vector<16xf32>
    %scan3A = arith.constant 0 : i32
    %scan3A_2 = arith.constant 0 : i32
    %scan3A_3 = arith.constant 80 : i32
    %scan3A_4 = arith.addi %scan3A_2, %scan3A_3 : i32
    %scan3A_5 = arith.constant 1 : i32
    %scan3A_6 = scf.for %scan3A_32 = %scan3A_2 to %scan3A_4 step %scan3A_5 iter_args(%scan3A_33 = %scan3A) -> (i32)  : i32 {
      %swap3A = arith.index_cast %scan3A_32 : i32 to index
      %swap3A_34 = arith.constant 0 : index
      %swap3A_35 = tpu.vector_load %arg8[%swap3A, %swap3A_34] {strides = array<i32>} : memref<125x128xf32, #tpu.memory_space<vmem>>, vector<1x16xf32>,
      %swap3A_36 = vector.shape_cast %swap3A_35 : vector<1x16xf32> to vector<16xf32>
      %swap3A_37 = vector.shape_cast %broadcast_in_dim3A_1 : vector<16xf32> to vector<1x16xf32>
      tpu.vector_store %arg8[%swap3A, %swap3A_34], %swap3A_37 {strides = array<i32>} : memref<125x128xf32, #tpu.memory_space<vmem>>, vector<1x16xf32>,
      %swap3A_38 = arith.index_cast %scan3A_32 : i32 to index
      %swap3A_39 = arith.constant 16 : index
      %swap3A_40 = tpu.vector_load %arg8[%swap3A_38, %swap3A_39] {strides = array<i32>} : memref<125x128xf32, #tpu.memory_space<vmem>>, vector<1x16xf32>,
      %swap3A_41 = vector.shape_cast %swap3A_40 : vector<1x16xf32> to vector<16xf32>
      %swap3A_42 = vector.shape_cast %broadcast_in_dim3A_1 : vector<16xf32> to vector<1x16xf32>
      tpu.vector_store %arg8[%swap3A_38, %swap3A_39], %swap3A_42 {strides = array<i32>} : memref<125x128xf32, #tpu.memory_space<vmem>>, vector<1x16xf32>,
      %swap3A_43 = arith.index_cast %scan3A_32 : i32 to index
      %swap3A_44 = arith.constant 32 : index
      %swap3A_45 = tpu.vector_load %arg8[%swap3A_43, %swap3A_44] {strides = array<i32>} : memref<125x128xf32, #tpu.memory_space<vmem>>, vector<1x16xf32>,
      %swap3A_46 = vector.shape_cast %swap3A_45 : vector<1x16xf32> to vector<16xf32>
      %swap3A_47 = vector.shape_cast %broadcast_in_dim3A_1 : vector<16xf32> to vector<1x16xf32>
      tpu.vector_store %arg8[%swap3A_43, %swap3A_44], %swap3A_47 {strides = array<i32>} : memref<125x128xf32, #tpu.memory_space<vmem>>, vector<1x16xf32>,
      %swap3A_48 = arith.index_cast %scan3A_32 : i32 to index
      %swap3A_49 = arith.constant 48 : index
      %swap3A_50 = tpu.vector_load %arg8[%swap3A_48, %swap3A_49] {strides = array<i32>} : memref<125x128xf32, #tpu.memory_space<vmem>>, vector<1x16xf32>,
      %swap3A_51 = vector.shape_cast %swap3A_50 : vector<1x16xf32> to vector<16xf32>
      %swap3A_52 = vector.shape_cast %broadcast_in_dim3A_1 : vector<16xf32> to vector<1x16xf32>
      tpu.vector_store %arg8[%swap3A_48, %swap3A_49], %swap3A_52 {strides = array<i32>} : memref<125x128xf32, #tpu.memory_space<vmem>>, vector<1x16xf32>,
      %swap3A_53 = arith.index_cast %scan3A_32 : i32 to index
      %swap3A_54 = arith.constant 64 : index
      %swap3A_55 = tpu.vector_load %arg8[%swap3A_53, %swap3A_54] {strides = array<i32>} : memref<125x128xf32, #tpu.memory_space<vmem>>, vector<1x16xf32>,
      %swap3A_56 = vector.shape_cast %swap3A_55 : vector<1x16xf32> to vector<16xf32>
      %swap3A_57 = vector.shape_cast %broadcast_in_dim3A_1 : vector<16xf32> to vector<1x16xf32>
      tpu.vector_store %arg8[%swap3A_53, %swap3A_54], %swap3A_57 {strides = array<i32>} : memref<125x128xf32, #tpu.memory_space<vmem>>, vector<1x16xf32>,
      %swap3A_58 = arith.index_cast %scan3A_32 : i32 to index
      %swap3A_59 = arith.constant 80 : index
      %swap3A_60 = tpu.vector_load %arg8[%swap3A_58, %swap3A_59] {strides = array<i32>} : memref<125x128xf32, #tpu.memory_space<vmem>>, vector<1x16xf32>,
      %swap3A_61 = vector.shape_cast %swap3A_60 : vector<1x16xf32> to vector<16xf32>
      %swap3A_62 = vector.shape_cast %broadcast_in_dim3A_1 : vector<16xf32> to vector<1x16xf32>
      tpu.vector_store %arg8[%swap3A_58, %swap3A_59], %swap3A_62 {strides = array<i32>} : memref<125x128xf32, #tpu.memory_space<vmem>>, vector<1x16xf32>,
      %swap3A_63 = arith.index_cast %scan3A_32 : i32 to index
      %swap3A_64 = arith.constant 96 : index
      %swap3A_65 = tpu.vector_load %arg8[%swap3A_63, %swap3A_64] {strides = array<i32>} : memref<125x128xf32, #tpu.memory_space<vmem>>, vector<1x16xf32>,
      %swap3A_66 = vector.shape_cast %swap3A_65 : vector<1x16xf32> to vector<16xf32>
      %swap3A_67 = vector.shape_cast %broadcast_in_dim3A_1 : vector<16xf32> to vector<1x16xf32>
      tpu.vector_store %arg8[%swap3A_63, %swap3A_64], %swap3A_67 {strides = array<i32>} : memref<125x128xf32, #tpu.memory_space<vmem>>, vector<1x16xf32>,
      %swap3A_68 = arith.index_cast %scan3A_32 : i32 to index
      %swap3A_69 = arith.constant 112 : index
      %swap3A_70 = tpu.vector_load %arg8[%swap3A_68, %swap3A_69] {strides = array<i32>} : memref<125x128xf32, #tpu.memory_space<vmem>>, vector<1x16xf32>,
      %swap3A_71 = vector.shape_cast %swap3A_70 : vector<1x16xf32> to vector<16xf32>
      %swap3A_72 = vector.shape_cast %broadcast_in_dim3A_1 : vector<16xf32> to vector<1x16xf32>
      tpu.vector_store %arg8[%swap3A_68, %swap3A_69], %swap3A_72 {strides = array<i32>} : memref<125x128xf32, #tpu.memory_space<vmem>>, vector<1x16xf32>,
      %scan3A_73 = arith.constant 0 : i32
      scf.yield %scan3A_73 : i32
    }
    %scan3A_7 = arith.constant 80 : i32
    %mul3A_8 = arith.constant 640 : i32
    %mul3A_9 = arith.muli %arg1, %mul3A_8 : i32
    %scan3A_10 = arith.constant 0 : i32
    %scan3A_11 = arith.constant 0 : i32
    %scan3A_12 = arith.constant 8 : i32
    %scan3A_13 = arith.addi %scan3A_11, %scan3A_12 : i32
    %scan3A_14 = arith.constant 1 : i32
    %scan3A_15 = scf.for %scan3A_32 = %scan3A_11 to %scan3A_13 step %scan3A_14 iter_args(%scan3A_33 = %scan3A_10) -> (i32)  : i32 {
      %mul3A_34 = arith.constant 80 : i32
      %mul3A_35 = arith.muli %scan3A_32, %mul3A_34 : i32
      %add3A_36 = arith.addi %mul3A_9, %mul3A_35 : i32
      "tpu.region"() ({
        %run_scoped3A = tpu.sem_alloc : memref<!tpu.dma_semaphore, #tpu.memory_space<semaphore_mem>>
        %dma_start3A = arith.constant 0 : i32
        %dma_start3A_38 = arith.constant 0 : i32
        %dma_start3A_39 = tpu.memref_slice %arg8[%dma_start3A, %dma_start3A_38] : memref<125x128xf32, #tpu.memory_space<vmem>> -> memref<80x128xf32, #tpu.memory_space<vmem>>
        %dma_start3A_40 = arith.constant 0 : i32
        %dma_start3A_41 = tpu.memref_slice %arg10[%add3A_36, %dma_start3A_40] : memref<10240x128xf32, #tpu.memory_space<vmem_shared>> -> memref<80x128xf32, #tpu.memory_space<vmem_shared>>
        %dma_start3A_42 = arith.constant 0 : i32
        %dma_start3A_43 = tpu.memref_slice %arg10[%add3A_36, %dma_start3A_42] : memref<10240x128xf32, #tpu.memory_space<vmem_shared>> -> memref<80x128xf32, #tpu.memory_space<vmem_shared>>
        %dma_start3A_44 = arith.constant 0 : i32
        %dma_start3A_45 = arith.constant 0 : i32
        %dma_start3A_46 = tpu.memref_slice %arg8[%dma_start3A_44, %dma_start3A_45] : memref<125x128xf32, #tpu.memory_space<vmem>> -> memref<80x128xf32, #tpu.memory_space<vmem>>
        tpu.enqueue_dma source(%dma_start3A_46 : memref<80x128xf32, #tpu.memory_space<vmem>>) target(%dma_start3A_43 : memref<80x128xf32, #tpu.memory_space<vmem_shared>>) target_semaphore(%run_scoped3A : memref<!tpu.dma_semaphore, #tpu.memory_space<semaphore_mem>>)
        %dma_wait3A = arith.constant 0 : i32
        %dma_wait3A_47 = arith.constant 0 : i32
        %dma_wait3A_48 = tpu.memref_slice %arg8[%dma_wait3A, %dma_wait3A_47] : memref<125x128xf32, #tpu.memory_space<vmem>> -> memref<80x128xf32, #tpu.memory_space<vmem>>
        %dma_wait3A_49 = arith.constant 0 : i32
        %dma_wait3A_50 = tpu.memref_slice %arg10[%add3A_36, %dma_wait3A_49] : memref<10240x128xf32, #tpu.memory_space<vmem_shared>> -> memref<80x128xf32, #tpu.memory_space<vmem_shared>>
        %dma_wait3A_51 = arith.constant 0 : i32
        %dma_wait3A_52 = tpu.memref_slice %arg10[%add3A_36, %dma_wait3A_51] : memref<10240x128xf32, #tpu.memory_space<vmem_shared>> -> memref<80x128xf32, #tpu.memory_space<vmem_shared>>
        %dma_wait3A_53 = arith.constant 0 : i32
        %dma_wait3A_54 = arith.constant 0 : i32
        %dma_wait3A_55 = tpu.memref_slice %arg8[%dma_wait3A_53, %dma_wait3A_54] : memref<125x128xf32, #tpu.memory_space<vmem>> -> memref<80x128xf32, #tpu.memory_space<vmem>>
        tpu.wait_dma2 semaphore(%run_scoped3A : memref<!tpu.dma_semaphore, #tpu.memory_space<semaphore_mem>>) src(%dma_wait3A_55 : memref<80x128xf32, #tpu.memory_space<vmem>>) dst(%dma_wait3A_52 : memref<80x128xf32, #tpu.memory_space<vmem_shared>>)
        tpu.yield
      }) : () -> ()
      %scan3A_37 = arith.constant 0 : i32
      scf.yield %scan3A_37 : i32
    }
    %scan3A_16 = arith.constant 8 : i32
    %barrier3A = arith.constant 0 : index
    tpu.barrier barrier_id(%barrier3A)
    %scan3A_17 = arith.constant 0 : i32
    %scan3A_18 = arith.constant 0 : i32
    %scan3A_19 = arith.constant 10 : i32
    %scan3A_20 = arith.addi %scan3A_18, %scan3A_19 : i32
    %scan3A_21 = arith.constant 1 : i32
    %scan3A_22 = scf.for %scan3A_32 = %scan3A_18 to %scan3A_20 step %scan3A_21 iter_args(%scan3A_33 = %scan3A_17) -> (i32)  : i32 {
      "tpu.region"() ({
        %run_scoped3A = tpu.sem_alloc : memref<!tpu.dma_semaphore, #tpu.memory_space<semaphore_mem>>
        %dma_start3A_55 = arith.constant 0 : i32
        %dma_start3A_56 = arith.constant 0 : i32
        %dma_start3A_57 = tpu.memref_slice %arg3[%add3A, %scan3A_32, %dma_start3A_55, %dma_start3A_56] : memref<32x10x8x125xi32, #tpu.memory_space<hbm>> -> memref<1x1x8x125xi32, #tpu.memory_space<hbm>>
        %dma_start3A_58 = tpu.memref_squeeze %dma_start3A_57 : memref<1x1x8x125xi32, #tpu.memory_space<hbm>> -> memref<8x125xi32, #tpu.memory_space<hbm>>
        %dma_start3A_59 = arith.constant 0 : i32
        %dma_start3A_60 = arith.constant 0 : i32
        %dma_start3A_61 = tpu.memref_slice %arg3[%add3A, %scan3A_32, %dma_start3A_59, %dma_start3A_60] : memref<32x10x8x125xi32, #tpu.memory_space<hbm>> -> memref<1x1x8x125xi32, #tpu.memory_space<hbm>>
        %dma_start3A_62 = tpu.memref_squeeze %dma_start3A_61 : memref<1x1x8x125xi32, #tpu.memory_space<hbm>> -> memref<8x125xi32, #tpu.memory_space<hbm>>
        tpu.enqueue_dma source(%dma_start3A_62 : memref<8x125xi32, #tpu.memory_space<hbm>>) target(%arg6 : memref<8x125xi32, #tpu.memory_space<vmem>>) target_semaphore(%run_scoped3A : memref<!tpu.dma_semaphore, #tpu.memory_space<semaphore_mem>>)
        %dma_wait3A = arith.constant 0 : i32
        %dma_wait3A_63 = arith.constant 0 : i32
        %dma_wait3A_64 = tpu.memref_slice %arg3[%add3A, %scan3A_32, %dma_wait3A, %dma_wait3A_63] : memref<32x10x8x125xi32, #tpu.memory_space<hbm>> -> memref<1x1x8x125xi32, #tpu.memory_space<hbm>>
        %dma_wait3A_65 = tpu.memref_squeeze %dma_wait3A_64 : memref<1x1x8x125xi32, #tpu.memory_space<hbm>> -> memref<8x125xi32, #tpu.memory_space<hbm>>
        %dma_wait3A_66 = arith.constant 0 : i32
        %dma_wait3A_67 = arith.constant 0 : i32
        %dma_wait3A_68 = tpu.memref_slice %arg3[%add3A, %scan3A_32, %dma_wait3A_66, %dma_wait3A_67] : memref<32x10x8x125xi32, #tpu.memory_space<hbm>> -> memref<1x1x8x125xi32, #tpu.memory_space<hbm>>
        %dma_wait3A_69 = tpu.memref_squeeze %dma_wait3A_68 : memref<1x1x8x125xi32, #tpu.memory_space<hbm>> -> memref<8x125xi32, #tpu.memory_space<hbm>>
        tpu.wait_dma2 semaphore(%run_scoped3A : memref<!tpu.dma_semaphore, #tpu.memory_space<semaphore_mem>>) src(%dma_wait3A_69 : memref<8x125xi32, #tpu.memory_space<hbm>>) dst(%arg6 : memref<8x125xi32, #tpu.memory_space<vmem>>)
        tpu.yield
      }) : () -> ()
      "tpu.region"() ({
        %run_scoped3A = tpu.sem_alloc : memref<!tpu.dma_semaphore, #tpu.memory_space<semaphore_mem>>
        %dma_start3A_55 = arith.constant 0 : i32
        %dma_start3A_56 = arith.constant 0 : i32
        %dma_start3A_57 = tpu.memref_slice %arg4[%add3A, %scan3A_32, %dma_start3A_55, %dma_start3A_56] : memref<32x10x8x125xi32, #tpu.memory_space<hbm>> -> memref<1x1x8x125xi32, #tpu.memory_space<hbm>>
        %dma_start3A_58 = tpu.memref_squeeze %dma_start3A_57 : memref<1x1x8x125xi32, #tpu.memory_space<hbm>> -> memref<8x125xi32, #tpu.memory_space<hbm>>
        %dma_start3A_59 = arith.constant 0 : i32
        %dma_start3A_60 = arith.constant 0 : i32
        %dma_start3A_61 = tpu.memref_slice %arg4[%add3A, %scan3A_32, %dma_start3A_59, %dma_start3A_60] : memref<32x10x8x125xi32, #tpu.memory_space<hbm>> -> memref<1x1x8x125xi32, #tpu.memory_space<hbm>>
        %dma_start3A_62 = tpu.memref_squeeze %dma_start3A_61 : memref<1x1x8x125xi32, #tpu.memory_space<hbm>> -> memref<8x125xi32, #tpu.memory_space<hbm>>
        tpu.enqueue_dma source(%dma_start3A_62 : memref<8x125xi32, #tpu.memory_space<hbm>>) target(%arg7 : memref<8x125xi32, #tpu.memory_space<vmem>>) target_semaphore(%run_scoped3A : memref<!tpu.dma_semaphore, #tpu.memory_space<semaphore_mem>>)
        %dma_wait3A = arith.constant 0 : i32
        %dma_wait3A_63 = arith.constant 0 : i32
        %dma_wait3A_64 = tpu.memref_slice %arg4[%add3A, %scan3A_32, %dma_wait3A, %dma_wait3A_63] : memref<32x10x8x125xi32, #tpu.memory_space<hbm>> -> memref<1x1x8x125xi32, #tpu.memory_space<hbm>>
        %dma_wait3A_65 = tpu.memref_squeeze %dma_wait3A_64 : memref<1x1x8x125xi32, #tpu.memory_space<hbm>> -> memref<8x125xi32, #tpu.memory_space<hbm>>
        %dma_wait3A_66 = arith.constant 0 : i32
        %dma_wait3A_67 = arith.constant 0 : i32
        %dma_wait3A_68 = tpu.memref_slice %arg4[%add3A, %scan3A_32, %dma_wait3A_66, %dma_wait3A_67] : memref<32x10x8x125xi32, #tpu.memory_space<hbm>> -> memref<1x1x8x125xi32, #tpu.memory_space<hbm>>
        %dma_wait3A_69 = tpu.memref_squeeze %dma_wait3A_68 : memref<1x1x8x125xi32, #tpu.memory_space<hbm>> -> memref<8x125xi32, #tpu.memory_space<hbm>>
        tpu.wait_dma2 semaphore(%run_scoped3A : memref<!tpu.dma_semaphore, #tpu.memory_space<semaphore_mem>>) src(%dma_wait3A_69 : memref<8x125xi32, #tpu.memory_space<hbm>>) dst(%arg7 : memref<8x125xi32, #tpu.memory_space<vmem>>)
        tpu.yield
      }) : () -> ()
      %dma_start3A = arith.constant 0 : i32
      %dma_start3A_34 = arith.constant 0 : i32
      %dma_start3A_35 = tpu.memref_slice %arg6[%dma_start3A, %dma_start3A_34] : memref<8x125xi32, #tpu.memory_space<vmem>> -> memref<1x125xi32, #tpu.memory_space<vmem>>
      %dma_start3A_36 = tpu.memref_squeeze %dma_start3A_35 : memref<1x125xi32, #tpu.memory_space<vmem>> -> memref<125xi32, #tpu.memory_space<vmem>>
      %dma_start3A_37 = arith.constant 0 : i32
      %dma_start3A_38 = arith.constant 0 : i32
      %dma_start3A_39 = tpu.memref_slice %arg2[%dma_start3A_37, %dma_start3A_38] : memref<10240x128xf32, #tpu.memory_space<hbm>> -> memref<10240x128xf32, #tpu.memory_space<hbm>>
      tpu.enqueue_indirect_dma source(%dma_start3A_39 : memref<10240x128xf32, #tpu.memory_space<hbm>>) target(%arg8 : memref<125x128xf32, #tpu.memory_space<vmem>>) offsets(%dma_start3A_36 : memref<125xi32, #tpu.memory_space<vmem>>) semaphore(%arg11 : memref<!tpu.dma_semaphore, #tpu.memory_space<semaphore_mem>>)
      %dma_start3A_40 = arith.constant 1 : i32
      %dma_start3A_41 = arith.constant 0 : i32
      %dma_start3A_42 = tpu.memref_slice %arg6[%dma_start3A_40, %dma_start3A_41] : memref<8x125xi32, #tpu.memory_space<vmem>> -> memref<1x125xi32, #tpu.memory_space<vmem>>
      %dma_start3A_43 = tpu.memref_squeeze %dma_start3A_42 : memref<1x125xi32, #tpu.memory_space<vmem>> -> memref<125xi32, #tpu.memory_space<vmem>>
      %dma_start3A_44 = arith.constant 0 : i32
      %dma_start3A_45 = arith.constant 0 : i32
      %dma_start3A_46 = tpu.memref_slice %arg2[%dma_start3A_44, %dma_start3A_45] : memref<10240x128xf32, #tpu.memory_space<hbm>> -> memref<10240x128xf32, #tpu.memory_space<hbm>>
      tpu.enqueue_indirect_dma source(%dma_start3A_46 : memref<10240x128xf32, #tpu.memory_space<hbm>>) target(%arg9 : memref<125x128xf32, #tpu.memory_space<vmem>>) offsets(%dma_start3A_43 : memref<125xi32, #tpu.memory_space<vmem>>) semaphore(%arg12 : memref<!tpu.dma_semaphore, #tpu.memory_space<semaphore_mem>>)
      %scan3A_47 = arith.constant 0 : i32
      %scan3A_48 = arith.constant 0 : i32
      %scan3A_49 = arith.constant 4 : i32
      %scan3A_50 = arith.addi %scan3A_48, %scan3A_49 : i32
      %scan3A_51 = arith.constant 1 : i32
      %scan3A_52 = scf.for %scan3A_55 = %scan3A_48 to %scan3A_50 step %scan3A_51 iter_args(%scan3A_56 = %scan3A_47) -> (i32)  : i32 {
        %mul3A_57 = arith.constant 2 : i32
        %mul3A_58 = arith.muli %mul3A_57, %scan3A_55 : i32
        %add3A_59 = arith.constant 1 : i32
        %add3A_60 = arith.addi %mul3A_58, %add3A_59 : i32
        %dma_wait3A = arith.constant 0 : i32
        %dma_wait3A_61 = tpu.memref_slice %arg6[%mul3A_58, %dma_wait3A] : memref<8x125xi32, #tpu.memory_space<vmem>> -> memref<1x125xi32, #tpu.memory_space<vmem>>
        %dma_wait3A_62 = tpu.memref_squeeze %dma_wait3A_61 : memref<1x125xi32, #tpu.memory_space<vmem>> -> memref<125xi32, #tpu.memory_space<vmem>>
        %dma_wait3A_63 = arith.constant 0 : i32
        %dma_wait3A_64 = arith.constant 0 : i32
        %dma_wait3A_65 = tpu.memref_slice %arg2[%dma_wait3A_63, %dma_wait3A_64] : memref<10240x128xf32, #tpu.memory_space<hbm>> -> memref<10240x128xf32, #tpu.memory_space<hbm>>
        tpu.wait_indirect_dma semaphore(%arg11 : memref<!tpu.dma_semaphore, #tpu.memory_space<semaphore_mem>>) src(%dma_wait3A_65 : memref<10240x128xf32, #tpu.memory_space<hbm>>) dst(%arg8 : memref<125x128xf32, #tpu.memory_space<vmem>>)
        "tpu.region"() ({
          %run_scoped3A = tpu.sem_alloc : memref<!tpu.dma_semaphore, #tpu.memory_space<semaphore_mem>>
          %dma_start3A_84 = arith.constant 0 : i32
          %dma_start3A_85 = tpu.memref_slice %arg7[%mul3A_58, %dma_start3A_84] : memref<8x125xi32, #tpu.memory_space<vmem>> -> memref<1x125xi32, #tpu.memory_space<vmem>>
          %dma_start3A_86 = tpu.memref_squeeze %dma_start3A_85 : memref<1x125xi32, #tpu.memory_space<vmem>> -> memref<125xi32, #tpu.memory_space<vmem>>
          %dma_start3A_87 = arith.constant 0 : i32
          %dma_start3A_88 = arith.constant 0 : i32
          %dma_start3A_89 = tpu.memref_slice %arg10[%dma_start3A_87, %dma_start3A_88] : memref<10240x128xf32, #tpu.memory_space<vmem_shared>> -> memref<10240x128xf32, #tpu.memory_space<vmem_shared>>
          tpu.enqueue_indirect_dma source(%arg8 : memref<125x128xf32, #tpu.memory_space<vmem>>) target(%dma_start3A_89 : memref<10240x128xf32, #tpu.memory_space<vmem_shared>>) offsets(%dma_start3A_86 : memref<125xi32, #tpu.memory_space<vmem>>) semaphore(%run_scoped3A : memref<!tpu.dma_semaphore, #tpu.memory_space<semaphore_mem>>) {add = true}
          %dma_wait3A_90 = arith.constant 0 : i32
          %dma_wait3A_91 = tpu.memref_slice %arg7[%mul3A_58, %dma_wait3A_90] : memref<8x125xi32, #tpu.memory_space<vmem>> -> memref<1x125xi32, #tpu.memory_space<vmem>>
          %dma_wait3A_92 = tpu.memref_squeeze %dma_wait3A_91 : memref<1x125xi32, #tpu.memory_space<vmem>> -> memref<125xi32, #tpu.memory_space<vmem>>
          %dma_wait3A_93 = arith.constant 0 : i32
          %dma_wait3A_94 = arith.constant 0 : i32
          %dma_wait3A_95 = tpu.memref_slice %arg10[%dma_wait3A_93, %dma_wait3A_94] : memref<10240x128xf32, #tpu.memory_space<vmem_shared>> -> memref<10240x128xf32, #tpu.memory_space<vmem_shared>>
          tpu.wait_indirect_dma semaphore(%run_scoped3A : memref<!tpu.dma_semaphore, #tpu.memory_space<semaphore_mem>>) src(%arg8 : memref<125x128xf32, #tpu.memory_space<vmem>>) dst(%dma_wait3A_95 : memref<10240x128xf32, #tpu.memory_space<vmem_shared>>)
          tpu.yield
        }) : () -> ()
        %add3A_66 = arith.constant 2 : i32
        %add3A_67 = arith.addi %mul3A_58, %add3A_66 : i32
        %lt3A = arith.constant 8 : i32
        %lt3A_68 = arith.cmpi slt, %add3A_67, %lt3A : i32
        %convert_element_type3A = arith.extui %lt3A_68 : i1 to i32
        %cond3A = arith.constant 0 : i32
        %cond3A_69 = arith.cmpi ne, %convert_element_type3A, %cond3A : i32
        scf.if %cond3A_69 {
          %add3A_84 = arith.constant 2 : i32
          %add3A_85 = arith.addi %mul3A_58, %add3A_84 : i32
          %dma_start3A_86 = arith.constant 0 : i32
          %dma_start3A_87 = tpu.memref_slice %arg6[%add3A_85, %dma_start3A_86] : memref<8x125xi32, #tpu.memory_space<vmem>> -> memref<1x125xi32, #tpu.memory_space<vmem>>
          %dma_start3A_88 = tpu.memref_squeeze %dma_start3A_87 : memref<1x125xi32, #tpu.memory_space<vmem>> -> memref<125xi32, #tpu.memory_space<vmem>>
          %dma_start3A_89 = arith.constant 0 : i32
          %dma_start3A_90 = arith.constant 0 : i32
          %dma_start3A_91 = tpu.memref_slice %arg2[%dma_start3A_89, %dma_start3A_90] : memref<10240x128xf32, #tpu.memory_space<hbm>> -> memref<10240x128xf32, #tpu.memory_space<hbm>>
          tpu.enqueue_indirect_dma source(%dma_start3A_91 : memref<10240x128xf32, #tpu.memory_space<hbm>>) target(%arg8 : memref<125x128xf32, #tpu.memory_space<vmem>>) offsets(%dma_start3A_88 : memref<125xi32, #tpu.memory_space<vmem>>) semaphore(%arg11 : memref<!tpu.dma_semaphore, #tpu.memory_space<semaphore_mem>>)
        } else {
        }
        %dma_wait3A_70 = arith.constant 0 : i32
        %dma_wait3A_71 = tpu.memref_slice %arg6[%add3A_60, %dma_wait3A_70] : memref<8x125xi32, #tpu.memory_space<vmem>> -> memref<1x125xi32, #tpu.memory_space<vmem>>
        %dma_wait3A_72 = tpu.memref_squeeze %dma_wait3A_71 : memref<1x125xi32, #tpu.memory_space<vmem>> -> memref<125xi32, #tpu.memory_space<vmem>>
        %dma_wait3A_73 = arith.constant 0 : i32
        %dma_wait3A_74 = arith.constant 0 : i32
        %dma_wait3A_75 = tpu.memref_slice %arg2[%dma_wait3A_73, %dma_wait3A_74] : memref<10240x128xf32, #tpu.memory_space<hbm>> -> memref<10240x128xf32, #tpu.memory_space<hbm>>
        tpu.wait_indirect_dma semaphore(%arg12 : memref<!tpu.dma_semaphore, #tpu.memory_space<semaphore_mem>>) src(%dma_wait3A_75 : memref<10240x128xf32, #tpu.memory_space<hbm>>) dst(%arg9 : memref<125x128xf32, #tpu.memory_space<vmem>>)
        "tpu.region"() ({
          %run_scoped3A = tpu.sem_alloc : memref<!tpu.dma_semaphore, #tpu.memory_space<semaphore_mem>>
          %dma_start3A_84 = arith.constant 0 : i32
          %dma_start3A_85 = tpu.memref_slice %arg7[%add3A_60, %dma_start3A_84] : memref<8x125xi32, #tpu.memory_space<vmem>> -> memref<1x125xi32, #tpu.memory_space<vmem>>
          %dma_start3A_86 = tpu.memref_squeeze %dma_start3A_85 : memref<1x125xi32, #tpu.memory_space<vmem>> -> memref<125xi32, #tpu.memory_space<vmem>>
          %dma_start3A_87 = arith.constant 0 : i32
          %dma_start3A_88 = arith.constant 0 : i32
          %dma_start3A_89 = tpu.memref_slice %arg10[%dma_start3A_87, %dma_start3A_88] : memref<10240x128xf32, #tpu.memory_space<vmem_shared>> -> memref<10240x128xf32, #tpu.memory_space<vmem_shared>>
          tpu.enqueue_indirect_dma source(%arg9 : memref<125x128xf32, #tpu.memory_space<vmem>>) target(%dma_start3A_89 : memref<10240x128xf32, #tpu.memory_space<vmem_shared>>) offsets(%dma_start3A_86 : memref<125xi32, #tpu.memory_space<vmem>>) semaphore(%run_scoped3A : memref<!tpu.dma_semaphore, #tpu.memory_space<semaphore_mem>>) {add = true}
          %dma_wait3A_90 = arith.constant 0 : i32
          %dma_wait3A_91 = tpu.memref_slice %arg7[%add3A_60, %dma_wait3A_90] : memref<8x125xi32, #tpu.memory_space<vmem>> -> memref<1x125xi32, #tpu.memory_space<vmem>>
          %dma_wait3A_92 = tpu.memref_squeeze %dma_wait3A_91 : memref<1x125xi32, #tpu.memory_space<vmem>> -> memref<125xi32, #tpu.memory_space<vmem>>
          %dma_wait3A_93 = arith.constant 0 : i32
          %dma_wait3A_94 = arith.constant 0 : i32
          %dma_wait3A_95 = tpu.memref_slice %arg10[%dma_wait3A_93, %dma_wait3A_94] : memref<10240x128xf32, #tpu.memory_space<vmem_shared>> -> memref<10240x128xf32, #tpu.memory_space<vmem_shared>>
          tpu.wait_indirect_dma semaphore(%run_scoped3A : memref<!tpu.dma_semaphore, #tpu.memory_space<semaphore_mem>>) src(%arg9 : memref<125x128xf32, #tpu.memory_space<vmem>>) dst(%dma_wait3A_95 : memref<10240x128xf32, #tpu.memory_space<vmem_shared>>)
          tpu.yield
        }) : () -> ()
        %add3A_76 = arith.constant 2 : i32
        %add3A_77 = arith.addi %add3A_60, %add3A_76 : i32
        %lt3A_78 = arith.constant 8 : i32
        %lt3A_79 = arith.cmpi slt, %add3A_77, %lt3A_78 : i32
        %convert_element_type3A_80 = arith.extui %lt3A_79 : i1 to i32
        %cond3A_81 = arith.constant 0 : i32
        %cond3A_82 = arith.cmpi ne, %convert_element_type3A_80, %cond3A_81 : i32
        scf.if %cond3A_82 {
          %add3A_84 = arith.constant 2 : i32
          %add3A_85 = arith.addi %add3A_60, %add3A_84 : i32
          %dma_start3A_86 = arith.constant 0 : i32
          %dma_start3A_87 = tpu.memref_slice %arg6[%add3A_85, %dma_start3A_86] : memref<8x125xi32, #tpu.memory_space<vmem>> -> memref<1x125xi32, #tpu.memory_space<vmem>>
          %dma_start3A_88 = tpu.memref_squeeze %dma_start3A_87 : memref<1x125xi32, #tpu.memory_space<vmem>> -> memref<125xi32, #tpu.memory_space<vmem>>
          %dma_start3A_89 = arith.constant 0 : i32
          %dma_start3A_90 = arith.constant 0 : i32
          %dma_start3A_91 = tpu.memref_slice %arg2[%dma_start3A_89, %dma_start3A_90] : memref<10240x128xf32, #tpu.memory_space<hbm>> -> memref<10240x128xf32, #tpu.memory_space<hbm>>
          tpu.enqueue_indirect_dma source(%dma_start3A_91 : memref<10240x128xf32, #tpu.memory_space<hbm>>) target(%arg9 : memref<125x128xf32, #tpu.memory_space<vmem>>) offsets(%dma_start3A_88 : memref<125xi32, #tpu.memory_space<vmem>>) semaphore(%arg12 : memref<!tpu.dma_semaphore, #tpu.memory_space<semaphore_mem>>)
        } else {
        }
        %scan3A_83 = arith.constant 0 : i32
        scf.yield %scan3A_83 : i32
      }
      %scan3A_53 = arith.constant 4 : i32
      %scan3A_54 = arith.constant 0 : i32
      scf.yield %scan3A_54 : i32
    }
    %scan3A_23 = arith.constant 10 : i32
    %barrier3A_24 = arith.constant 0 : index
    tpu.barrier barrier_id(%barrier3A_24)
    %scan3A_25 = arith.constant 0 : i32
    %scan3A_26 = arith.constant 0 : i32
    %scan3A_27 = arith.constant 8 : i32
    %scan3A_28 = arith.addi %scan3A_26, %scan3A_27 : i32
    %scan3A_29 = arith.constant 1 : i32
    %scan3A_30 = scf.for %scan3A_32 = %scan3A_26 to %scan3A_28 step %scan3A_29 iter_args(%scan3A_33 = %scan3A_25) -> (i32)  : i32 {
      %mul3A_34 = arith.constant 80 : i32
      %mul3A_35 = arith.muli %scan3A_32, %mul3A_34 : i32
      %add3A_36 = arith.addi %mul3A_9, %mul3A_35 : i32
      %mul3A_37 = arith.constant 80 : i32
      %mul3A_38 = arith.muli %scan3A_32, %mul3A_37 : i32
      %add3A_39 = arith.addi %mul3A_9, %mul3A_38 : i32
      "tpu.region"() ({
        %run_scoped3A = tpu.sem_alloc : memref<!tpu.dma_semaphore, #tpu.memory_space<semaphore_mem>>
        %dma_start3A = arith.constant 0 : i32
        %dma_start3A_41 = tpu.memref_slice %arg5[%arg0, %add3A_39, %dma_start3A] : memref<2x10240x128xf32, #tpu.memory_space<hbm>> -> memref<1x80x128xf32, #tpu.memory_space<hbm>>
        %dma_start3A_42 = tpu.memref_squeeze %dma_start3A_41 : memref<1x80x128xf32, #tpu.memory_space<hbm>> -> memref<80x128xf32, #tpu.memory_space<hbm>>
        %dma_start3A_43 = arith.constant 0 : i32
        %dma_start3A_44 = tpu.memref_slice %arg10[%add3A_36, %dma_start3A_43] : memref<10240x128xf32, #tpu.memory_space<vmem_shared>> -> memref<80x128xf32, #tpu.memory_space<vmem_shared>>
        tpu.enqueue_dma source(%dma_start3A_44 : memref<80x128xf32, #tpu.memory_space<vmem_shared>>) target(%dma_start3A_42 : memref<80x128xf32, #tpu.memory_space<hbm>>) target_semaphore(%run_scoped3A : memref<!tpu.dma_semaphore, #tpu.memory_space<semaphore_mem>>)
        %dma_wait3A = arith.constant 0 : i32
        %dma_wait3A_45 = tpu.memref_slice %arg5[%arg0, %add3A_39, %dma_wait3A] : memref<2x10240x128xf32, #tpu.memory_space<hbm>> -> memref<1x80x128xf32, #tpu.memory_space<hbm>>
        %dma_wait3A_46 = tpu.memref_squeeze %dma_wait3A_45 : memref<1x80x128xf32, #tpu.memory_space<hbm>> -> memref<80x128xf32, #tpu.memory_space<hbm>>
        %dma_wait3A_47 = arith.constant 0 : i32
        %dma_wait3A_48 = tpu.memref_slice %arg10[%add3A_36, %dma_wait3A_47] : memref<10240x128xf32, #tpu.memory_space<vmem_shared>> -> memref<80x128xf32, #tpu.memory_space<vmem_shared>>
        tpu.wait_dma2 semaphore(%run_scoped3A : memref<!tpu.dma_semaphore, #tpu.memory_space<semaphore_mem>>) src(%dma_wait3A_48 : memref<80x128xf32, #tpu.memory_space<vmem_shared>>) dst(%dma_wait3A_46 : memref<80x128xf32, #tpu.memory_space<hbm>>)
        tpu.yield
      }) : () -> ()
      %scan3A_40 = arith.constant 0 : i32
      scf.yield %scan3A_40 : i32
    }
    %scan3A_31 = arith.constant 8 : i32
    return
  }
}

module attributes {stable_mosaic.version = 14 : i64} {
  func.func @_prep_body(%arg0: i32, %arg1: memref<2x5120xf32, #tpu.memory_space<vmem>>, %arg2: memref<2x5120xf32, #tpu.memory_space<vmem>>, %arg3: memref<5120x128xf32, #tpu.memory_space<vmem>>, %arg4: memref<5120x1xf32, #tpu.memory_space<vmem>>, %arg5: memref<5120x1xf32, #tpu.memory_space<vmem>>, %arg6: memref<5120x128xf32, #tpu.memory_space<vmem>>) attributes {dimension_semantics = [#tpu.dimension_semantics<arbitrary>], iteration_bounds = array<i64: 2>, scalar_prefetch = 0 : i64, scratch_operands = 0 : i64, tpu.core_type = #tpu.core_type<tc>, window_params = [{transform_indices = @transform_0, window_bounds = array<i64: 2, 5120>}, {transform_indices = @transform_1, window_bounds = array<i64: 2, 5120>}, {transform_indices = @transform_2, window_bounds = array<i64: 5120, 128>}, {transform_indices = @transform_3, window_bounds = array<i64: 5120, 1>}, {transform_indices = @transform_4, window_bounds = array<i64: 5120, 1>}, {transform_indices = @transform_5, window_bounds = array<i64: 5120, 128>}]} {
    %get3A = arith.constant 0 : index
    %get3A_0 = arith.constant 0 : index
    %get3A_1 = vector.load %arg1[%get3A, %get3A_0] : memref<2x5120xf32, #tpu.memory_space<vmem>>, vector<2x5120xf32>
    %reduce_sum3A = arith.constant dense<0.000000e+00> : vector<5120xf32>
    %reduce_sum3A_2 = vector.multi_reduction <add>, %get3A_1, %reduce_sum3A [0] : vector<2x5120xf32> to vector<5120xf32>
    %get3A_3 = arith.constant 0 : index
    %get3A_4 = arith.constant 0 : index
    %get3A_5 = vector.load %arg2[%get3A_3, %get3A_4] : memref<2x5120xf32, #tpu.memory_space<vmem>>, vector<2x5120xf32>
    %reduce_sum3A_6 = arith.constant dense<0.000000e+00> : vector<5120xf32>
    %reduce_sum3A_7 = vector.multi_reduction <add>, %get3A_5, %reduce_sum3A_6 [0] : vector<2x5120xf32> to vector<5120xf32>
    %sub3A = arith.subf %reduce_sum3A_2, %reduce_sum3A_7 : vector<5120xf32>
    %gt3A = arith.constant 0.000000e+00 : f32
    %gt3A_8 = vector.broadcast %gt3A : f32 to vector<5120xf32>
    %gt3A_9 = arith.cmpf ogt, %sub3A, %gt3A_8 : vector<5120xf32>
    %max3A = arith.constant 1.000000e-30 : f32
    %max3A_10 = vector.broadcast %max3A : f32 to vector<5120xf32>
    %max3A_11 = arith.maximumf %sub3A, %max3A_10 : vector<5120xf32>
    %rsqrt3A = math.rsqrt %max3A_11 : vector<5120xf32>
    %jit3A = arith.constant 0.000000e+00 : f32
    %broadcast_in_dim3A = vector.broadcast %jit3A : f32 to vector<5120xf32>
    %select_n3A = arith.select %gt3A_9, %rsqrt3A, %broadcast_in_dim3A : vector<5120xi1>, vector<5120xf32>
    %broadcast_in_dim3A_12 = vector.shape_cast %select_n3A : vector<5120xf32> to vector<5120x1xf32>
    %swap3A = arith.constant 0 : index
    %swap3A_13 = arith.constant 0 : index
    %swap3A_14 = vector.load %arg4[%swap3A, %swap3A_13] : memref<5120x1xf32, #tpu.memory_space<vmem>>, vector<5120x1xf32>
    tpu.vector_store %arg4[%swap3A, %swap3A_13], %broadcast_in_dim3A_12 {strides = array<i32>} : memref<5120x1xf32, #tpu.memory_space<vmem>>, vector<5120x1xf32>,
    %broadcast_in_dim3A_15 = vector.shape_cast %reduce_sum3A_7 : vector<5120xf32> to vector<5120x1xf32>
    %swap3A_16 = arith.constant 0 : index
    %swap3A_17 = arith.constant 0 : index
    %swap3A_18 = vector.load %arg5[%swap3A_16, %swap3A_17] : memref<5120x1xf32, #tpu.memory_space<vmem>>, vector<5120x1xf32>
    tpu.vector_store %arg5[%swap3A_16, %swap3A_17], %broadcast_in_dim3A_15 {strides = array<i32>} : memref<5120x1xf32, #tpu.memory_space<vmem>>, vector<5120x1xf32>,
    %broadcast_in_dim3A_19 = vector.shape_cast %select_n3A : vector<5120xf32> to vector<5120x1xf32>
    %get3A_20 = arith.constant 0 : index
    %get3A_21 = arith.constant 0 : index
    %get3A_22 = vector.load %arg3[%get3A_20, %get3A_21] : memref<5120x128xf32, #tpu.memory_space<vmem>>, vector<5120x128xf32>
    %mul3A = vector.broadcast %broadcast_in_dim3A_19 : vector<5120x1xf32> to vector<5120x128xf32>
    %mul3A_23 = arith.mulf %mul3A, %get3A_22 : vector<5120x128xf32>
    %swap3A_24 = arith.constant 0 : index
    %swap3A_25 = arith.constant 0 : index
    %swap3A_26 = vector.load %arg6[%swap3A_24, %swap3A_25] : memref<5120x128xf32, #tpu.memory_space<vmem>>, vector<5120x128xf32>
    tpu.vector_store %arg6[%swap3A_24, %swap3A_25], %mul3A_23 {strides = array<i32>} : memref<5120x128xf32, #tpu.memory_space<vmem>>, vector<5120x128xf32>,
    return
  }
  func.func @transform_0(%arg0: i32) -> (i32, i32) {
    %c0_i32 = arith.constant 0 : i32
    %c0_i32_0 = arith.constant 0 : i32
    return %c0_i32, %arg0 : i32, i32
  }
  func.func @transform_1(%arg0: i32) -> (i32, i32) {
    %c0_i32 = arith.constant 0 : i32
    %c0_i32_0 = arith.constant 0 : i32
    return %c0_i32, %arg0 : i32, i32
  }
  func.func @transform_2(%arg0: i32) -> (i32, i32) {
    %c0_i32 = arith.constant 0 : i32
    %c0_i32_0 = arith.constant 0 : i32
    return %arg0, %c0_i32 : i32, i32
  }
  func.func @transform_3(%arg0: i32) -> (i32, i32) {
    %c0_i32 = arith.constant 0 : i32
    %c0_i32_0 = arith.constant 0 : i32
    return %arg0, %c0_i32 : i32, i32
  }
  func.func @transform_4(%arg0: i32) -> (i32, i32) {
    %c0_i32 = arith.constant 0 : i32
    %c0_i32_0 = arith.constant 0 : i32
    return %arg0, %c0_i32 : i32, i32
  }
  func.func @transform_5(%arg0: i32) -> (i32, i32) {
    %c0_i32 = arith.constant 0 : i32
    %c0_i32_0 = arith.constant 0 : i32
    return %arg0, %c0_i32 : i32, i32
  }
}

module attributes {stable_mosaic.version = 14 : i64} {
  func.func @_mm_body(%arg0: i32, %arg1: memref<5120x128xf32, #tpu.memory_space<vmem>>, %arg2: memref<128x128xf32, #tpu.memory_space<vmem>>, %arg3: memref<1x128xf32, #tpu.memory_space<vmem>>, %arg4: memref<5120x128xf32, #tpu.memory_space<vmem>>) attributes {dimension_semantics = [#tpu.dimension_semantics<arbitrary>], iteration_bounds = array<i64: 2>, scalar_prefetch = 0 : i64, scratch_operands = 0 : i64, tpu.core_type = #tpu.core_type<tc>, window_params = [{transform_indices = @transform_0, window_bounds = array<i64: 5120, 128>}, {pipeline_mode = #tpu.pipeline_mode<synchronous>, transform_indices = @transform_1, window_bounds = array<i64: 128, 128>}, {pipeline_mode = #tpu.pipeline_mode<synchronous>, transform_indices = @transform_2, window_bounds = array<i64: 1, 128>}, {transform_indices = @transform_3, window_bounds = array<i64: 5120, 128>}]} {
    %get3A = arith.constant 0 : index
    %get3A_0 = arith.constant 0 : index
    %get3A_1 = vector.load %arg1[%get3A, %get3A_0] : memref<5120x128xf32, #tpu.memory_space<vmem>>, vector<5120x128xf32>
    %get3A_2 = arith.constant 0 : index
    %get3A_3 = arith.constant 0 : index
    %get3A_4 = vector.load %arg2[%get3A_2, %get3A_3] : memref<128x128xf32, #tpu.memory_space<vmem>>, vector<128x128xf32>
    %dot_general3A = arith.constant dense<0.000000e+00> : vector<5120x128xf32>
    %dot_general3A_5 = tpu.matmul %get3A_1, %get3A_4, %dot_general3A {dimension_numbers = #tpu.dot_dimension_numbers<[1], [0], [0], [1], [0, 0, 1, 1], [], []>, transpose_lhs_hint = false} : vector<5120x128xf32>, vector<128x128xf32>, vector<5120x128xf32> -> vector<5120x128xf32>
    %get3A_6 = arith.constant 0 : index
    %get3A_7 = arith.constant 0 : index
    %get3A_8 = vector.load %arg3[%get3A_6, %get3A_7] : memref<1x128xf32, #tpu.memory_space<vmem>>, vector<1x128xf32>
    %add3A = vector.broadcast %get3A_8 : vector<1x128xf32> to vector<5120x128xf32>
    %add3A_9 = arith.addf %dot_general3A_5, %add3A : vector<5120x128xf32>
    %swap3A = arith.constant 0 : index
    %swap3A_10 = arith.constant 0 : index
    %swap3A_11 = vector.load %arg4[%swap3A, %swap3A_10] : memref<5120x128xf32, #tpu.memory_space<vmem>>, vector<5120x128xf32>
    tpu.vector_store %arg4[%swap3A, %swap3A_10], %add3A_9 {strides = array<i32>} : memref<5120x128xf32, #tpu.memory_space<vmem>>, vector<5120x128xf32>,
    return
  }
  func.func @transform_0(%arg0: i32) -> (i32, i32) {
    %c0_i32 = arith.constant 0 : i32
    %c0_i32_0 = arith.constant 0 : i32
    return %arg0, %c0_i32 : i32, i32
  }
  func.func @transform_1(%arg0: i32) -> (i32, i32) {
    %c0_i32 = arith.constant 0 : i32
    %c0_i32_0 = arith.constant 0 : i32
    %c0_i32_1 = arith.constant 0 : i32
    return %c0_i32, %c0_i32_0 : i32, i32
  }
  func.func @transform_2(%arg0: i32) -> (i32, i32) {
    %c0_i32 = arith.constant 0 : i32
    %c0_i32_0 = arith.constant 0 : i32
    %c0_i32_1 = arith.constant 0 : i32
    return %c0_i32, %c0_i32_0 : i32, i32
  }
  func.func @transform_3(%arg0: i32) -> (i32, i32) {
    %c0_i32 = arith.constant 0 : i32
    %c0_i32_0 = arith.constant 0 : i32
    return %arg0, %c0_i32 : i32, i32
  }
}

module attributes {stable_mosaic.version = 14 : i64} {
  func.func @_layer_body(%arg0: i32, %arg1: memref<5120x128xf32, #tpu.memory_space<vmem>>, %arg2: memref<5120x128xf32, #tpu.memory_space<vmem>>, %arg3: memref<2x5120x128xf32, #tpu.memory_space<vmem>>, %arg4: memref<5120x1xf32, #tpu.memory_space<vmem>>, %arg5: memref<5120x1xf32, #tpu.memory_space<vmem>>, %arg6: memref<128x128xf32, #tpu.memory_space<vmem>>, %arg7: memref<5120x128xf32, #tpu.memory_space<vmem>>, %arg8: memref<5120x128xf32, #tpu.memory_space<vmem>>) attributes {dimension_semantics = [#tpu.dimension_semantics<arbitrary>], iteration_bounds = array<i64: 2>, scalar_prefetch = 0 : i64, scratch_operands = 0 : i64, tpu.core_type = #tpu.core_type<tc>, window_params = [{transform_indices = @transform_0, window_bounds = array<i64: 5120, 128>}, {transform_indices = @transform_1, window_bounds = array<i64: 5120, 128>}, {transform_indices = @transform_2, window_bounds = array<i64: 2, 5120, 128>}, {transform_indices = @transform_3, window_bounds = array<i64: 5120, 1>}, {transform_indices = @transform_4, window_bounds = array<i64: 5120, 1>}, {pipeline_mode = #tpu.pipeline_mode<synchronous>, transform_indices = @transform_5, window_bounds = array<i64: 128, 128>}, {transform_indices = @transform_6, window_bounds = array<i64: 5120, 128>}, {transform_indices = @transform_7, window_bounds = array<i64: 5120, 128>}]} {
    %get3A = arith.constant 0 : index
    %get3A_0 = arith.constant 0 : index
    %get3A_1 = vector.load %arg4[%get3A, %get3A_0] : memref<5120x1xf32, #tpu.memory_space<vmem>>, vector<5120x1xf32>
    %neg3A = arith.constant 0.000000e+00 : f32
    %neg3A_2 = vector.broadcast %neg3A : f32 to vector<5120x1xf32>
    %neg3A_3 = arith.subf %neg3A_2, %get3A_1 : vector<5120x1xf32>
    %get3A_4 = arith.constant 0 : index
    %get3A_5 = arith.constant 0 : index
    %get3A_6 = arith.constant 0 : index
    %get3A_7 = vector.load %arg3[%get3A_4, %get3A_5, %get3A_6] : memref<2x5120x128xf32, #tpu.memory_space<vmem>>, vector<1x5120x128xf32>
    %get3A_8 = vector.shape_cast %get3A_7 : vector<1x5120x128xf32> to vector<5120x128xf32>
    %get3A_9 = arith.constant 1 : index
    %get3A_10 = arith.constant 0 : index
    %get3A_11 = arith.constant 0 : index
    %get3A_12 = vector.load %arg3[%get3A_9, %get3A_10, %get3A_11] : memref<2x5120x128xf32, #tpu.memory_space<vmem>>, vector<1x5120x128xf32>
    %get3A_13 = vector.shape_cast %get3A_12 : vector<1x5120x128xf32> to vector<5120x128xf32>
    %add3A = arith.addf %get3A_8, %get3A_13 : vector<5120x128xf32>
    %get3A_14 = arith.constant 0 : index
    %get3A_15 = arith.constant 0 : index
    %get3A_16 = vector.load %arg5[%get3A_14, %get3A_15] : memref<5120x1xf32, #tpu.memory_space<vmem>>, vector<5120x1xf32>
    %get3A_17 = arith.constant 0 : index
    %get3A_18 = arith.constant 0 : index
    %get3A_19 = vector.load %arg2[%get3A_17, %get3A_18] : memref<5120x128xf32, #tpu.memory_space<vmem>>, vector<5120x128xf32>
    %mul3A = vector.broadcast %get3A_16 : vector<5120x1xf32> to vector<5120x128xf32>
    %mul3A_20 = arith.mulf %mul3A, %get3A_19 : vector<5120x128xf32>
    %sub3A = arith.subf %add3A, %mul3A_20 : vector<5120x128xf32>
    %mul3A_21 = vector.broadcast %neg3A_3 : vector<5120x1xf32> to vector<5120x128xf32>
    %mul3A_22 = arith.mulf %mul3A_21, %sub3A : vector<5120x128xf32>
    %get3A_23 = arith.constant 0 : index
    %get3A_24 = arith.constant 0 : index
    %get3A_25 = vector.load %arg1[%get3A_23, %get3A_24] : memref<5120x128xf32, #tpu.memory_space<vmem>>, vector<5120x128xf32>
    %get3A_26 = arith.constant 0 : index
    %get3A_27 = arith.constant 0 : index
    %get3A_28 = vector.load %arg6[%get3A_26, %get3A_27] : memref<128x128xf32, #tpu.memory_space<vmem>>, vector<128x128xf32>
    %dot_general3A = arith.constant dense<0.000000e+00> : vector<5120x128xf32>
    %dot_general3A_29 = tpu.matmul %mul3A_22, %get3A_28, %dot_general3A {dimension_numbers = #tpu.dot_dimension_numbers<[1], [0], [0], [1], [0, 0, 1, 1], [], []>, transpose_lhs_hint = false} : vector<5120x128xf32>, vector<128x128xf32>, vector<5120x128xf32> -> vector<5120x128xf32>
    %add3A_30 = arith.addf %get3A_25, %dot_general3A_29 : vector<5120x128xf32>
    %max3A = arith.constant 0.000000e+00 : f32
    %max3A_31 = vector.broadcast %max3A : f32 to vector<5120x128xf32>
    %max3A_32 = arith.maximumf %add3A_30, %max3A_31 : vector<5120x128xf32>
    %swap3A = arith.constant 0 : index
    %swap3A_33 = arith.constant 0 : index
    %swap3A_34 = vector.load %arg7[%swap3A, %swap3A_33] : memref<5120x128xf32, #tpu.memory_space<vmem>>, vector<5120x128xf32>
    tpu.vector_store %arg7[%swap3A, %swap3A_33], %max3A_32 {strides = array<i32>} : memref<5120x128xf32, #tpu.memory_space<vmem>>, vector<5120x128xf32>,
    %mul3A_35 = vector.broadcast %get3A_1 : vector<5120x1xf32> to vector<5120x128xf32>
    %mul3A_36 = arith.mulf %mul3A_35, %max3A_32 : vector<5120x128xf32>
    %swap3A_37 = arith.constant 0 : index
    %swap3A_38 = arith.constant 0 : index
    %swap3A_39 = vector.load %arg8[%swap3A_37, %swap3A_38] : memref<5120x128xf32, #tpu.memory_space<vmem>>, vector<5120x128xf32>
    tpu.vector_store %arg8[%swap3A_37, %swap3A_38], %mul3A_36 {strides = array<i32>} : memref<5120x128xf32, #tpu.memory_space<vmem>>, vector<5120x128xf32>,
    return
  }
  func.func @transform_0(%arg0: i32) -> (i32, i32) {
    %c0_i32 = arith.constant 0 : i32
    %c0_i32_0 = arith.constant 0 : i32
    return %arg0, %c0_i32 : i32, i32
  }
  func.func @transform_1(%arg0: i32) -> (i32, i32) {
    %c0_i32 = arith.constant 0 : i32
    %c0_i32_0 = arith.constant 0 : i32
    return %arg0, %c0_i32 : i32, i32
  }
  func.func @transform_2(%arg0: i32) -> (i32, i32, i32) {
    %c0_i32 = arith.constant 0 : i32
    %c0_i32_0 = arith.constant 0 : i32
    %c0_i32_1 = arith.constant 0 : i32
    return %c0_i32, %arg0, %c0_i32_0 : i32, i32, i32
  }
  func.func @transform_3(%arg0: i32) -> (i32, i32) {
    %c0_i32 = arith.constant 0 : i32
    %c0_i32_0 = arith.constant 0 : i32
    return %arg0, %c0_i32 : i32, i32
  }
  func.func @transform_4(%arg0: i32) -> (i32, i32) {
    %c0_i32 = arith.constant 0 : i32
    %c0_i32_0 = arith.constant 0 : i32
    return %arg0, %c0_i32 : i32, i32
  }
  func.func @transform_5(%arg0: i32) -> (i32, i32) {
    %c0_i32 = arith.constant 0 : i32
    %c0_i32_0 = arith.constant 0 : i32
    %c0_i32_1 = arith.constant 0 : i32
    return %c0_i32, %c0_i32_0 : i32, i32
  }
  func.func @transform_6(%arg0: i32) -> (i32, i32) {
    %c0_i32 = arith.constant 0 : i32
    %c0_i32_0 = arith.constant 0 : i32
    return %arg0, %c0_i32 : i32, i32
  }
  func.func @transform_7(%arg0: i32) -> (i32, i32) {
    %c0_i32 = arith.constant 0 : i32
    %c0_i32_0 = arith.constant 0 : i32
    return %arg0, %c0_i32 : i32, i32
  }
}

module attributes {stable_mosaic.version = 14 : i64} {
  func.func @_final_body(%arg0: i32, %arg1: memref<5120x128xf32, #tpu.memory_space<vmem>>, %arg2: memref<5120x128xf32, #tpu.memory_space<vmem>>, %arg3: memref<2x5120x128xf32, #tpu.memory_space<vmem>>, %arg4: memref<5120x1xf32, #tpu.memory_space<vmem>>, %arg5: memref<5120x1xf32, #tpu.memory_space<vmem>>, %arg6: memref<128x128xf32, #tpu.memory_space<vmem>>, %arg7: memref<128x2xf32, #tpu.memory_space<vmem>>, %arg8: memref<1x2xf32, #tpu.memory_space<vmem>>, %arg9: memref<5120x2xf32, #tpu.memory_space<vmem>>) attributes {dimension_semantics = [#tpu.dimension_semantics<arbitrary>], iteration_bounds = array<i64: 2>, scalar_prefetch = 0 : i64, scratch_operands = 0 : i64, tpu.core_type = #tpu.core_type<tc>, window_params = [{transform_indices = @transform_0, window_bounds = array<i64: 5120, 128>}, {transform_indices = @transform_1, window_bounds = array<i64: 5120, 128>}, {transform_indices = @transform_2, window_bounds = array<i64: 2, 5120, 128>}, {transform_indices = @transform_3, window_bounds = array<i64: 5120, 1>}, {transform_indices = @transform_4, window_bounds = array<i64: 5120, 1>}, {pipeline_mode = #tpu.pipeline_mode<synchronous>, transform_indices = @transform_5, window_bounds = array<i64: 128, 128>}, {pipeline_mode = #tpu.pipeline_mode<synchronous>, transform_indices = @transform_6, window_bounds = array<i64: 128, 2>}, {pipeline_mode = #tpu.pipeline_mode<synchronous>, transform_indices = @transform_7, window_bounds = array<i64: 1, 2>}, {transform_indices = @transform_8, window_bounds = array<i64: 5120, 2>}]} {
    %get3A = arith.constant 0 : index
    %get3A_0 = arith.constant 0 : index
    %get3A_1 = vector.load %arg4[%get3A, %get3A_0] : memref<5120x1xf32, #tpu.memory_space<vmem>>, vector<5120x1xf32>
    %neg3A = arith.constant 0.000000e+00 : f32
    %neg3A_2 = vector.broadcast %neg3A : f32 to vector<5120x1xf32>
    %neg3A_3 = arith.subf %neg3A_2, %get3A_1 : vector<5120x1xf32>
    %get3A_4 = arith.constant 0 : index
    %get3A_5 = arith.constant 0 : index
    %get3A_6 = arith.constant 0 : index
    %get3A_7 = vector.load %arg3[%get3A_4, %get3A_5, %get3A_6] : memref<2x5120x128xf32, #tpu.memory_space<vmem>>, vector<1x5120x128xf32>
    %get3A_8 = vector.shape_cast %get3A_7 : vector<1x5120x128xf32> to vector<5120x128xf32>
    %get3A_9 = arith.constant 1 : index
    %get3A_10 = arith.constant 0 : index
    %get3A_11 = arith.constant 0 : index
    %get3A_12 = vector.load %arg3[%get3A_9, %get3A_10, %get3A_11] : memref<2x5120x128xf32, #tpu.memory_space<vmem>>, vector<1x5120x128xf32>
    %get3A_13 = vector.shape_cast %get3A_12 : vector<1x5120x128xf32> to vector<5120x128xf32>
    %add3A = arith.addf %get3A_8, %get3A_13 : vector<5120x128xf32>
    %get3A_14 = arith.constant 0 : index
    %get3A_15 = arith.constant 0 : index
    %get3A_16 = vector.load %arg5[%get3A_14, %get3A_15] : memref<5120x1xf32, #tpu.memory_space<vmem>>, vector<5120x1xf32>
    %get3A_17 = arith.constant 0 : index
    %get3A_18 = arith.constant 0 : index
    %get3A_19 = vector.load %arg2[%get3A_17, %get3A_18] : memref<5120x128xf32, #tpu.memory_space<vmem>>, vector<5120x128xf32>
    %mul3A = vector.broadcast %get3A_16 : vector<5120x1xf32> to vector<5120x128xf32>
    %mul3A_20 = arith.mulf %mul3A, %get3A_19 : vector<5120x128xf32>
    %sub3A = arith.subf %add3A, %mul3A_20 : vector<5120x128xf32>
    %mul3A_21 = vector.broadcast %neg3A_3 : vector<5120x1xf32> to vector<5120x128xf32>
    %mul3A_22 = arith.mulf %mul3A_21, %sub3A : vector<5120x128xf32>
    %get3A_23 = arith.constant 0 : index
    %get3A_24 = arith.constant 0 : index
    %get3A_25 = vector.load %arg1[%get3A_23, %get3A_24] : memref<5120x128xf32, #tpu.memory_space<vmem>>, vector<5120x128xf32>
    %get3A_26 = arith.constant 0 : index
    %get3A_27 = arith.constant 0 : index
    %get3A_28 = vector.load %arg6[%get3A_26, %get3A_27] : memref<128x128xf32, #tpu.memory_space<vmem>>, vector<128x128xf32>
    %dot_general3A = arith.constant dense<0.000000e+00> : vector<5120x128xf32>
    %dot_general3A_29 = tpu.matmul %mul3A_22, %get3A_28, %dot_general3A {dimension_numbers = #tpu.dot_dimension_numbers<[1], [0], [0], [1], [0, 0, 1, 1], [], []>, transpose_lhs_hint = false} : vector<5120x128xf32>, vector<128x128xf32>, vector<5120x128xf32> -> vector<5120x128xf32>
    %add3A_30 = arith.addf %get3A_25, %dot_general3A_29 : vector<5120x128xf32>
    %max3A = arith.constant 0.000000e+00 : f32
    %max3A_31 = vector.broadcast %max3A : f32 to vector<5120x128xf32>
    %max3A_32 = arith.maximumf %add3A_30, %max3A_31 : vector<5120x128xf32>
    %get3A_33 = arith.constant 0 : index
    %get3A_34 = arith.constant 0 : index
    %get3A_35 = vector.load %arg7[%get3A_33, %get3A_34] : memref<128x2xf32, #tpu.memory_space<vmem>>, vector<128x2xf32>
    %dot_general3A_36 = arith.constant dense<0.000000e+00> : vector<5120x2xf32>
    %dot_general3A_37 = tpu.matmul %max3A_32, %get3A_35, %dot_general3A_36 {dimension_numbers = #tpu.dot_dimension_numbers<[1], [0], [0], [1], [0, 0, 1, 1], [], []>, transpose_lhs_hint = false} : vector<5120x128xf32>, vector<128x2xf32>, vector<5120x2xf32> -> vector<5120x2xf32>
    %get3A_38 = arith.constant 0 : index
    %get3A_39 = arith.constant 0 : index
    %get3A_40 = vector.load %arg8[%get3A_38, %get3A_39] : memref<1x2xf32, #tpu.memory_space<vmem>>, vector<1x2xf32>
    %add3A_41 = vector.broadcast %get3A_40 : vector<1x2xf32> to vector<5120x2xf32>
    %add3A_42 = arith.addf %dot_general3A_37, %add3A_41 : vector<5120x2xf32>
    %swap3A = arith.constant 0 : index
    %swap3A_43 = arith.constant 0 : index
    %swap3A_44 = vector.load %arg9[%swap3A, %swap3A_43] : memref<5120x2xf32, #tpu.memory_space<vmem>>, vector<5120x2xf32>
    tpu.vector_store %arg9[%swap3A, %swap3A_43], %add3A_42 {strides = array<i32>} : memref<5120x2xf32, #tpu.memory_space<vmem>>, vector<5120x2xf32>,
    return
  }
  func.func @transform_0(%arg0: i32) -> (i32, i32) {
    %c0_i32 = arith.constant 0 : i32
    %c0_i32_0 = arith.constant 0 : i32
    return %arg0, %c0_i32 : i32, i32
  }
  func.func @transform_1(%arg0: i32) -> (i32, i32) {
    %c0_i32 = arith.constant 0 : i32
    %c0_i32_0 = arith.constant 0 : i32
    return %arg0, %c0_i32 : i32, i32
  }
  func.func @transform_2(%arg0: i32) -> (i32, i32, i32) {
    %c0_i32 = arith.constant 0 : i32
    %c0_i32_0 = arith.constant 0 : i32
    %c0_i32_1 = arith.constant 0 : i32
    return %c0_i32, %arg0, %c0_i32_0 : i32, i32, i32
  }
  func.func @transform_3(%arg0: i32) -> (i32, i32) {
    %c0_i32 = arith.constant 0 : i32
    %c0_i32_0 = arith.constant 0 : i32
    return %arg0, %c0_i32 : i32, i32
  }
  func.func @transform_4(%arg0: i32) -> (i32, i32) {
    %c0_i32 = arith.constant 0 : i32
    %c0_i32_0 = arith.constant 0 : i32
    return %arg0, %c0_i32 : i32, i32
  }
  func.func @transform_5(%arg0: i32) -> (i32, i32) {
    %c0_i32 = arith.constant 0 : i32
    %c0_i32_0 = arith.constant 0 : i32
    %c0_i32_1 = arith.constant 0 : i32
    return %c0_i32, %c0_i32_0 : i32, i32
  }
  func.func @transform_6(%arg0: i32) -> (i32, i32) {
    %c0_i32 = arith.constant 0 : i32
    %c0_i32_0 = arith.constant 0 : i32
    %c0_i32_1 = arith.constant 0 : i32
    return %c0_i32, %c0_i32_0 : i32, i32
  }
  func.func @transform_7(%arg0: i32) -> (i32, i32) {
    %c0_i32 = arith.constant 0 : i32
    %c0_i32_0 = arith.constant 0 : i32
    %c0_i32_1 = arith.constant 0 : i32
    return %c0_i32, %c0_i32_0 : i32, i32
  }
  func.func @transform_8(%arg0: i32) -> (i32, i32) {
    %c0_i32 = arith.constant 0 : i32
    %c0_i32_0 = arith.constant 0 : i32
    return %arg0, %c0_i32 : i32, i32
  }
}

</mosaic_0001>

<sc_bundles>
// kernel: kernel.10.cloned.1.call-start
scs
__scs_entry_jumppad:
0x0: {  	(pc) =	sbr.rel $0x88, $3  }
0x1: {  	(tag) =	ssettag $0x0;
	lr =	simm.s32 $0x1  }
0x2: {  	[smem:$0x3F97] =	sst lr;
	_ =	strace $0xD0000000  }
0x3: {  	_ = 	snop  }
0x4: {  	_ = 	snop  }
0x5: {  	_ = 	snop  }
0x6: {  	_ = 	snop  }
0x7: {  	_ = 	snop  }
__scs_overlays_trampoline_lowered:
0x8: {  	[smem:$0x3FA6] =	sst s0  }
0x9: {  	[smem:$0x3FA7] =	sst s1  }
0xa: {  	[smem:$0x3FA8] =	sst s2  }
0xb: {  	[smem:$0x3FA9] =	sst s3  }
0xc: {  	[smem:$0x3FAA] =	sst s4  }
0xd: {  	[smem:$0x3FAB] =	sst s5  }
0xe: {  	[smem:$0x3FAC] =	sst s6  }
0xf: {  	[smem:$0x3FAD] =	sst s7  }
0x10: {  	[smem:$0x3FAE] =	sst s8  }
0x11: {  	[smem:$0x3FAF] =	sst s9;
	s0 =	simm.s32 @!p0 $0x0  }
0x12: {  	s1 =	sld [smem:$0x3F95];
	s0 =	simm.s32 @p0 $0x1  }
0x13: {  	[smem:$0x3FB0] =	sst s0;
	s0 =	simm.s32 @!p1 $0x0  }
0x14: {  	s2 =	sld [smem:$0x3F94];
	s0 =	simm.s32 @p1 $0x1  }
0x15: {  	[smem:$0x3FB1] =	sst s0;
	s0 =	simm.s32 @!p2 $0x0  }
0x16: {  	s3 =	sld [smem:$0x3FDB];
	s0 =	simm.s32 @p2 $0x1  }
0x17: {  	s4 =	simm.s32 $0x1BF5;
	[smem:$0x3FB3] =	sst s0  }
0x18: {  	s0 =	sld [smem:$0x3F96];
	_ =	swait.ge [sflag:s4], $0x0  }
0x19: {  	s7 =	sld [smem:$0x3F97]  }
0x1a: {  	s8 =	sadd.s32 $0xFFFFE003, lr  }
0x1b: {  	s9 =	sadd.s32 $0xFFFFFEF7, lr;
	s5 =	simm.s32 $0xFFFFFFFF;
	p2 =	slt.u32 s8, $0xFFFFF086  }
0x1c: {  	p1 =	slt.u32 s9, $0xF7A;
	s5 =	simm.s32 @!p2 $0x0  }
0x1d: {  	s5 =	simm.s32 @p1 $0x1;
	p0 =	seq.s32 s7, s2  }
0x1e: {  	s7 =	smul.u32 @!p0 $0xF7A, s2;
	p2 =	seq.s32 @!p0 s5, $0x0  }
0x1f: {  	s9 =	smul.u32 $0xF7A, s1;
	s8 =	simm.s32 @!p0 $0x1BF5;
	p2 =	por !p2, p0  }
0x20: {  	[sflag:s8] =	ssyncset.s32 @!p0 $0xFFFFF086;
	s6 =	sadd.s32 @!p0 s3, s7;
	s7 =	simm.s32 @!p0 $0x108  }
0x21: {  	s3 =	sadd.s32 s3, s9;
	s6 =	sadd.s32 @!p0 $0x88, s6;
	s7 =	simm.s32 @p2 $0x1082  }
0x22: {  	[simem:s7], [sflag:s8] =	dma.local @!p0 [hbm:s6], $0xF7A  }
0x23: {  	s9 =	sor.u32 $0xD0000000, s2;
	s6 =	simm.s32 $0x108;
	_ =	swait.ge @!p0 [sflag:s8], $0x0  }
0x24: {  	s3 =	sadd.s32 $0x88, s3;
	s6 =	simm.s32 @!p1 $0x1082;
	[sflag:s4] =	ssyncset.s32 $0xFFFFF086  }
0x25: {  	[simem:s6], [sflag:s4] =	dma.local [hbm:s3], $0xF7A  }
0x26: {  	[smem:$0x3F97] =	sst s1;
	(tag) =	ssettag s2;
	_ =	strace s9  }
0x27: {  	s1 =	sld [smem:$0x3FA7]  }
0x28: {  	s2 =	sld [smem:$0x3FA8]  }
0x29: {  	s4 =	sld [smem:$0x3FAA]  }
0x2a: {  	p0 =	seq.s32 s5, $0x0;
	s5 =	sld [smem:$0x3FAB]  }
0x2b: {  	s6 =	sld [smem:$0x3FAC]  }
0x2c: {  	s7 =	sld [smem:$0x3FAD]  }
0x2d: {  	s3 =	simm.s32 $0x108;
	s8 =	sld [smem:$0x3FAE]  }
0x2e: {  	s3 =	simm.s32 @!p0 $0x1082;
	s9 =	sld [smem:$0x3FAF]  }
0x2f: {  	lr =	sadd.s32 s0, s3;
	s0 =	sld [smem:$0x3FA6]  }
0x30: {  	s3 =	sld [smem:$0x3FA9]  }
0x31: {  	[smem:$0x3FB2] =	sst s10  }
0x32: {  	s10 =	sld [smem:$0x3FB0];
	_ =	sdelay $0x3  }
0x33: {  	p0 =	seq.s32 s10, $0x1;
	s10 =	sld [smem:$0x3FB2];
	_ =	sdelay $0x3  }
0x34: {  	[smem:$0x3FB2] =	sst s10  }
0x35: {  	s10 =	sld [smem:$0x3FB1];
	_ =	sdelay $0x3  }
0x36: {  	p1 =	seq.s32 s10, $0x1;
	s10 =	sld [smem:$0x3FB2];
	_ =	sdelay $0x3  }
0x37: {  	[smem:$0x3FB2] =	sst s10  }
0x38: {  	s10 =	sld [smem:$0x3FB3]  }
0x39: {  	_ = 	snop;
	(pc) =	sbr.ind lr, $3  }
0x3a: {  	_ = 	snop  }
0x3b: {  	_ = 	snop  }
0x3c: {  	p2 =	seq.s32 s10, $0x1;
	s10 =	sld [smem:$0x3FB2]  }
0x3d: {  	_ =	shalt  }
0x3e: {  	_ =	shalt  }
0x3f: {  	_ =	shalt  }
0x40: {  	_ =	shalt  }
0x41: {  	_ =	shalt  }
0x42: {  	_ =	shalt  }
0x43: {  	_ =	shalt  }
0x44: {  	_ =	shalt  }
0x45: {  	_ =	shalt  }
0x46: {  	_ =	shalt  }
0x47: {  	_ =	shalt  }
0x48: {  	_ =	shalt  }
0x49: {  	_ =	shalt  }
0x4a: {  	_ =	shalt  }
0x4b: {  	_ =	shalt  }
0x4c: {  	_ =	shalt  }
0x4d: {  	_ =	shalt  }
0x4e: {  	_ =	shalt  }
0x4f: {  	_ =	shalt  }
0x50: {  	_ =	shalt  }
0x51: {  	_ =	shalt  }
0x52: {  	_ =	shalt  }
0x53: {  	_ =	shalt  }
0x54: {  	_ =	shalt  }
0x55: {  	_ =	shalt  }
0x56: {  	_ =	shalt  }
0x57: {  	_ =	shalt  }
0x58: {  	_ =	shalt  }
0x59: {  	_ =	shalt  }
0x5a: {  	_ =	shalt  }
0x5b: {  	_ =	shalt  }
0x5c: {  	_ =	shalt  }
0x5d: {  	_ =	shalt  }
0x5e: {  	_ =	shalt  }
0x5f: {  	_ =	shalt  }
0x60: {  	_ =	shalt  }
0x61: {  	_ =	shalt  }
0x62: {  	_ =	shalt  }
0x63: {  	_ =	shalt  }
0x64: {  	_ =	shalt  }
0x65: {  	_ =	shalt  }
0x66: {  	_ =	shalt  }
0x67: {  	_ =	shalt  }
0x68: {  	_ =	shalt  }
0x69: {  	_ =	shalt  }
0x6a: {  	_ =	shalt  }
0x6b: {  	_ =	shalt  }
0x6c: {  	_ =	shalt  }
0x6d: {  	_ =	shalt  }
0x6e: {  	_ =	shalt  }
0x6f: {  	_ =	shalt  }
0x70: {  	_ =	shalt  }
0x71: {  	_ =	shalt  }
0x72: {  	_ =	shalt  }
0x73: {  	_ =	shalt  }
0x74: {  	_ =	shalt  }
0x75: {  	_ =	shalt  }
0x76: {  	_ =	shalt  }
0x77: {  	_ =	shalt  }
0x78: {  	_ =	shalt  }
0x79: {  	_ =	shalt  }
0x7a: {  	_ =	shalt  }
0x7b: {  	_ =	shalt  }
0x7c: {  	_ =	shalt  }
0x7d: {  	_ =	shalt  }
0x7e: {  	_ =	shalt  }
0x7f: {  	_ =	shalt  }
0x80: {  	_ =	shalt  }
0x81: {  	_ =	shalt  }
0x82: {  	_ =	shalt  }
0x83: {  	_ =	shalt  }
0x84: {  	_ =	shalt  }
0x85: {  	_ =	shalt  }
0x86: {  	_ =	shalt  }
0x87: {  	_ =	shalt  }
.Lfunc_end0:
.L_simem_size_0:
called_computation_lowered:
.L_overlay_start_0:
0x88: {  	s2 =	sld [smem:$0x3FD9]  }
0x89: {  	s3 =	sld [smem:$0x3FFE];
	_ =	sdelay $0x1  }
0x8a: {  	s1 =	srdreg.scid  }
0x8b: {  	s0 =	sand.u32 $0x1, s1  }
0x8c: {  	s16 =	sshll.u32 s0, $0xA;
	s2 =	sadd.s32 s3, s2  }
0x8d: {  	s2 =	sadd.s32 s2, s16  }
0x8e: {  	[smem:$0x3FBE] =	sst s2  }
0x8f: {  	_ = 	snop  }
0x90: {  	(tm) =	ssettm $0x1  }
0x91: {  	s17 =	sld [smem:$0x3FFB];
	_ =	sdelay $0x3  }
0x92: {  	_ =	strace s17  }
0x93: {  	s2 =	sld [smem:$0x3FFC];
	_ =	sdelay $0x3  }
0x94: {  	_ =	strace s2  }
0x95: {  	s2 =	sld [smem:$0x3FFD];
	_ =	sdelay $0x3  }
0x96: {  	_ =	strace s2  }
0x97: {  	_ =	strace $0x8FFFFFFF  }
0x98: {  	s18 =	sld [smem:$0x3FDB];
	_ =	sdelay $0x1  }
0x99: {  	s19 =	simm.s32 $_scs_section_size  }
0x9a: {  	s4 =	simm.s32 $_size__tile_overlayer_lowered;
	s5 =	simm.s32 $_tile_overlayer_lowered  }
0x9b: {  	s22 =	simm.s32 $0x1BFF;
	s21 =	sshll.u32 s5, $0x1;
	s2 =	sadd.s32 s19, s18  }
0x9c: {  	s6 =	simm.s32 $0x0;
	s20 =	sshll.u32 s4, $0x1;
	s4 =	sadd.s32 s21, s2  }
0x9d: {  	[timem:s6], [sflag:s22] =	dma.local [hbm:s4], s20  }
0x9e: {  	_ =	swait.ge [sflag:s22], s20  }
0x9f: {  	s3 =	ssub.s32 $0x0, s20;
	[sflag:s22] =	ssyncset.done $0x0  }
0xa0: {  	[sflag:s22] =	ssyncadd.s32 s3;
	_ =	sdelay $0x1  }
0xa1: {  	s23 =	simm.s32 $0x1B8B  }
0xa2: {  	_ =	swait.ge [sflag:s23], $0x1  }
0xa3: {  	[sflag:s23] =	ssyncset.done $0x0  }
0xa4: {  	s25 =	simm.s32 $0x1B8E;
	s24 =	sld [smem:$0x3FFE];
	[sflag:s23] =	ssyncadd.s32 $0xFFFFFFFF  }
0xa5: {  	s26 =	simm.s32 $execute0_lowered;
	[smem:$0x3FD2] =	sst s25  }
0xa6: {  	s4 =	sshll.u32 s26, $0x1;
	_ =	strace $0x80000046;
	[dreg:$0x1] =	wrdreg $0xFFFFFFFF  }
0xa7: {  	s28 =	simm.s32 $_size_execute0_lowered;
	s2 =	sadd.s32 s2, s4;
	[dreg:$0x0] =	wrdreg $0x0  }
0xa8: {  	s4 =	sshll.u32 s28, $0x1;
	[dreg:$0x2] =	wrdreg s2  }
0xa9: {  	[dreg:$0x3] =	wrdreg s4  }
0xaa: {  	[dreg:$0x4] =	wrdreg $0xC0  }
0xab: {  	_ =	task [dreg:s6], $0x5FFFF  }
0xac: {  	[dreg:$0x1] =	wrdreg $0xFFFFFFFF  }
0xad: {  	[dreg:$0x0] =	wrdreg $0x60  }
0xae: {  	[dreg:$0x2] =	wrdreg s24  }
0xaf: {  	[dreg:$0x3] =	wrdreg $0xC3000  }
0xb0: {  	[dreg:$0x4] =	wrdreg $0xC5800  }
0xb1: {  	[dreg:$0x5] =	wrdreg $0x9  }
0xb2: {  	_ =	task.clear_ibuf [dreg:s6], $0x6FFFF;
	_ =	strace $0x90000046  }
0xb3: {  	s29 =	simm.s32 $0x9;
	_ =	strace $0x80000048  }
0xb4: {  	_ =	swait.ge [sflag:s29], $0x1  }
0xb5: {  	[sflag:s29] =	ssyncadd.s32 $0xFFFFFFFF  }
0xb6: {  	_ =	strace $0x90000048  }
0xb7: {  	_ =	sfence  }
0xb8: {  	s30 =	sld [smem:$0x0];
	_ =	sdelay $0x2  }
0xb9: {  	s31 =	sshll.u32 s1, $0xD;
	s1 =	sshrl.u32 s1, $0x2  }
0xba: {  	s3 =	sand.u32 $0x4000, s31;
	s1 =	sadd.s32 s1, s30  }
0xbb: {  	s0 =	sor.u32 s3, s0;
	s1 =	sshll.u32 s1, $0x11  }
0xbc: {  	s0 =	sor.u32 s1, s0  }
0xbd: {  	s0 =	sadd.s32 $0x8F2B, s0  }
0xbe: {  	[sflag:s0] =	ssyncadd.remote.s32 $0x1  }
0xbf: {  	_ =	sfence.sel $0xFFFF  }
0xc0: {  	[dreg:$0x0] =	wrdreg $0xFFFFFFFF;
	(pc) =	sbr.abs _section_cstart, $3  }
0xc1: {  	[dreg:$0x1] =	wrdreg $0xFFFFFFFF  }
0xc2: {  	_ =	task.clear_ibuf [dreg:s6], $0x2FFFF;
	_ =	strace $0x9FFFFFFF  }
0xc3: {  	(tm) =	ssettm $0x7FFFFFFF  }
tec
execute0_lowered:
.L_overlay_start_1:
0x0: {  	(tag) =	ssettag $0x1  }
0x1: {  	s5 =	rddreg [dreg:$0x0]  }
0x2: {  	s2 =	rddreg [dreg:$0x1]  }
0x3: {  	s3 =	rddreg [dreg:$0x2]  }
0x4: {  	s0 =	rddreg [dreg:$0x3]  }
0x5: {  	s6 =	srdreg.scid;
	s1 =	stileid.u32  }
0x6: {  	s4 =	simm.s32 $0x0;
	s12 =	simm.s32 $0xC080;
	s13 =	simm.s32 $0x2  }
0x7: {  	s14 =	simm.s32 $0x4000;
	s15 =	simm.s32 $0x50;
	s16 =	simm.s32 $0xC000  }
0x8: {  	s17 =	simm.s32 $0x1;
	s18 =	simm.s32 $0x0;
	s6 =	sand.u32 $0x1, s6  }
0x9: {  	s7 =	smul.u32 $0x280, s1;
	[smem:$0x7FF] =	sst s4;
	s9 =	sshll.u32 s1, $0xC  }
0xa: {  	s8 =	smul.u32 $0x2800, s6;
	s10 =	sshll.u32 s6, $0xB;
	s6 =	ssub.s32 $0x2, s6  }
0xb: {  	_ =	strace $0x80000047;
	s9 =	sor.u32 s10, s9;
	s31 =	sshrl.u32 s6, $0x1  }
0xc: {  	s8 =	sadd.s32 s7, s8;
	s9 =	sadd.s32 s9, s5;
	s11 =	ssub.s32 s6, s31  }
0xd: {  	s6 =	sadd.s32 s7, s3;
	s8 =	sshrl.u32 s8, $0x3;
	s11 =	smax.u32 s11, $0x1  }
0xe: {  	s30 =	sadd.s32 s8, s5;
	s5 =	sadd.s32 s7, s2;
	s7 =	sadd.s32 $0x3800, s9  }
0xf: {  	v0 =	vimm.f32 $1.000000000e+00;
	v1 =	vimm.f32 $0.0e+00;
	s8 =	sadd.s32 $0x13800, s9;
	s9 =	sadd.s32 $0x23800, s30;
	s10 =	sadd.s32 $0x24200, s30  }
.LBB2_1:
0x10: {  	[tilespmem:$0xC000] =	vst v0  }
0x11: {  	[tilespmem:$0xC010] =	vst v0  }
0x12: {  	[tilespmem:$0xC020] =	vst v0  }
0x13: {  	[tilespmem:$0xC030] =	vst v0  }
0x14: {  	[tilespmem:$0xC040] =	vst v0  }
0x15: {  	[tilespmem:$0xC080] =	vst v1  }
0x16: {  	[tilespmem:$0xC090] =	vst v1  }
0x17: {  	[tilespmem:$0xC0A0] =	vst v1  }
0x18: {  	[tilespmem:$0xC0B0] =	vst v1  }
0x19: {  	[tilespmem:$0xC0C0] =	vst v1  }
0x1a: {  	[tilespmem:$0xC0D0] =	vst v1  }
0x1b: {  	[tilespmem:$0xC0E0] =	vst v1  }
0x1c: {  	[tilespmem:$0xC0F0] =	vst v1  }
0x1d: {  	[tilespmem:$0xC100] =	vst v1  }
0x1e: {  	[tilespmem:$0xC110] =	vst v1  }
0x1f: {  	[tilespmem:$0xC120] =	vst v1  }
0x20: {  	[tilespmem:$0xC130] =	vst v1  }
0x21: {  	[tilespmem:$0xC140] =	vst v1  }
0x22: {  	[tilespmem:$0xC150] =	vst v1  }
0x23: {  	[tilespmem:$0xC160] =	vst v1  }
0x24: {  	[tilespmem:$0xC170] =	vst v1  }
0x25: {  	[tilespmem:$0xC180] =	vst v1  }
0x26: {  	[tilespmem:$0xC190] =	vst v1  }
0x27: {  	[tilespmem:$0xC1A0] =	vst v1  }
0x28: {  	[tilespmem:$0xC1B0] =	vst v1  }
0x29: {  	[tilespmem:$0xC1C0] =	vst v1  }
0x2a: {  	[tilespmem:$0xC1D0] =	vst v1  }
0x2b: {  	[tilespmem:$0xC1E0] =	vst v1  }
0x2c: {  	[tilespmem:$0xC1F0] =	vst v1  }
0x2d: {  	[tilespmem:$0xC200] =	vst v1  }
0x2e: {  	[tilespmem:$0xC210] =	vst v1  }
0x2f: {  	[tilespmem:$0xC220] =	vst v1  }
0x30: {  	[tilespmem:$0xC230] =	vst v1  }
0x31: {  	[tilespmem:$0xC240] =	vst v1  }
0x32: {  	[tilespmem:$0xC250] =	vst v1  }
0x33: {  	[tilespmem:$0xC260] =	vst v1  }
0x34: {  	[tilespmem:$0xC270] =	vst v1  }
0x35: {  	[tilespmem:$0xC280] =	vst v1  }
0x36: {  	[tilespmem:$0xC290] =	vst v1  }
0x37: {  	[tilespmem:$0xC2A0] =	vst v1  }
0x38: {  	[tilespmem:$0xC2B0] =	vst v1  }
0x39: {  	[tilespmem:$0xC2C0] =	vst v1  }
0x3a: {  	[tilespmem:$0xC2D0] =	vst v1  }
0x3b: {  	[tilespmem:$0xC2E0] =	vst v1  }
0x3c: {  	[tilespmem:$0xC2F0] =	vst v1  }
0x3d: {  	[spmem:s5] =	stream.linear.scatter [tilespmem:s12], [sflag:$0x2], $0x280, $0x38;
	[tilespmem:$0xC800] =	vst v63  }
0x3e: {  	_ =	swait.ge [sflag:s13], $0x280  }
0x3f: {  	[sflag:s13] =	ssyncset.done $0x0  }
0x40: {  	[sflag:s13] =	ssyncadd.s32 $0xFFFFFD80  }
0x41: {  	[spmem:s6] =	stream.linear.scatter [tilespmem:s12], [sflag:$0x2], $0x280, $0x38;
	[tilespmem:$0xC800] =	vst v63  }
0x42: {  	_ =	swait.ge [sflag:s13], $0x280  }
0x43: {  	[sflag:s13] =	ssyncset.done $0x0  }
0x44: {  	[sflag:s13] =	ssyncadd.s32 $0xFFFFFD80  }
0x45: {  	[bflag:$0x0] =	sbarrier.arrive $0xFFFF  }
0x46: {  	[tilespmem:s4], [sflag:$0x2] =	stream.linear.gather [hbm4b:s7+s4], $0x3E80, $0x38;
	[tilespmem:$0xC800] =	vst v63  }
0x47: {  	_ =	swait.ge [sflag:s13], $0x3E80  }
0x48: {  	[sflag:s13] =	ssyncset.done $0x0  }
0x49: {  	[sflag:s13] =	ssyncadd.s32 $0xFFFFC180  }
0x4a: {  	[tilespmem:s14], [sflag:$0x2] =	stream.linear.gather [hbm4b:s8+s4], $0x3E80, $0x38;
	[tilespmem:$0xC800] =	vst v63  }
0x4b: {  	_ =	swait.ge [sflag:s13], $0x3E80  }
0x4c: {  	[sflag:s13] =	ssyncset.done $0x0  }
0x4d: {  	s19 =	simm.s32 $0x0;
	[sflag:s13] =	ssyncadd.s32 $0xFFFFC180  }
0x4e: {  	v3 =	vld [tilespmem:s19+$0x40]  }
0x4f: {  	v4 =	vld [tilespmem:s19+$0x4040]  }
0x50: {  	v6 =	vld [tilespmem:s19+$0x0]  }
0x51: {  	v7 =	vld [tilespmem:s19+$0x4000]  }
0x52: {  	v8 =	vld [tilespmem:s19+$0x10]  }
0x53: {  	v9 =	vld [tilespmem:s19+$0x4010]  }
0x54: {  	v2 =	vld [tilespmem:s19+$0x20]  }
0x55: {  	v5 =	vld [tilespmem:s19+$0x4020];
	vm0 =	veq.s32 v3, v4  }
0x56: {  	v3 =	vld [tilespmem:s19+$0x30];
	v4 =	vsel vm0, $0x3F800000, v1;
	vm0 =	veq.s32 v6, v7  }
0x57: {  	s20 =	simm.s32 $0x80;
	v6 =	vld [tilespmem:s19+$0x4030];
	[tilespmem:s19+$0x8040] =	vst v4;
	v7 =	vsel vm0, $0x3F800000, v1  }
0x58: {  	s21 =	simm.s32 $0x400;
	vm0 =	veq.s32 v8, v9;
	v4 =	vld [tilespmem:s20+$0x40];
	[tilespmem:s19+$0x8000] =	vst v7  }
.LBB2_2:
0x59: {  	p0 =	sne.s32 s21, $0xF800;
	v7 =	vld [tilespmem:s20+$0x4040];
	v8 =	vsel vm0, $0x3F800000, v1  }
0x5a: {  	v9 =	vld [tilespmem:s20+$0x0];
	[tilespmem:s19+$0x8010] =	vst v8;
	vm0 =	veq.s32 v2, v5  }
0x5b: {  	v8 =	vld [tilespmem:s20+$0x4000];
	v2 =	vsel vm0, $0x3F800000, v1  }
0x5c: {  	v10 =	vld [tilespmem:s20+$0x10];
	[tilespmem:s19+$0x8020] =	vst v2;
	vm0 =	veq.s32 v3, v6  }
0x5d: {  	v11 =	vld [tilespmem:s20+$0x4010];
	v3 =	vsel vm0, $0x3F800000, v1  }
.Ltmp0:
0x5e: {  	v2 =	vld [tilespmem:s20+$0x20];
	vm0 =	veq.s32 v4, v7;
	[tilespmem:s19+$0x8030] =	vst v3;
	s19 =	smov.u32 s20;
	(pc) =	sbr.rel @p0 .LBB2_2-.Ltmp0, $4  }
0x5f: {  	v5 =	vld [tilespmem:s19+$0x4020];
	v4 =	vsel vm0, $0x3F800000, v1  }
0x60: {  	vm0 =	veq.s32 v9, v8;
	v3 =	vld [tilespmem:s19+$0x30];
	[tilespmem:s19+$0x8040] =	vst v4  }
0x61: {  	s20 =	sshra.s32 s21, $0x2;
	v7 =	vsel vm0, $0x3F800000, v1;
	v6 =	vld [tilespmem:s19+$0x4030]  }
0x62: {  	s21 =	sadd.s32 $0x200, s21;
	v4 =	vld [tilespmem:s20+$0x40];
	[tilespmem:s19+$0x8000] =	vst v7;
	vm0 =	veq.s32 v10, v11  }
0x63: {  	v7 =	vld [tilespmem:s20+$0x4040];
	v8 =	vsel vm0, $0x3F800000, v1  }
0x64: {  	v9 =	vld [tilespmem:s20+$0x0];
	[tilespmem:s19+$0x8010] =	vst v8;
	vm9 =	veq.s32 v2, v5  }
0x65: {  	v2 =	vld [tilespmem:s20+$0x4000];
	v5 =	vsel vm9, $0x3F800000, v1  }
0x66: {  	v8 =	vld [tilespmem:s20+$0x10];
	[tilespmem:s19+$0x8020] =	vst v5;
	vm10 =	veq.s32 v3, v6  }
0x67: {  	v3 =	vld [tilespmem:s20+$0x4010];
	v58 =	vsel vm10, $0x3F800000, v1  }
0x68: {  	v59 =	vld [tilespmem:s20+$0x20];
	[tilespmem:s19+$0x8030] =	vst v58  }
0x69: {  	v60 =	vld [tilespmem:s20+$0x4020]  }
0x6a: {  	v62 =	vld [tilespmem:s20+$0x30]  }
0x6b: {  	v63 =	vld [tilespmem:s20+$0x4030]  }
0x6c: {  	vm11 =	veq.s32 v4, v7  }
0x6d: {  	v61 =	vsel vm11, $0x3F800000, v1;
	vm12 =	veq.s32 v9, v2  }
0x6e: {  	[tilespmem:s20+$0x8040] =	vst v61;
	v2 =	vsel vm12, $0x3F800000, v1;
	vm13 =	veq.s32 v8, v3  }
0x6f: {  	[tilespmem:s20+$0x8000] =	vst v2;
	v2 =	vsel vm13, $0x3F800000, v1;
	vm14 =	veq.s32 v59, v60  }
0x70: {  	[tilespmem:s20+$0x8010] =	vst v2;
	vm15 =	veq.s32 v62, v63;
	v2 =	vsel vm14, $0x3F800000, v1  }
0x71: {  	[tilespmem:s20+$0x8020] =	vst v2;
	v2 =	vsel vm15, $0x3F800000, v1  }
0x72: {  	s30 =	simm.s32 $0x0;
	[tilespmem:s20+$0x8030] =	vst v2  }
0x73: {  	[spmem:s2] =	stream.indirect.scatter.add.f32 [tilespmem:s16], [sflag:$0x1], $0x1, s30, s15, $0xb8;
	[tilespmem:$0xC800] =	vst v63  }
0x74: {  	s31 =	simm.s32 $0x8000  }
0x75: {  	[spmem:s3] =	stream.indirect.scatter.add.f32 [tilespmem:s31], [sflag:$0x2], $0x1, s30, s15, $0xb8;
	[tilespmem:$0xC800] =	vst v63  }
0x76: {  	_ =	swait.ge [sflag:s13], $0x50  }
0x77: {  	[sflag:s13] =	ssyncset.done $0x0  }
0x78: {  	[sflag:s13] =	ssyncadd.s32 $0xFFFFFFB0  }
0x79: {  	_ =	swait.ge [sflag:s17], $0x50  }
0x7a: {  	s19 =	simm.s32 $0x200;
	s20 =	simm.s32 $0x400;
	[sflag:s17] =	ssyncset.done $0x0  }
.LBB2_4:
0x7b: {  	s21 =	sshra.s32 s19, $0x2  }
0x7c: {  	[sflag:s17] =	ssyncadd.s32 $0xFFFFFFB0;
	s19 =	smov.u32 s20;
	s22 =	sadd.s32 $0x200, s20  }
0x7d: {  	[spmem:s2] =	stream.indirect.scatter.add.f32 [tilespmem:s16], [sflag:$0x1], $0x1, s21, s15, $0xb8;
	[tilespmem:$0xC800] =	vst v63  }
0x7e: {  	p0 =	sne.s32 s20, $0xF800;
	s20 =	sadd.s32 $0x8000, s21  }
0x7f: {  	[spmem:s3] =	stream.indirect.scatter.add.f32 [tilespmem:s20], [sflag:$0x2], $0x1, s21, s15, $0xb8;
	[tilespmem:$0xC800] =	vst v63  }
.Ltmp1:
0x80: {  	_ =	swait.ge [sflag:s13], $0x50;
	(pc) =	sbr.rel @p0 .LBB2_4-.Ltmp1, $4  }
0x81: {  	[sflag:s13] =	ssyncset.done $0x0  }
0x82: {  	[sflag:s13] =	ssyncadd.s32 $0xFFFFFFB0  }
0x83: {  	_ =	swait.ge [sflag:s17], $0x50  }
0x84: {  	s20 =	smov.u32 s22;
	[sflag:s17] =	ssyncset.done $0x0  }
0x85: {  	s19 =	sshra.s32 s19, $0x2;
	[sflag:s17] =	ssyncadd.s32 $0xFFFFFFB0  }
0x86: {  	[spmem:s2] =	stream.indirect.scatter.add.f32 [tilespmem:s16], [sflag:$0x1], $0x1, s19, s15, $0xb8;
	[tilespmem:$0xC800] =	vst v63  }
0x87: {  	s20 =	sadd.s32 $0x8000, s19  }
0x88: {  	[spmem:s3] =	stream.indirect.scatter.add.f32 [tilespmem:s20], [sflag:$0x2], $0x1, s19, s15, $0xb8;
	[tilespmem:$0xC800] =	vst v63  }
0x89: {  	_ =	swait.ge [sflag:s13], $0x50  }
0x8a: {  	[sflag:s13] =	ssyncset.done $0x0  }
0x8b: {  	[sflag:s13] =	ssyncadd.s32 $0xFFFFFFB0  }
0x8c: {  	_ =	swait.ge [sflag:s17], $0x50  }
0x8d: {  	[sflag:s17] =	ssyncset.done $0x0  }
0x8e: {  	[sflag:s17] =	ssyncadd.s32 $0xFFFFFFB0  }
0x8f: {  	[bflag:$0x0] =	sbarrier.arrive $0xFFFF  }
0x90: {  	[tilespmem:s12], [sflag:$0x2] =	stream.linear.gather [spmem:s5], $0x280, $0x38;
	[tilespmem:$0xC800] =	vst v63  }
0x91: {  	_ =	swait.ge [sflag:s13], $0x280  }
0x92: {  	[sflag:s13] =	ssyncset.done $0x0  }
0x93: {  	[sflag:s13] =	ssyncadd.s32 $0xFFFFFD80  }
0x94: {  	[hbm4b:s9+s4] =	stream.linear.scatter [tilespmem:s12], [sflag:$0x2], $0x280, $0x38;
	[tilespmem:$0xC800] =	vst v63  }
0x95: {  	_ =	swait.ge [sflag:s13], $0x280  }
0x96: {  	[sflag:s13] =	ssyncset.done $0x0  }
0x97: {  	[sflag:s13] =	ssyncadd.s32 $0xFFFFFD80  }
0x98: {  	[tilespmem:s12], [sflag:$0x2] =	stream.linear.gather [spmem:s6], $0x280, $0x38;
	[tilespmem:$0xC800] =	vst v63  }
0x99: {  	s18 =	sadd.s32 $0x1, s18;
	_ =	swait.ge [sflag:s13], $0x280  }
0x9a: {  	p0 =	sne.s32 s18, s11;
	[sflag:s13] =	ssyncset.done $0x0  }
.Ltmp2:
0x9b: {  	[sflag:s13] =	ssyncadd.s32 $0xFFFFFD80;
	(pc) =	sbr.rel @p0 .LBB2_1-.Ltmp2, $4  }
0x9c: {  	[hbm4b:s10+s4] =	stream.linear.scatter [tilespmem:s12], [sflag:$0x2], $0x280, $0x38;
	[tilespmem:$0xC800] =	vst v63  }
0x9d: {  	_ =	swait.ge [sflag:s13], $0x280  }
0x9e: {  	[sflag:s13] =	ssyncset.done $0x0  }
0x9f: {  	[sflag:s13] =	ssyncadd.s32 $0xFFFFFD80  }
0xa0: {  	_ =	sfence.sel $0x180000  }
0xa1: {  	[bflag:$0x0] =	sbarrier.arrive $0xFFFF  }
0xa2: {  	p0 =	sne.s32 s1, $0x0;
	_ =	strace $0x90000047  }
0xa3: {  	s0 =	sadd.s32 @!p0 $0x100000, s0;
	[bflag:$0x2] =	sbarrier.arrive $0xFFFF  }
0xa4: {  	[sflag:s0] =	ssyncadd.tile.s32 @!p0 $0x1;
	_ =	shalt  }
.Lfunc_end2:
_tile_overlayer_lowered:
.L_overlay_start_2:
0xa5: {  	(tag) =	ssettag $0x2  }
0xa6: {  	s0 =	rddreg [dreg:$0x0];
	s2 =	stileid.u32  }
0xa7: {  	s1 =	rddreg [dreg:$0x1];
	p0 =	sne.s32 s2, $0x0  }
0xa8: {  	s3 =	rddreg [dreg:$0x2];
	[bflag:$0x3] =	sbarrier.arrive $0xFFFF;
	s2 =	simm.s32 @!p0 $0x1C02  }
0xa9: {  	[timem:s3], [sflag:s2] =	dma.local @!p0 [hbm:s0], s1  }
0xaa: {  	s0 =	simm.s32 @!p0 $0x2  }
0xab: {  	_ =	swait.ge @!p0 [sflag:s0], s1  }
0xac: {  	s1 =	ssub.s32 @!p0 $0x0, s1;
	[sflag:s0] =	ssyncset.done @!p0 $0x0  }
0xad: {  	[sflag:s0] =	ssyncadd.s32 @!p0 s1  }
0xae: {  	[bflag:$0x3] =	sbarrier.arrive $0xFFFF  }
0xaf: {  	_ =	shalt  }

// kernel: kernel.13.cloned.1.call-start
scs
__scs_entry_jumppad:
0x0: {  	(pc) =	sbr.rel $0x88, $3  }
0x1: {  	(tag) =	ssettag $0x0;
	lr =	simm.s32 $0x1  }
0x2: {  	[smem:$0x3F97] =	sst lr;
	_ =	strace $0xD0000000  }
0x3: {  	_ = 	snop  }
0x4: {  	_ = 	snop  }
0x5: {  	_ = 	snop  }
0x6: {  	_ = 	snop  }
0x7: {  	_ = 	snop  }
__scs_overlays_trampoline_lowered:
0x8: {  	[smem:$0x3FA6] =	sst s0  }
0x9: {  	[smem:$0x3FA7] =	sst s1  }
0xa: {  	[smem:$0x3FA8] =	sst s2  }
0xb: {  	[smem:$0x3FA9] =	sst s3  }
0xc: {  	[smem:$0x3FAA] =	sst s4  }
0xd: {  	[smem:$0x3FAB] =	sst s5  }
0xe: {  	[smem:$0x3FAC] =	sst s6  }
0xf: {  	[smem:$0x3FAD] =	sst s7  }
0x10: {  	[smem:$0x3FAE] =	sst s8  }
0x11: {  	[smem:$0x3FAF] =	sst s9;
	s0 =	simm.s32 @!p0 $0x0  }
0x12: {  	s1 =	sld [smem:$0x3F95];
	s0 =	simm.s32 @p0 $0x1  }
0x13: {  	[smem:$0x3FB0] =	sst s0;
	s0 =	simm.s32 @!p1 $0x0  }
0x14: {  	s2 =	sld [smem:$0x3F94];
	s0 =	simm.s32 @p1 $0x1  }
0x15: {  	[smem:$0x3FB1] =	sst s0;
	s0 =	simm.s32 @!p2 $0x0  }
0x16: {  	s3 =	sld [smem:$0x3FDB];
	s0 =	simm.s32 @p2 $0x1  }
0x17: {  	s4 =	simm.s32 $0x1BF5;
	[smem:$0x3FB3] =	sst s0  }
0x18: {  	s0 =	sld [smem:$0x3F96];
	_ =	swait.ge [sflag:s4], $0x0  }
0x19: {  	s7 =	sld [smem:$0x3F97]  }
0x1a: {  	s8 =	sadd.s32 $0xFFFFE003, lr  }
0x1b: {  	s9 =	sadd.s32 $0xFFFFFEF7, lr;
	s5 =	simm.s32 $0xFFFFFFFF;
	p2 =	slt.u32 s8, $0xFFFFF086  }
0x1c: {  	p1 =	slt.u32 s9, $0xF7A;
	s5 =	simm.s32 @!p2 $0x0  }
0x1d: {  	s5 =	simm.s32 @p1 $0x1;
	p0 =	seq.s32 s7, s2  }
0x1e: {  	s7 =	smul.u32 @!p0 $0xF7A, s2;
	p2 =	seq.s32 @!p0 s5, $0x0  }
0x1f: {  	s9 =	smul.u32 $0xF7A, s1;
	s8 =	simm.s32 @!p0 $0x1BF5;
	p2 =	por !p2, p0  }
0x20: {  	[sflag:s8] =	ssyncset.s32 @!p0 $0xFFFFF086;
	s6 =	sadd.s32 @!p0 s3, s7;
	s7 =	simm.s32 @!p0 $0x108  }
0x21: {  	s3 =	sadd.s32 s3, s9;
	s6 =	sadd.s32 @!p0 $0x88, s6;
	s7 =	simm.s32 @p2 $0x1082  }
0x22: {  	[simem:s7], [sflag:s8] =	dma.local @!p0 [hbm:s6], $0xF7A  }
0x23: {  	s9 =	sor.u32 $0xD0000000, s2;
	s6 =	simm.s32 $0x108;
	_ =	swait.ge @!p0 [sflag:s8], $0x0  }
0x24: {  	s3 =	sadd.s32 $0x88, s3;
	s6 =	simm.s32 @!p1 $0x1082;
	[sflag:s4] =	ssyncset.s32 $0xFFFFF086  }
0x25: {  	[simem:s6], [sflag:s4] =	dma.local [hbm:s3], $0xF7A  }
0x26: {  	[smem:$0x3F97] =	sst s1;
	(tag) =	ssettag s2;
	_ =	strace s9  }
0x27: {  	s1 =	sld [smem:$0x3FA7]  }
0x28: {  	s2 =	sld [smem:$0x3FA8]  }
0x29: {  	s4 =	sld [smem:$0x3FAA]  }
0x2a: {  	p0 =	seq.s32 s5, $0x0;
	s5 =	sld [smem:$0x3FAB]  }
0x2b: {  	s6 =	sld [smem:$0x3FAC]  }
0x2c: {  	s7 =	sld [smem:$0x3FAD]  }
0x2d: {  	s3 =	simm.s32 $0x108;
	s8 =	sld [smem:$0x3FAE]  }
0x2e: {  	s3 =	simm.s32 @!p0 $0x1082;
	s9 =	sld [smem:$0x3FAF]  }
0x2f: {  	lr =	sadd.s32 s0, s3;
	s0 =	sld [smem:$0x3FA6]  }
0x30: {  	s3 =	sld [smem:$0x3FA9]  }
0x31: {  	[smem:$0x3FB2] =	sst s10  }
0x32: {  	s10 =	sld [smem:$0x3FB0];
	_ =	sdelay $0x3  }
0x33: {  	p0 =	seq.s32 s10, $0x1;
	s10 =	sld [smem:$0x3FB2];
	_ =	sdelay $0x3  }
0x34: {  	[smem:$0x3FB2] =	sst s10  }
0x35: {  	s10 =	sld [smem:$0x3FB1];
	_ =	sdelay $0x3  }
0x36: {  	p1 =	seq.s32 s10, $0x1;
	s10 =	sld [smem:$0x3FB2];
	_ =	sdelay $0x3  }
0x37: {  	[smem:$0x3FB2] =	sst s10  }
0x38: {  	s10 =	sld [smem:$0x3FB3]  }
0x39: {  	_ = 	snop;
	(pc) =	sbr.ind lr, $3  }
0x3a: {  	_ = 	snop  }
0x3b: {  	_ = 	snop  }
0x3c: {  	p2 =	seq.s32 s10, $0x1;
	s10 =	sld [smem:$0x3FB2]  }
0x3d: {  	_ =	shalt  }
0x3e: {  	_ =	shalt  }
0x3f: {  	_ =	shalt  }
0x40: {  	_ =	shalt  }
0x41: {  	_ =	shalt  }
0x42: {  	_ =	shalt  }
0x43: {  	_ =	shalt  }
0x44: {  	_ =	shalt  }
0x45: {  	_ =	shalt  }
0x46: {  	_ =	shalt  }
0x47: {  	_ =	shalt  }
0x48: {  	_ =	shalt  }
0x49: {  	_ =	shalt  }
0x4a: {  	_ =	shalt  }
0x4b: {  	_ =	shalt  }
0x4c: {  	_ =	shalt  }
0x4d: {  	_ =	shalt  }
0x4e: {  	_ =	shalt  }
0x4f: {  	_ =	shalt  }
0x50: {  	_ =	shalt  }
0x51: {  	_ =	shalt  }
0x52: {  	_ =	shalt  }
0x53: {  	_ =	shalt  }
0x54: {  	_ =	shalt  }
0x55: {  	_ =	shalt  }
0x56: {  	_ =	shalt  }
0x57: {  	_ =	shalt  }
0x58: {  	_ =	shalt  }
0x59: {  	_ =	shalt  }
0x5a: {  	_ =	shalt  }
0x5b: {  	_ =	shalt  }
0x5c: {  	_ =	shalt  }
0x5d: {  	_ =	shalt  }
0x5e: {  	_ =	shalt  }
0x5f: {  	_ =	shalt  }
0x60: {  	_ =	shalt  }
0x61: {  	_ =	shalt  }
0x62: {  	_ =	shalt  }
0x63: {  	_ =	shalt  }
0x64: {  	_ =	shalt  }
0x65: {  	_ =	shalt  }
0x66: {  	_ =	shalt  }
0x67: {  	_ =	shalt  }
0x68: {  	_ =	shalt  }
0x69: {  	_ =	shalt  }
0x6a: {  	_ =	shalt  }
0x6b: {  	_ =	shalt  }
0x6c: {  	_ =	shalt  }
0x6d: {  	_ =	shalt  }
0x6e: {  	_ =	shalt  }
0x6f: {  	_ =	shalt  }
0x70: {  	_ =	shalt  }
0x71: {  	_ =	shalt  }
0x72: {  	_ =	shalt  }
0x73: {  	_ =	shalt  }
0x74: {  	_ =	shalt  }
0x75: {  	_ =	shalt  }
0x76: {  	_ =	shalt  }
0x77: {  	_ =	shalt  }
0x78: {  	_ =	shalt  }
0x79: {  	_ =	shalt  }
0x7a: {  	_ =	shalt  }
0x7b: {  	_ =	shalt  }
0x7c: {  	_ =	shalt  }
0x7d: {  	_ =	shalt  }
0x7e: {  	_ =	shalt  }
0x7f: {  	_ =	shalt  }
0x80: {  	_ =	shalt  }
0x81: {  	_ =	shalt  }
0x82: {  	_ =	shalt  }
0x83: {  	_ =	shalt  }
0x84: {  	_ =	shalt  }
0x85: {  	_ =	shalt  }
0x86: {  	_ =	shalt  }
0x87: {  	_ =	shalt  }
.Lfunc_end0:
.L_simem_size_0:
called_computation.1_lowered:
.L_overlay_start_0:
0x88: {  	s2 =	sld [smem:$0x3FD9]  }
0x89: {  	s3 =	sld [smem:$0x3FFE];
	_ =	sdelay $0x1  }
0x8a: {  	s1 =	srdreg.scid  }
0x8b: {  	s0 =	sand.u32 $0x1, s1  }
0x8c: {  	s16 =	sshll.u32 s0, $0xA;
	s2 =	sadd.s32 s3, s2  }
0x8d: {  	s2 =	sadd.s32 s2, s16  }
0x8e: {  	[smem:$0x3FBE] =	sst s2  }
0x8f: {  	_ = 	snop  }
0x90: {  	(tm) =	ssettm $0x1  }
0x91: {  	s17 =	sld [smem:$0x3FFB];
	_ =	sdelay $0x3  }
0x92: {  	_ =	strace s17  }
0x93: {  	s2 =	sld [smem:$0x3FFC];
	_ =	sdelay $0x3  }
0x94: {  	_ =	strace s2  }
0x95: {  	s2 =	sld [smem:$0x3FFD];
	_ =	sdelay $0x3  }
0x96: {  	_ =	strace s2  }
0x97: {  	_ =	strace $0x8FFFFFFF  }
0x98: {  	s18 =	sld [smem:$0x3FDB];
	_ =	sdelay $0x1  }
0x99: {  	s19 =	simm.s32 $_scs_section_size  }
0x9a: {  	s4 =	simm.s32 $_size__tile_overlayer_lowered;
	s5 =	simm.s32 $_tile_overlayer_lowered  }
0x9b: {  	s22 =	simm.s32 $0x1BFF;
	s21 =	sshll.u32 s5, $0x1;
	s2 =	sadd.s32 s19, s18  }
0x9c: {  	s6 =	simm.s32 $0x0;
	s20 =	sshll.u32 s4, $0x1;
	s4 =	sadd.s32 s21, s2  }
0x9d: {  	[timem:s6], [sflag:s22] =	dma.local [hbm:s4], s20  }
0x9e: {  	_ =	swait.ge [sflag:s22], s20  }
0x9f: {  	s3 =	ssub.s32 $0x0, s20;
	[sflag:s22] =	ssyncset.done $0x0  }
0xa0: {  	[sflag:s22] =	ssyncadd.s32 s3;
	_ =	sdelay $0x1  }
0xa1: {  	s23 =	simm.s32 $0x1B8B  }
0xa2: {  	_ =	swait.ge [sflag:s23], $0x1  }
0xa3: {  	[sflag:s23] =	ssyncset.done $0x0  }
0xa4: {  	s25 =	simm.s32 $0x1B8E;
	s24 =	sld [smem:$0x3FFE];
	[sflag:s23] =	ssyncadd.s32 $0xFFFFFFFF  }
0xa5: {  	s26 =	simm.s32 $execute0_lowered;
	[smem:$0x3FD2] =	sst s25  }
0xa6: {  	s4 =	sshll.u32 s26, $0x1;
	_ =	strace $0x80000049;
	[dreg:$0x1] =	wrdreg $0xFFFFFFFF  }
0xa7: {  	s28 =	simm.s32 $_size_execute0_lowered;
	s2 =	sadd.s32 s2, s4;
	[dreg:$0x0] =	wrdreg $0x0  }
0xa8: {  	s4 =	sshll.u32 s28, $0x1;
	[dreg:$0x2] =	wrdreg s2  }
0xa9: {  	[dreg:$0x3] =	wrdreg s4  }
0xaa: {  	[dreg:$0x4] =	wrdreg $0xC0  }
0xab: {  	_ =	task [dreg:s6], $0x5FFFF  }
0xac: {  	[dreg:$0x1] =	wrdreg $0xFFFFFFFF  }
0xad: {  	[dreg:$0x0] =	wrdreg $0x60  }
0xae: {  	[dreg:$0x2] =	wrdreg s24  }
0xaf: {  	[dreg:$0x3] =	wrdreg $0x88000  }
0xb0: {  	[dreg:$0x4] =	wrdreg $0x9  }
0xb1: {  	_ =	task.clear_ibuf [dreg:s6], $0x5FFFF;
	_ =	strace $0x90000049  }
0xb2: {  	s29 =	simm.s32 $0x9;
	_ =	strace $0x8000004B  }
0xb3: {  	_ =	swait.ge [sflag:s29], $0x1  }
0xb4: {  	[sflag:s29] =	ssyncadd.s32 $0xFFFFFFFF  }
0xb5: {  	_ =	strace $0x9000004B  }
0xb6: {  	_ =	sfence  }
0xb7: {  	s30 =	sld [smem:$0x0];
	_ =	sdelay $0x2  }
0xb8: {  	s31 =	sshll.u32 s1, $0xD;
	s1 =	sshrl.u32 s1, $0x2  }
0xb9: {  	s3 =	sand.u32 $0x4000, s31;
	s1 =	sadd.s32 s1, s30  }
0xba: {  	s0 =	sor.u32 s3, s0;
	s1 =	sshll.u32 s1, $0x11  }
0xbb: {  	s0 =	sor.u32 s1, s0  }
0xbc: {  	s0 =	sadd.s32 $0x8F2B, s0  }
0xbd: {  	[sflag:s0] =	ssyncadd.remote.s32 $0x1  }
0xbe: {  	_ =	sfence.sel $0xFFFF  }
0xbf: {  	[dreg:$0x0] =	wrdreg $0xFFFFFFFF;
	(pc) =	sbr.abs _section_cstart, $3  }
0xc0: {  	[dreg:$0x1] =	wrdreg $0xFFFFFFFF  }
0xc1: {  	_ =	task.clear_ibuf [dreg:s6], $0x2FFFF;
	_ =	strace $0x9FFFFFFF  }
0xc2: {  	(tm) =	ssettm $0x7FFFFFFF  }
0xc3: {  	_ =	shalt  }
tec
execute0_lowered:
.L_overlay_start_1:
0x0: {  	(tag) =	ssettag $0x1  }
0x1: {  	s0 =	srdreg.scid;
	s1 =	rddreg [dreg:$0x0]  }
0x2: {  	s10 =	stileid.u32;
	s2 =	rddreg [dreg:$0x1]  }
0x3: {  	s3 =	simm.s32 $0x0;
	s28 =	simm.s32 $0x7D;
	s4 =	smul.u32 $0x5000, s10  }
0x4: {  	s29 =	simm.s32 $0x80;
	s30 =	simm.s32 $0x4800;
	s7 =	smul.u32 $0x14000, s10  }
0x5: {  	s0 =	sand.u32 $0x1, s0;
	[smem:$0x7FF] =	sst s3;
	s10 =	smul.u32 $0x50000, s10  }
0x6: {  	s31 =	simm.s32 $0x1;
	s5 =	smul.u32 $0x2800, s0;
	_ =	strace $0x8000004A  }
0x7: {  	s18 =	sshrl.u32 s10, $0x2;
	s19 =	sor.u32 $0x2800, s7;
	s20 =	sadd.s32 $0x5000, s7  }
0x8: {  	s22 =	sadd.s32 $0x7800, s7;
	s24 =	sadd.s32 $0xA000, s7;
	s11 =	sadd.s32 $0xC800, s7  }
0x9: {  	s26 =	sadd.s32 $0xF000, s7;
	s4 =	sadd.s32 s5, s4;
	s21 =	sadd.s32 s20, s2  }
0xa: {  	s5 =	smul.u32 $0x140000, s0;
	s23 =	sadd.s32 s22, s2;
	[dreg:$0x7] =	wrdreg s21  }
0xb: {  	s0 =	ssub.s32 $0x2, s0;
	s12 =	sadd.s32 s24, s2;
	[dreg:$0x8] =	wrdreg s23  }
0xc: {  	s13 =	sadd.s32 s18, s2;
	s25 =	sadd.s32 s11, s2;
	[dreg:$0x9] =	wrdreg s12  }
0xd: {  	s14 =	sadd.s32 s19, s2;
	s15 =	sadd.s32 s26, s2;
	[dreg:$0xa] =	wrdreg s25  }
0xe: {  	s6 =	sshrl.u32 s4, $0x3;
	s4 =	sadd.s32 $0x38C00, s1;
	[dreg:$0xb] =	wrdreg s15  }
0xf: {  	s8 =	sshrl.u32 s0, $0x1;
	s15 =	simm.s32 $0x500;
	[dreg:$0x5] =	wrdreg s13  }
0x10: {  	[dreg:$0x6] =	wrdreg s14;
	s6 =	sadd.s32 s6, s1;
	s9 =	sadd.s32 s5, s7  }
0x11: {  	s1 =	sadd.s32 $0xB0C00, s1;
	s0 =	ssub.s32 s0, s8;
	s7 =	sadd.s32 $0x11800, s7  }
0x12: {  	s18 =	sadd.s32 s5, s22;
	s22 =	sadd.s32 s5, s11;
	s23 =	sadd.s32 s5, s26  }
0x13: {  	s11 =	simm.s32 $0x0;
	s17 =	sshrl.u32 s9, $0x3;
	s0 =	smax.u32 s0, $0x1  }
0x14: {  	s16 =	sadd.s32 s7, s2;
	s8 =	sadd.s32 s1, s17;
	[dreg:$0x4] =	wrdreg s0  }
0x15: {  	s0 =	sadd.s32 s5, s19;
	[dreg:$0xc] =	wrdreg s16;
	s17 =	sadd.s32 s5, s20  }
0x16: {  	s19 =	sadd.s32 s5, s24;
	s5 =	sadd.s32 s5, s7;
	s24 =	sshrl.u32 s23, $0x3  }
0x17: {  	s23 =	sadd.s32 $0x24C00, s6;
	s16 =	simm.s32 $0x200;
	s7 =	simm.s32 $0x380  }
0x18: {  	[dreg:$0x3] =	wrdreg s8;
	s0 =	sshrl.u32 s0, $0x3;
	s8 =	sshrl.u32 s18, $0x3  }
0x19: {  	s9 =	sshrl.u32 s19, $0x3;
	s5 =	sshrl.u32 s5, $0x3;
	s25 =	sadd.s32 s1, s24  }
0x1a: {  	s24 =	simm.s32 $0x800;
	s18 =	simm.s32 $0x280;
	s19 =	simm.s32 $0x600  }
0x1b: {  	s0 =	sadd.s32 s1, s0;
	s20 =	sadd.s32 s1, s8;
	[dreg:$0x12] =	wrdreg s25  }
0x1c: {  	s21 =	sadd.s32 s1, s9;
	s26 =	sadd.s32 s1, s5;
	[dreg:$0xd] =	wrdreg s0  }
0x1d: {  	s25 =	simm.s32 $0x3;
	s5 =	simm.s32 $0x480;
	[dreg:$0xf] =	wrdreg s20  }
0x1e: {  	s8 =	simm.s32 $0x700;
	s9 =	simm.s32 $0x780;
	[dreg:$0x10] =	wrdreg s21  }
0x1f: {  	s0 =	sshrl.u32 s17, $0x3;
	[dreg:$0x13] =	wrdreg s26;
	s26 =	simm.s32 $0x400  }
0x20: {  	s17 =	simm.s32 $0x580;
	s20 =	simm.s32 $0x300;
	s0 =	sadd.s32 s1, s0  }
0x21: {  	s21 =	simm.s32 $0x680;
	[dreg:$0xe] =	wrdreg s0;
	s0 =	sshrl.u32 s22, $0x3  }
0x22: {  	s22 =	sadd.s32 $0x2EC00, s6;
	s6 =	simm.s32 $0x180;
	s0 =	sadd.s32 s1, s0  }
0x23: {  	v0 =	vimm.f32 $0.0e+00;
	s1 =	simm.s32 $0x100;
	[dreg:$0x11] =	wrdreg s0;
	s0 =	simm.s32 $0x2  }
.LBB2_1:
0x24: {  	[dreg:$0x14] =	wrdreg s11;
	s11 =	simm.s32 $0x0;
	s12 =	simm.s32 $0x200  }
.LBB2_2:
0x25: {  	p0 =	sne.s32 s12, $0x9E00;
	[tilespmem:s11+$0x870] =	vst v0  }
0x26: {  	[tilespmem:s11+$0x800] =	vst v0  }
0x27: {  	[tilespmem:s11+$0x810] =	vst v0  }
.Ltmp0:
0x28: {  	[tilespmem:s11+$0x820] =	vst v0;
	(pc) =	sbr.rel @p0 .LBB2_2-.Ltmp0, $4  }
0x29: {  	[tilespmem:s11+$0x830] =	vst v0  }
0x2a: {  	[tilespmem:s11+$0x840] =	vst v0  }
0x2b: {  	[tilespmem:s11+$0x850] =	vst v0  }
0x2c: {  	[tilespmem:s11+$0x860] =	vst v0;
	s11 =	sshra.s32 s12, $0x2;
	s12 =	sadd.s32 $0x200, s12  }
0x2d: {  	[tilespmem:s11+$0x870] =	vst v0  }
0x2e: {  	[tilespmem:s11+$0x800] =	vst v0  }
0x2f: {  	[tilespmem:s11+$0x810] =	vst v0  }
0x30: {  	[tilespmem:s11+$0x820] =	vst v0  }
0x31: {  	[tilespmem:s11+$0x830] =	vst v0  }
0x32: {  	[tilespmem:s11+$0x840] =	vst v0  }
0x33: {  	[tilespmem:s11+$0x850] =	vst v0  }
0x34: {  	[tilespmem:s11+$0x860] =	vst v0  }
0x35: {  	[spmem:s13] =	stream.linear.scatter [tilespmem:s24], [sflag:$0x3], $0x2800, $0x38;
	[tilespmem:$0x1C800] =	vst v63  }
0x36: {  	_ =	swait.ge [sflag:s25], $0x2800  }
0x37: {  	[sflag:s25] =	ssyncset.done $0x0  }
0x38: {  	[sflag:s25] =	ssyncadd.s32 $0xFFFFD800  }
0x39: {  	[spmem:s14] =	stream.linear.scatter [tilespmem:s24], [sflag:$0x3], $0x2800, $0x38;
	[tilespmem:$0x1C800] =	vst v63  }
0x3a: {  	_ =	swait.ge [sflag:s25], $0x2800  }
0x3b: {  	[sflag:s25] =	ssyncset.done $0x0  }
0x3c: {  	s10 =	rddreg [dreg:$0x7];
	[sflag:s25] =	ssyncadd.s32 $0xFFFFD800  }
0x3d: {  	[spmem:s10] =	stream.linear.scatter [tilespmem:s24], [sflag:$0x3], $0x2800, $0x38;
	[tilespmem:$0x1C800] =	vst v63  }
0x3e: {  	_ =	swait.ge [sflag:s25], $0x2800  }
0x3f: {  	[sflag:s25] =	ssyncset.done $0x0  }
0x40: {  	s12 =	rddreg [dreg:$0x8];
	[sflag:s25] =	ssyncadd.s32 $0xFFFFD800  }
0x41: {  	[spmem:s12] =	stream.linear.scatter [tilespmem:s24], [sflag:$0x3], $0x2800, $0x38;
	[tilespmem:$0x1C800] =	vst v63  }
0x42: {  	_ =	swait.ge [sflag:s25], $0x2800  }
0x43: {  	[sflag:s25] =	ssyncset.done $0x0  }
0x44: {  	s13 =	rddreg [dreg:$0x9];
	[sflag:s25] =	ssyncadd.s32 $0xFFFFD800  }
0x45: {  	[spmem:s13] =	stream.linear.scatter [tilespmem:s24], [sflag:$0x3], $0x2800, $0x38;
	[tilespmem:$0x1C800] =	vst v63  }
0x46: {  	_ =	swait.ge [sflag:s25], $0x2800  }
0x47: {  	[sflag:s25] =	ssyncset.done $0x0  }
0x48: {  	s14 =	rddreg [dreg:$0xa];
	[sflag:s25] =	ssyncadd.s32 $0xFFFFD800  }
0x49: {  	[spmem:s14] =	stream.linear.scatter [tilespmem:s24], [sflag:$0x3], $0x2800, $0x38;
	[tilespmem:$0x1C800] =	vst v63  }
0x4a: {  	_ =	swait.ge [sflag:s25], $0x2800  }
0x4b: {  	[sflag:s25] =	ssyncset.done $0x0  }
0x4c: {  	s11 =	rddreg [dreg:$0xb];
	[sflag:s25] =	ssyncadd.s32 $0xFFFFD800  }
0x4d: {  	[spmem:s11] =	stream.linear.scatter [tilespmem:s24], [sflag:$0x3], $0x2800, $0x38;
	[tilespmem:$0x1C800] =	vst v63  }
0x4e: {  	_ =	swait.ge [sflag:s25], $0x2800  }
0x4f: {  	[sflag:s25] =	ssyncset.done $0x0  }
0x50: {  	s12 =	rddreg [dreg:$0xc];
	[sflag:s25] =	ssyncadd.s32 $0xFFFFD800  }
0x51: {  	[spmem:s12] =	stream.linear.scatter [tilespmem:s24], [sflag:$0x3], $0x2800, $0x38;
	[tilespmem:$0x1C800] =	vst v63  }
0x52: {  	_ =	swait.ge [sflag:s25], $0x2800  }
0x53: {  	[sflag:s25] =	ssyncset.done $0x0  }
0x54: {  	[sflag:s25] =	ssyncadd.s32 $0xFFFFD800  }
0x55: {  	s13 =	sadd.s32 $0x0, s23;
	[bflag:$0x0] =	sbarrier.arrive $0xFFFF  }
0x56: {  	[tilespmem:s3], [sflag:$0x3] =	stream.linear.gather [hbm4b:s13+s3], $0x400, $0x38;
	[tilespmem:$0x1C800] =	vst v63  }
0x57: {  	_ =	swait.ge [sflag:s25], $0x400  }
0x58: {  	[sflag:s25] =	ssyncset.done $0x0  }
0x59: {  	s14 =	sadd.s32 $0x0, s22;
	[sflag:s25] =	ssyncadd.s32 $0xFFFFFC00  }
0x5a: {  	[tilespmem:s26], [sflag:$0x3] =	stream.linear.gather [hbm4b:s14+s3], $0x400, $0x38;
	[tilespmem:$0x1C800] =	vst v63  }
0x5b: {  	_ =	swait.ge [sflag:s25], $0x400  }
0x5c: {  	[sflag:s25] =	ssyncset.done $0x0  }
0x5d: {  	[sflag:s25] =	ssyncadd.s32 $0xFFFFFC00  }
0x5e: {  	[tilespmem:s24], [sflag:$0x1] =	stream.indirect.gather [hbm4b:s4+s28], $0x80, s3, s28, $0xb8;
	[tilespmem:$0x1C800] =	vst v63  }
0x5f: {  	_ = 	snop  }
0x60: {  	[tilespmem:s30], [sflag:$0x2] =	stream.indirect.gather [hbm4b:s4+s28], $0x80, s29, s28, $0xb8;
	[tilespmem:$0x1C800] =	vst v63  }
0x61: {  	_ =	swait.ge [sflag:s31], $0x3E80  }
0x62: {  	[sflag:s31] =	ssyncset.done $0x0  }
0x63: {  	[sflag:s31] =	ssyncadd.s32 $0xFFFFC180  }
0x64: {  	[spmem:s2] =	stream.indirect.scatter.add.f32 [tilespmem:s24], [sflag:$0x3], $0x80, s26, s28, $0xb8;
	[tilespmem:$0x1C800] =	vst v63  }
0x65: {  	_ =	swait.ge [sflag:s25], $0x3E80  }
0x66: {  	[sflag:s25] =	ssyncset.done $0x0  }
0x67: {  	[sflag:s25] =	ssyncadd.s32 $0xFFFFC180  }
0x68: {  	[tilespmem:s24], [sflag:$0x1] =	stream.indirect.gather [hbm4b:s4+s28], $0x80, s1, s28, $0xb8;
	[tilespmem:$0x1C800] =	vst v63  }
0x69: {  	_ =	swait.ge [sflag:s0], $0x3E80  }
0x6a: {  	[sflag:s0] =	ssyncset.done $0x0  }
0x6b: {  	[sflag:s0] =	ssyncadd.s32 $0xFFFFC180  }
0x6c: {  	[spmem:s2] =	stream.indirect.scatter.add.f32 [tilespmem:s30], [sflag:$0x3], $0x80, s5, s28, $0xb8;
	[tilespmem:$0x1C800] =	vst v63  }
0x6d: {  	_ =	swait.ge [sflag:s25], $0x3E80  }
0x6e: {  	[sflag:s25] =	ssyncset.done $0x0  }
0x6f: {  	[sflag:s25] =	ssyncadd.s32 $0xFFFFC180  }
0x70: {  	[tilespmem:s30], [sflag:$0x2] =	stream.indirect.gather [hbm4b:s4+s28], $0x80, s6, s28, $0xb8;
	[tilespmem:$0x1C800] =	vst v63  }
0x71: {  	_ =	swait.ge [sflag:s31], $0x3E80  }
0x72: {  	[sflag:s31] =	ssyncset.done $0x0  }
0x73: {  	[sflag:s31] =	ssyncadd.s32 $0xFFFFC180  }
0x74: {  	[spmem:s2] =	stream.indirect.scatter.add.f32 [tilespmem:s24], [sflag:$0x3], $0x80, s15, s28, $0xb8;
	[tilespmem:$0x1C800] =	vst v63  }
0x75: {  	_ =	swait.ge [sflag:s25], $0x3E80  }
0x76: {  	[sflag:s25] =	ssyncset.done $0x0  }
0x77: {  	[sflag:s25] =	ssyncadd.s32 $0xFFFFC180  }
0x78: {  	[tilespmem:s24], [sflag:$0x1] =	stream.indirect.gather [hbm4b:s4+s28], $0x80, s16, s28, $0xb8;
	[tilespmem:$0x1C800] =	vst v63  }
0x79: {  	_ =	swait.ge [sflag:s0], $0x3E80  }
0x7a: {  	[sflag:s0] =	ssyncset.done $0x0  }
0x7b: {  	[sflag:s0] =	ssyncadd.s32 $0xFFFFC180  }
0x7c: {  	[spmem:s2] =	stream.indirect.scatter.add.f32 [tilespmem:s30], [sflag:$0x3], $0x80, s17, s28, $0xb8;
	[tilespmem:$0x1C800] =	vst v63  }
0x7d: {  	_ =	swait.ge [sflag:s25], $0x3E80  }
0x7e: {  	[sflag:s25] =	ssyncset.done $0x0  }
0x7f: {  	[sflag:s25] =	ssyncadd.s32 $0xFFFFC180  }
0x80: {  	[tilespmem:s30], [sflag:$0x2] =	stream.indirect.gather [hbm4b:s4+s28], $0x80, s18, s28, $0xb8;
	[tilespmem:$0x1C800] =	vst v63  }
0x81: {  	_ =	swait.ge [sflag:s31], $0x3E80  }
0x82: {  	[sflag:s31] =	ssyncset.done $0x0  }
0x83: {  	[sflag:s31] =	ssyncadd.s32 $0xFFFFC180  }
0x84: {  	[spmem:s2] =	stream.indirect.scatter.add.f32 [tilespmem:s24], [sflag:$0x3], $0x80, s19, s28, $0xb8;
	[tilespmem:$0x1C800] =	vst v63  }
0x85: {  	_ =	swait.ge [sflag:s25], $0x3E80  }
0x86: {  	[sflag:s25] =	ssyncset.done $0x0  }
0x87: {  	[sflag:s25] =	ssyncadd.s32 $0xFFFFC180  }
0x88: {  	[tilespmem:s24], [sflag:$0x1] =	stream.indirect.gather [hbm4b:s4+s28], $0x80, s20, s28, $0xb8;
	[tilespmem:$0x1C800] =	vst v63  }
0x89: {  	_ =	swait.ge [sflag:s0], $0x3E80  }
0x8a: {  	[sflag:s0] =	ssyncset.done $0x0  }
0x8b: {  	[sflag:s0] =	ssyncadd.s32 $0xFFFFC180  }
0x8c: {  	[spmem:s2] =	stream.indirect.scatter.add.f32 [tilespmem:s30], [sflag:$0x3], $0x80, s21, s28, $0xb8;
	[tilespmem:$0x1C800] =	vst v63  }
0x8d: {  	_ =	swait.ge [sflag:s25], $0x3E80  }
0x8e: {  	[sflag:s25] =	ssyncset.done $0x0  }
0x8f: {  	[sflag:s25] =	ssyncadd.s32 $0xFFFFC180  }
0x90: {  	[tilespmem:s30], [sflag:$0x2] =	stream.indirect.gather [hbm4b:s4+s28], $0x80, s7, s28, $0xb8;
	[tilespmem:$0x1C800] =	vst v63  }
0x91: {  	_ =	swait.ge [sflag:s31], $0x3E80  }
0x92: {  	[sflag:s31] =	ssyncset.done $0x0  }
0x93: {  	[sflag:s31] =	ssyncadd.s32 $0xFFFFC180  }
0x94: {  	[spmem:s2] =	stream.indirect.scatter.add.f32 [tilespmem:s24], [sflag:$0x3], $0x80, s8, s28, $0xb8;
	[tilespmem:$0x1C800] =	vst v63  }
0x95: {  	_ =	swait.ge [sflag:s25], $0x3E80  }
0x96: {  	[sflag:s25] =	ssyncset.done $0x0  }
0x97: {  	[sflag:s25] =	ssyncadd.s32 $0xFFFFC180  }
0x98: {  	_ =	swait.ge [sflag:s0], $0x3E80  }
0x99: {  	[sflag:s0] =	ssyncset.done $0x0  }
0x9a: {  	[sflag:s0] =	ssyncadd.s32 $0xFFFFC180  }
0x9b: {  	[spmem:s2] =	stream.indirect.scatter.add.f32 [tilespmem:s30], [sflag:$0x3], $0x80, s9, s28, $0xb8;
	[tilespmem:$0x1C800] =	vst v63  }
0x9c: {  	_ =	swait.ge [sflag:s25], $0x3E80  }
0x9d: {  	s11 =	simm.s32 $0x80;
	s12 =	simm.s32 $0x100;
	[sflag:s25] =	ssyncset.done $0x0  }
.LBB2_4:
0x9e: {  	s14 =	sadd.s32 s11, s23  }
0x9f: {  	[sflag:s25] =	ssyncadd.s32 $0xFFFFC180;
	s10 =	smov.u32 s12;
	s13 =	sadd.s32 $0x80, s12  }
0xa0: {  	[tilespmem:s3], [sflag:$0x3] =	stream.linear.gather [hbm4b:s14+s3], $0x400, $0x38;
	[tilespmem:$0x1C800] =	vst v63  }
0xa1: {  	p0 =	sne.s32 s12, $0x480;
	_ =	swait.ge [sflag:s25], $0x400  }
0xa2: {  	[sflag:s25] =	ssyncset.done $0x0  }
0xa3: {  	s12 =	sadd.s32 s11, s22;
	s11 =	smov.u32 s10;
	[sflag:s25] =	ssyncadd.s32 $0xFFFFFC00  }
0xa4: {  	[tilespmem:s26], [sflag:$0x3] =	stream.linear.gather [hbm4b:s12+s3], $0x400, $0x38;
	[tilespmem:$0x1C800] =	vst v63  }
0xa5: {  	_ =	swait.ge [sflag:s25], $0x400  }
0xa6: {  	[sflag:s25] =	ssyncset.done $0x0  }
0xa7: {  	[sflag:s25] =	ssyncadd.s32 $0xFFFFFC00  }
0xa8: {  	[tilespmem:s24], [sflag:$0x1] =	stream.indirect.gather [hbm4b:s4+s28], $0x80, s3, s28, $0xb8;
	[tilespmem:$0x1C800] =	vst v63  }
0xa9: {  	_ = 	snop  }
0xaa: {  	[tilespmem:s30], [sflag:$0x2] =	stream.indirect.gather [hbm4b:s4+s28], $0x80, s29, s28, $0xb8;
	[tilespmem:$0x1C800] =	vst v63  }
0xab: {  	_ =	swait.ge [sflag:s31], $0x3E80  }
0xac: {  	[sflag:s31] =	ssyncset.done $0x0  }
0xad: {  	[sflag:s31] =	ssyncadd.s32 $0xFFFFC180  }
0xae: {  	[spmem:s2] =	stream.indirect.scatter.add.f32 [tilespmem:s24], [sflag:$0x3], $0x80, s26, s28, $0xb8;
	[tilespmem:$0x1C800] =	vst v63  }
0xaf: {  	_ =	swait.ge [sflag:s25], $0x3E80  }
0xb0: {  	[sflag:s25] =	ssyncset.done $0x0  }
0xb1: {  	[sflag:s25] =	ssyncadd.s32 $0xFFFFC180  }
0xb2: {  	[tilespmem:s24], [sflag:$0x1] =	stream.indirect.gather [hbm4b:s4+s28], $0x80, s1, s28, $0xb8;
	[tilespmem:$0x1C800] =	vst v63  }
0xb3: {  	_ =	swait.ge [sflag:s0], $0x3E80  }
0xb4: {  	[sflag:s0] =	ssyncset.done $0x0  }
0xb5: {  	[sflag:s0] =	ssyncadd.s32 $0xFFFFC180  }
0xb6: {  	[spmem:s2] =	stream.indirect.scatter.add.f32 [tilespmem:s30], [sflag:$0x3], $0x80, s5, s28, $0xb8;
	[tilespmem:$0x1C800] =	vst v63  }
0xb7: {  	_ =	swait.ge [sflag:s25], $0x3E80  }
0xb8: {  	[sflag:s25] =	ssyncset.done $0x0  }
0xb9: {  	[sflag:s25] =	ssyncadd.s32 $0xFFFFC180  }
0xba: {  	[tilespmem:s30], [sflag:$0x2] =	stream.indirect.gather [hbm4b:s4+s28], $0x80, s6, s28, $0xb8;
	[tilespmem:$0x1C800] =	vst v63  }
0xbb: {  	_ =	swait.ge [sflag:s31], $0x3E80  }
0xbc: {  	[sflag:s31] =	ssyncset.done $0x0  }
0xbd: {  	[sflag:s31] =	ssyncadd.s32 $0xFFFFC180  }
0xbe: {  	[spmem:s2] =	stream.indirect.scatter.add.f32 [tilespmem:s24], [sflag:$0x3], $0x80, s15, s28, $0xb8;
	[tilespmem:$0x1C800] =	vst v63  }
0xbf: {  	_ =	swait.ge [sflag:s25], $0x3E80  }
0xc0: {  	[sflag:s25] =	ssyncset.done $0x0  }
0xc1: {  	[sflag:s25] =	ssyncadd.s32 $0xFFFFC180  }
0xc2: {  	[tilespmem:s24], [sflag:$0x1] =	stream.indirect.gather [hbm4b:s4+s28], $0x80, s16, s28, $0xb8;
	[tilespmem:$0x1C800] =	vst v63  }
0xc3: {  	_ =	swait.ge [sflag:s0], $0x3E80  }
0xc4: {  	[sflag:s0] =	ssyncset.done $0x0  }
0xc5: {  	[sflag:s0] =	ssyncadd.s32 $0xFFFFC180  }
0xc6: {  	[spmem:s2] =	stream.indirect.scatter.add.f32 [tilespmem:s30], [sflag:$0x3], $0x80, s17, s28, $0xb8;
	[tilespmem:$0x1C800] =	vst v63  }
0xc7: {  	_ =	swait.ge [sflag:s25], $0x3E80  }
0xc8: {  	[sflag:s25] =	ssyncset.done $0x0  }
0xc9: {  	[sflag:s25] =	ssyncadd.s32 $0xFFFFC180  }
0xca: {  	[tilespmem:s30], [sflag:$0x2] =	stream.indirect.gather [hbm4b:s4+s28], $0x80, s18, s28, $0xb8;
	[tilespmem:$0x1C800] =	vst v63  }
0xcb: {  	_ =	swait.ge [sflag:s31], $0x3E80  }
0xcc: {  	[sflag:s31] =	ssyncset.done $0x0  }
0xcd: {  	[sflag:s31] =	ssyncadd.s32 $0xFFFFC180  }
0xce: {  	[spmem:s2] =	stream.indirect.scatter.add.f32 [tilespmem:s24], [sflag:$0x3], $0x80, s19, s28, $0xb8;
	[tilespmem:$0x1C800] =	vst v63  }
0xcf: {  	_ =	swait.ge [sflag:s25], $0x3E80  }
0xd0: {  	[sflag:s25] =	ssyncset.done $0x0  }
0xd1: {  	[sflag:s25] =	ssyncadd.s32 $0xFFFFC180  }
0xd2: {  	[tilespmem:s24], [sflag:$0x1] =	stream.indirect.gather [hbm4b:s4+s28], $0x80, s20, s28, $0xb8;
	[tilespmem:$0x1C800] =	vst v63  }
0xd3: {  	_ =	swait.ge [sflag:s0], $0x3E80  }
0xd4: {  	[sflag:s0] =	ssyncset.done $0x0  }
0xd5: {  	[sflag:s0] =	ssyncadd.s32 $0xFFFFC180  }
0xd6: {  	[spmem:s2] =	stream.indirect.scatter.add.f32 [tilespmem:s30], [sflag:$0x3], $0x80, s21, s28, $0xb8;
	[tilespmem:$0x1C800] =	vst v63  }
0xd7: {  	_ =	swait.ge [sflag:s25], $0x3E80  }
0xd8: {  	[sflag:s25] =	ssyncset.done $0x0  }
0xd9: {  	[sflag:s25] =	ssyncadd.s32 $0xFFFFC180  }
0xda: {  	[tilespmem:s30], [sflag:$0x2] =	stream.indirect.gather [hbm4b:s4+s28], $0x80, s7, s28, $0xb8;
	[tilespmem:$0x1C800] =	vst v63  }
0xdb: {  	_ =	swait.ge [sflag:s31], $0x3E80  }
0xdc: {  	[sflag:s31] =	ssyncset.done $0x0  }
0xdd: {  	[sflag:s31] =	ssyncadd.s32 $0xFFFFC180  }
0xde: {  	[spmem:s2] =	stream.indirect.scatter.add.f32 [tilespmem:s24], [sflag:$0x3], $0x80, s8, s28, $0xb8;
	[tilespmem:$0x1C800] =	vst v63  }
0xdf: {  	_ =	swait.ge [sflag:s25], $0x3E80  }
0xe0: {  	[sflag:s25] =	ssyncset.done $0x0  }
0xe1: {  	[sflag:s25] =	ssyncadd.s32 $0xFFFFC180  }
0xe2: {  	_ =	swait.ge [sflag:s0], $0x3E80  }
.Ltmp1:
0xe3: {  	[sflag:s0] =	ssyncset.done $0x0;
	(pc) =	sbr.rel @p0 .LBB2_4-.Ltmp1, $4  }
0xe4: {  	[sflag:s0] =	ssyncadd.s32 $0xFFFFC180  }
0xe5: {  	[spmem:s2] =	stream.indirect.scatter.add.f32 [tilespmem:s30], [sflag:$0x3], $0x80, s9, s28, $0xb8;
	[tilespmem:$0x1C800] =	vst v63  }
0xe6: {  	_ =	swait.ge [sflag:s25], $0x3E80  }
0xe7: {  	s12 =	smov.u32 s13;
	[sflag:s25] =	ssyncset.done $0x0  }
0xe8: {  	s10 =	sadd.s32 s11, s23;
	[sflag:s25] =	ssyncadd.s32 $0xFFFFC180  }
0xe9: {  	[tilespmem:s3], [sflag:$0x3] =	stream.linear.gather [hbm4b:s10+s3], $0x400, $0x38;
	[tilespmem:$0x1C800] =	vst v63  }
0xea: {  	_ =	swait.ge [sflag:s25], $0x400  }
0xeb: {  	[sflag:s25] =	ssyncset.done $0x0  }
0xec: {  	s12 =	sadd.s32 s11, s22;
	[sflag:s25] =	ssyncadd.s32 $0xFFFFFC00  }
0xed: {  	[tilespmem:s26], [sflag:$0x3] =	stream.linear.gather [hbm4b:s12+s3], $0x400, $0x38;
	[tilespmem:$0x1C800] =	vst v63  }
0xee: {  	_ =	swait.ge [sflag:s25], $0x400  }
0xef: {  	[sflag:s25] =	ssyncset.done $0x0  }
0xf0: {  	[sflag:s25] =	ssyncadd.s32 $0xFFFFFC00  }
0xf1: {  	[tilespmem:s24], [sflag:$0x1] =	stream.indirect.gather [hbm4b:s4+s28], $0x80, s3, s28, $0xb8;
	[tilespmem:$0x1C800] =	vst v63  }
0xf2: {  	_ = 	snop  }
0xf3: {  	[tilespmem:s30], [sflag:$0x2] =	stream.indirect.gather [hbm4b:s4+s28], $0x80, s29, s28, $0xb8;
	[tilespmem:$0x1C800] =	vst v63  }
0xf4: {  	_ =	swait.ge [sflag:s31], $0x3E80  }
0xf5: {  	[sflag:s31] =	ssyncset.done $0x0  }
0xf6: {  	[sflag:s31] =	ssyncadd.s32 $0xFFFFC180  }
0xf7: {  	[spmem:s2] =	stream.indirect.scatter.add.f32 [tilespmem:s24], [sflag:$0x3], $0x80, s26, s28, $0xb8;
	[tilespmem:$0x1C800] =	vst v63  }
0xf8: {  	_ =	swait.ge [sflag:s25], $0x3E80  }
0xf9: {  	[sflag:s25] =	ssyncset.done $0x0  }
0xfa: {  	[sflag:s25] =	ssyncadd.s32 $0xFFFFC180  }
0xfb: {  	[tilespmem:s24], [sflag:$0x1] =	stream.indirect.gather [hbm4b:s4+s28], $0x80, s1, s28, $0xb8;
	[tilespmem:$0x1C800] =	vst v63  }
0xfc: {  	_ =	swait.ge [sflag:s0], $0x3E80  }
0xfd: {  	[sflag:s0] =	ssyncset.done $0x0  }
0xfe: {  	[sflag:s0] =	ssyncadd.s32 $0xFFFFC180  }
0xff: {  	[spmem:s2] =	stream.indirect.scatter.add.f32 [tilespmem:s30], [sflag:$0x3], $0x80, s5, s28, $0xb8;
	[tilespmem:$0x1C800] =	vst v63  }
0x100: {  	_ =	swait.ge [sflag:s25], $0x3E80  }
0x101: {  	[sflag:s25] =	ssyncset.done $0x0  }
0x102: {  	[sflag:s25] =	ssyncadd.s32 $0xFFFFC180  }
0x103: {  	[tilespmem:s30], [sflag:$0x2] =	stream.indirect.gather [hbm4b:s4+s28], $0x80, s6, s28, $0xb8;
	[tilespmem:$0x1C800] =	vst v63  }
0x104: {  	_ =	swait.ge [sflag:s31], $0x3E80  }
0x105: {  	[sflag:s31] =	ssyncset.done $0x0  }
0x106: {  	[sflag:s31] =	ssyncadd.s32 $0xFFFFC180  }
0x107: {  	[spmem:s2] =	stream.indirect.scatter.add.f32 [tilespmem:s24], [sflag:$0x3], $0x80, s15, s28, $0xb8;
	[tilespmem:$0x1C800] =	vst v63  }
0x108: {  	_ =	swait.ge [sflag:s25], $0x3E80  }
0x109: {  	[sflag:s25] =	ssyncset.done $0x0  }
0x10a: {  	[sflag:s25] =	ssyncadd.s32 $0xFFFFC180  }
0x10b: {  	[tilespmem:s24], [sflag:$0x1] =	stream.indirect.gather [hbm4b:s4+s28], $0x80, s16, s28, $0xb8;
	[tilespmem:$0x1C800] =	vst v63  }
0x10c: {  	_ =	swait.ge [sflag:s0], $0x3E80  }
0x10d: {  	[sflag:s0] =	ssyncset.done $0x0  }
0x10e: {  	[sflag:s0] =	ssyncadd.s32 $0xFFFFC180  }
0x10f: {  	[spmem:s2] =	stream.indirect.scatter.add.f32 [tilespmem:s30], [sflag:$0x3], $0x80, s17, s28, $0xb8;
	[tilespmem:$0x1C800] =	vst v63  }
0x110: {  	_ =	swait.ge [sflag:s25], $0x3E80  }
0x111: {  	[sflag:s25] =	ssyncset.done $0x0  }
0x112: {  	[sflag:s25] =	ssyncadd.s32 $0xFFFFC180  }
0x113: {  	[tilespmem:s30], [sflag:$0x2] =	stream.indirect.gather [hbm4b:s4+s28], $0x80, s18, s28, $0xb8;
	[tilespmem:$0x1C800] =	vst v63  }
0x114: {  	_ =	swait.ge [sflag:s31], $0x3E80  }
0x115: {  	[sflag:s31] =	ssyncset.done $0x0  }
0x116: {  	[sflag:s31] =	ssyncadd.s32 $0xFFFFC180  }
0x117: {  	[spmem:s2] =	stream.indirect.scatter.add.f32 [tilespmem:s24], [sflag:$0x3], $0x80, s19, s28, $0xb8;
	[tilespmem:$0x1C800] =	vst v63  }
0x118: {  	_ =	swait.ge [sflag:s25], $0x3E80  }
0x119: {  	[sflag:s25] =	ssyncset.done $0x0  }
0x11a: {  	[sflag:s25] =	ssyncadd.s32 $0xFFFFC180  }
0x11b: {  	[tilespmem:s24], [sflag:$0x1] =	stream.indirect.gather [hbm4b:s4+s28], $0x80, s20, s28, $0xb8;
	[tilespmem:$0x1C800] =	vst v63  }
0x11c: {  	_ =	swait.ge [sflag:s0], $0x3E80  }
0x11d: {  	[sflag:s0] =	ssyncset.done $0x0  }
0x11e: {  	[sflag:s0] =	ssyncadd.s32 $0xFFFFC180  }
0x11f: {  	[spmem:s2] =	stream.indirect.scatter.add.f32 [tilespmem:s30], [sflag:$0x3], $0x80, s21, s28, $0xb8;
	[tilespmem:$0x1C800] =	vst v63  }
0x120: {  	_ =	swait.ge [sflag:s25], $0x3E80  }
0x121: {  	[sflag:s25] =	ssyncset.done $0x0  }
0x122: {  	[sflag:s25] =	ssyncadd.s32 $0xFFFFC180  }
0x123: {  	[tilespmem:s30], [sflag:$0x2] =	stream.indirect.gather [hbm4b:s4+s28], $0x80, s7, s28, $0xb8;
	[tilespmem:$0x1C800] =	vst v63  }
0x124: {  	_ =	swait.ge [sflag:s31], $0x3E80  }
0x125: {  	[sflag:s31] =	ssyncset.done $0x0  }
0x126: {  	[sflag:s31] =	ssyncadd.s32 $0xFFFFC180  }
0x127: {  	[spmem:s2] =	stream.indirect.scatter.add.f32 [tilespmem:s24], [sflag:$0x3], $0x80, s8, s28, $0xb8;
	[tilespmem:$0x1C800] =	vst v63  }
0x128: {  	_ =	swait.ge [sflag:s25], $0x3E80  }
0x129: {  	[sflag:s25] =	ssyncset.done $0x0  }
0x12a: {  	[sflag:s25] =	ssyncadd.s32 $0xFFFFC180  }
0x12b: {  	_ =	swait.ge [sflag:s0], $0x3E80  }
0x12c: {  	[sflag:s0] =	ssyncset.done $0x0  }
0x12d: {  	[sflag:s0] =	ssyncadd.s32 $0xFFFFC180  }
0x12e: {  	[spmem:s2] =	stream.indirect.scatter.add.f32 [tilespmem:s30], [sflag:$0x3], $0x80, s9, s28, $0xb8;
	[tilespmem:$0x1C800] =	vst v63  }
0x12f: {  	_ =	swait.ge [sflag:s25], $0x3E80  }
0x130: {  	[sflag:s25] =	ssyncset.done $0x0  }
0x131: {  	[sflag:s25] =	ssyncadd.s32 $0xFFFFC180  }
0x132: {  	s13 =	stileid.u32;
	[bflag:$0x0] =	sbarrier.arrive $0xFFFF  }
0x133: {  	s10 =	sshll.u32 s13, $0x6;
	s13 =	rddreg [dreg:$0x5]  }
0x134: {  	s10 =	sor.u32 $0x1C03, s10;
	s12 =	rddreg [dreg:$0x3];
	s14 =	sshrl.u32 s13, $0x3  }
0x135: {  	[hbm:s12], [sflag:s10] =	dma.local [spmem:s14], $0x500  }
0x136: {  	_ =	swait.ge [sflag:s25], $0x500  }
0x137: {  	[sflag:s25] =	ssyncset.done $0x0;
	s14 =	rddreg [dreg:$0x6]  }
0x138: {  	s12 =	rddreg [dreg:$0xd];
	[sflag:s25] =	ssyncadd.s32 $0xFFFFFB00;
	s11 =	sshrl.u32 s14, $0x3  }
0x139: {  	[hbm:s12], [sflag:s10] =	dma.local [spmem:s11], $0x500  }
0x13a: {  	_ =	swait.ge [sflag:s25], $0x500  }
0x13b: {  	[sflag:s25] =	ssyncset.done $0x0;
	s12 =	rddreg [dreg:$0x7]  }
0x13c: {  	[sflag:s25] =	ssyncadd.s32 $0xFFFFFB00;
	s11 =	sshrl.u32 s12, $0x3;
	s12 =	rddreg [dreg:$0xe]  }
0x13d: {  	[hbm:s12], [sflag:s10] =	dma.local [spmem:s11], $0x500  }
0x13e: {  	_ =	swait.ge [sflag:s25], $0x500  }
0x13f: {  	[sflag:s25] =	ssyncset.done $0x0;
	s12 =	rddreg [dreg:$0x8]  }
0x140: {  	[sflag:s25] =	ssyncadd.s32 $0xFFFFFB00;
	s11 =	sshrl.u32 s12, $0x3;
	s12 =	rddreg [dreg:$0xf]  }
0x141: {  	[hbm:s12], [sflag:s10] =	dma.local [spmem:s11], $0x500  }
0x142: {  	_ =	swait.ge [sflag:s25], $0x500  }
0x143: {  	[sflag:s25] =	ssyncset.done $0x0;
	s12 =	rddreg [dreg:$0x9]  }
0x144: {  	[sflag:s25] =	ssyncadd.s32 $0xFFFFFB00;
	s11 =	sshrl.u32 s12, $0x3;
	s12 =	rddreg [dreg:$0x10]  }
0x145: {  	[hbm:s12], [sflag:s10] =	dma.local [spmem:s11], $0x500  }
0x146: {  	_ =	swait.ge [sflag:s25], $0x500  }
0x147: {  	[sflag:s25] =	ssyncset.done $0x0;
	s12 =	rddreg [dreg:$0xa]  }
0x148: {  	[sflag:s25] =	ssyncadd.s32 $0xFFFFFB00;
	s11 =	sshrl.u32 s12, $0x3;
	s12 =	rddreg [dreg:$0x11]  }
0x149: {  	[hbm:s12], [sflag:s10] =	dma.local [spmem:s11], $0x500  }
0x14a: {  	_ =	swait.ge [sflag:s25], $0x500  }
0x14b: {  	[sflag:s25] =	ssyncset.done $0x0;
	s12 =	rddreg [dreg:$0xb]  }
0x14c: {  	[sflag:s25] =	ssyncadd.s32 $0xFFFFFB00;
	s11 =	sshrl.u32 s12, $0x3;
	s12 =	rddreg [dreg:$0x12]  }
0x14d: {  	[hbm:s12], [sflag:s10] =	dma.local [spmem:s11], $0x500  }
0x14e: {  	_ =	swait.ge [sflag:s25], $0x500  }
0x14f: {  	[sflag:s25] =	ssyncset.done $0x0;
	s12 =	rddreg [dreg:$0xc]  }
0x150: {  	[sflag:s25] =	ssyncadd.s32 $0xFFFFFB00;
	s11 =	sshrl.u32 s12, $0x3;
	s12 =	rddreg [dreg:$0x13]  }
0x151: {  	[hbm:s12], [sflag:s10] =	dma.local [spmem:s11], $0x500  }
0x152: {  	_ =	swait.ge [sflag:s25], $0x500  }
0x153: {  	s10 =	rddreg [dreg:$0x14]  }
0x154: {  	s12 =	rddreg [dreg:$0x4];
	s11 =	sadd.s32 $0x1, s10  }
0x155: {  	p0 =	sne.s32 s11, s12  }
.Ltmp2:
0x156: {  	_ = 	snop;
	(pc) =	sbr.rel @p0 .LBB2_1-.Ltmp2, $3  }
0x157: {  	_ =	sdelay $0x1  }
0x158: {  	[sflag:s25] =	ssyncset.done $0x0  }
0x159: {  	[sflag:s25] =	ssyncadd.s32 $0xFFFFFB00  }
0x15a: {  	_ =	sfence.sel $0x180000  }
0x15b: {  	[bflag:$0x0] =	sbarrier.arrive $0xFFFF  }
0x15c: {  	_ =	strace $0x9000004A  }
0x15d: {  	s0 =	stileid.u32;
	[bflag:$0x2] =	sbarrier.arrive $0xFFFF  }
0x15e: {  	p0 =	sne.s32 s0, $0x0;
	s0 =	rddreg [dreg:$0x2]  }
0x15f: {  	s0 =	sadd.s32 @!p0 $0x100000, s0  }
0x160: {  	[sflag:s0] =	ssyncadd.tile.s32 @!p0 $0x1;
	_ =	shalt  }
.Lfunc_end2:
_tile_overlayer_lowered:
.L_overlay_start_2:
0x161: {  	(tag) =	ssettag $0x2  }
0x162: {  	s0 =	rddreg [dreg:$0x0];
	s2 =	stileid.u32  }
0x163: {  	s1 =	rddreg [dreg:$0x1];
	p0 =	sne.s32 s2, $0x0  }
0x164: {  	s3 =	rddreg [dreg:$0x2];
	[bflag:$0x3] =	sbarrier.arrive $0xFFFF;
	s2 =	simm.s32 @!p0 $0x1C03  }
0x165: {  	[timem:s3], [sflag:s2] =	dma.local @!p0 [hbm:s0], s1  }
0x166: {  	s0 =	simm.s32 @!p0 $0x3  }
0x167: {  	_ =	swait.ge @!p0 [sflag:s0], s1  }
0x168: {  	s1 =	ssub.s32 @!p0 $0x0, s1;
	[sflag:s0] =	ssyncset.done @!p0 $0x0  }
0x169: {  	[sflag:s0] =	ssyncadd.s32 @!p0 s1  }
0x16a: {  	[bflag:$0x3] =	sbarrier.arrive $0xFFFF  }
0x16b: {  	_ =	shalt  }

// kernel: kernel.16.cloned.1.call-start
scs
__scs_entry_jumppad:
0x0: {  	(pc) =	sbr.rel $0x88, $3  }
0x1: {  	(tag) =	ssettag $0x0;
	lr =	simm.s32 $0x1  }
0x2: {  	[smem:$0x3F97] =	sst lr;
	_ =	strace $0xD0000000  }
0x3: {  	_ = 	snop  }
0x4: {  	_ = 	snop  }
0x5: {  	_ = 	snop  }
0x6: {  	_ = 	snop  }
0x7: {  	_ = 	snop  }
__scs_overlays_trampoline_lowered:
0x8: {  	[smem:$0x3FA6] =	sst s0  }
0x9: {  	[smem:$0x3FA7] =	sst s1  }
0xa: {  	[smem:$0x3FA8] =	sst s2  }
0xb: {  	[smem:$0x3FA9] =	sst s3  }
0xc: {  	[smem:$0x3FAA] =	sst s4  }
0xd: {  	[smem:$0x3FAB] =	sst s5  }
0xe: {  	[smem:$0x3FAC] =	sst s6  }
0xf: {  	[smem:$0x3FAD] =	sst s7  }
0x10: {  	[smem:$0x3FAE] =	sst s8  }
0x11: {  	[smem:$0x3FAF] =	sst s9;
	s0 =	simm.s32 @!p0 $0x0  }
0x12: {  	s1 =	sld [smem:$0x3F95];
	s0 =	simm.s32 @p0 $0x1  }
0x13: {  	[smem:$0x3FB0] =	sst s0;
	s0 =	simm.s32 @!p1 $0x0  }
0x14: {  	s2 =	sld [smem:$0x3F94];
	s0 =	simm.s32 @p1 $0x1  }
0x15: {  	[smem:$0x3FB1] =	sst s0;
	s0 =	simm.s32 @!p2 $0x0  }
0x16: {  	s3 =	sld [smem:$0x3FDB];
	s0 =	simm.s32 @p2 $0x1  }
0x17: {  	s4 =	simm.s32 $0x1BF5;
	[smem:$0x3FB3] =	sst s0  }
0x18: {  	s0 =	sld [smem:$0x3F96];
	_ =	swait.ge [sflag:s4], $0x0  }
0x19: {  	s7 =	sld [smem:$0x3F97]  }
0x1a: {  	s8 =	sadd.s32 $0xFFFFE003, lr  }
0x1b: {  	s9 =	sadd.s32 $0xFFFFFEF7, lr;
	s5 =	simm.s32 $0xFFFFFFFF;
	p2 =	slt.u32 s8, $0xFFFFF086  }
0x1c: {  	p1 =	slt.u32 s9, $0xF7A;
	s5 =	simm.s32 @!p2 $0x0  }
0x1d: {  	s5 =	simm.s32 @p1 $0x1;
	p0 =	seq.s32 s7, s2  }
0x1e: {  	s7 =	smul.u32 @!p0 $0xF7A, s2;
	p2 =	seq.s32 @!p0 s5, $0x0  }
0x1f: {  	s9 =	smul.u32 $0xF7A, s1;
	s8 =	simm.s32 @!p0 $0x1BF5;
	p2 =	por !p2, p0  }
0x20: {  	[sflag:s8] =	ssyncset.s32 @!p0 $0xFFFFF086;
	s6 =	sadd.s32 @!p0 s3, s7;
	s7 =	simm.s32 @!p0 $0x108  }
0x21: {  	s3 =	sadd.s32 s3, s9;
	s6 =	sadd.s32 @!p0 $0x88, s6;
	s7 =	simm.s32 @p2 $0x1082  }
0x22: {  	[simem:s7], [sflag:s8] =	dma.local @!p0 [hbm:s6], $0xF7A  }
0x23: {  	s9 =	sor.u32 $0xD0000000, s2;
	s6 =	simm.s32 $0x108;
	_ =	swait.ge @!p0 [sflag:s8], $0x0  }
0x24: {  	s3 =	sadd.s32 $0x88, s3;
	s6 =	simm.s32 @!p1 $0x1082;
	[sflag:s4] =	ssyncset.s32 $0xFFFFF086  }
0x25: {  	[simem:s6], [sflag:s4] =	dma.local [hbm:s3], $0xF7A  }
0x26: {  	[smem:$0x3F97] =	sst s1;
	(tag) =	ssettag s2;
	_ =	strace s9  }
0x27: {  	s1 =	sld [smem:$0x3FA7]  }
0x28: {  	s2 =	sld [smem:$0x3FA8]  }
0x29: {  	s4 =	sld [smem:$0x3FAA]  }
0x2a: {  	p0 =	seq.s32 s5, $0x0;
	s5 =	sld [smem:$0x3FAB]  }
0x2b: {  	s6 =	sld [smem:$0x3FAC]  }
0x2c: {  	s7 =	sld [smem:$0x3FAD]  }
0x2d: {  	s3 =	simm.s32 $0x108;
	s8 =	sld [smem:$0x3FAE]  }
0x2e: {  	s3 =	simm.s32 @!p0 $0x1082;
	s9 =	sld [smem:$0x3FAF]  }
0x2f: {  	lr =	sadd.s32 s0, s3;
	s0 =	sld [smem:$0x3FA6]  }
0x30: {  	s3 =	sld [smem:$0x3FA9]  }
0x31: {  	[smem:$0x3FB2] =	sst s10  }
0x32: {  	s10 =	sld [smem:$0x3FB0];
	_ =	sdelay $0x3  }
0x33: {  	p0 =	seq.s32 s10, $0x1;
	s10 =	sld [smem:$0x3FB2];
	_ =	sdelay $0x3  }
0x34: {  	[smem:$0x3FB2] =	sst s10  }
0x35: {  	s10 =	sld [smem:$0x3FB1];
	_ =	sdelay $0x3  }
0x36: {  	p1 =	seq.s32 s10, $0x1;
	s10 =	sld [smem:$0x3FB2];
	_ =	sdelay $0x3  }
0x37: {  	[smem:$0x3FB2] =	sst s10  }
0x38: {  	s10 =	sld [smem:$0x3FB3]  }
0x39: {  	_ = 	snop;
	(pc) =	sbr.ind lr, $3  }
0x3a: {  	_ = 	snop  }
0x3b: {  	_ = 	snop  }
0x3c: {  	p2 =	seq.s32 s10, $0x1;
	s10 =	sld [smem:$0x3FB2]  }
0x3d: {  	_ =	shalt  }
0x3e: {  	_ =	shalt  }
0x3f: {  	_ =	shalt  }
0x40: {  	_ =	shalt  }
0x41: {  	_ =	shalt  }
0x42: {  	_ =	shalt  }
0x43: {  	_ =	shalt  }
0x44: {  	_ =	shalt  }
0x45: {  	_ =	shalt  }
0x46: {  	_ =	shalt  }
0x47: {  	_ =	shalt  }
0x48: {  	_ =	shalt  }
0x49: {  	_ =	shalt  }
0x4a: {  	_ =	shalt  }
0x4b: {  	_ =	shalt  }
0x4c: {  	_ =	shalt  }
0x4d: {  	_ =	shalt  }
0x4e: {  	_ =	shalt  }
0x4f: {  	_ =	shalt  }
0x50: {  	_ =	shalt  }
0x51: {  	_ =	shalt  }
0x52: {  	_ =	shalt  }
0x53: {  	_ =	shalt  }
0x54: {  	_ =	shalt  }
0x55: {  	_ =	shalt  }
0x56: {  	_ =	shalt  }
0x57: {  	_ =	shalt  }
0x58: {  	_ =	shalt  }
0x59: {  	_ =	shalt  }
0x5a: {  	_ =	shalt  }
0x5b: {  	_ =	shalt  }
0x5c: {  	_ =	shalt  }
0x5d: {  	_ =	shalt  }
0x5e: {  	_ =	shalt  }
0x5f: {  	_ =	shalt  }
0x60: {  	_ =	shalt  }
0x61: {  	_ =	shalt  }
0x62: {  	_ =	shalt  }
0x63: {  	_ =	shalt  }
0x64: {  	_ =	shalt  }
0x65: {  	_ =	shalt  }
0x66: {  	_ =	shalt  }
0x67: {  	_ =	shalt  }
0x68: {  	_ =	shalt  }
0x69: {  	_ =	shalt  }
0x6a: {  	_ =	shalt  }
0x6b: {  	_ =	shalt  }
0x6c: {  	_ =	shalt  }
0x6d: {  	_ =	shalt  }
0x6e: {  	_ =	shalt  }
0x6f: {  	_ =	shalt  }
0x70: {  	_ =	shalt  }
0x71: {  	_ =	shalt  }
0x72: {  	_ =	shalt  }
0x73: {  	_ =	shalt  }
0x74: {  	_ =	shalt  }
0x75: {  	_ =	shalt  }
0x76: {  	_ =	shalt  }
0x77: {  	_ =	shalt  }
0x78: {  	_ =	shalt  }
0x79: {  	_ =	shalt  }
0x7a: {  	_ =	shalt  }
0x7b: {  	_ =	shalt  }
0x7c: {  	_ =	shalt  }
0x7d: {  	_ =	shalt  }
0x7e: {  	_ =	shalt  }
0x7f: {  	_ =	shalt  }
0x80: {  	_ =	shalt  }
0x81: {  	_ =	shalt  }
0x82: {  	_ =	shalt  }
0x83: {  	_ =	shalt  }
0x84: {  	_ =	shalt  }
0x85: {  	_ =	shalt  }
0x86: {  	_ =	shalt  }
0x87: {  	_ =	shalt  }
.Lfunc_end0:
.L_simem_size_0:
called_computation.2_lowered:
.L_overlay_start_0:
0x88: {  	s2 =	sld [smem:$0x3FD9]  }
0x89: {  	s3 =	sld [smem:$0x3FFE];
	_ =	sdelay $0x1  }
0x8a: {  	s1 =	srdreg.scid  }
0x8b: {  	s0 =	sand.u32 $0x1, s1  }
0x8c: {  	s16 =	sshll.u32 s0, $0xA;
	s2 =	sadd.s32 s3, s2  }
0x8d: {  	s2 =	sadd.s32 s2, s16  }
0x8e: {  	[smem:$0x3FBE] =	sst s2  }
0x8f: {  	_ = 	snop  }
0x90: {  	(tm) =	ssettm $0x1  }
0x91: {  	s17 =	sld [smem:$0x3FFB];
	_ =	sdelay $0x3  }
0x92: {  	_ =	strace s17  }
0x93: {  	s2 =	sld [smem:$0x3FFC];
	_ =	sdelay $0x3  }
0x94: {  	_ =	strace s2  }
0x95: {  	s2 =	sld [smem:$0x3FFD];
	_ =	sdelay $0x3  }
0x96: {  	_ =	strace s2  }
0x97: {  	_ =	strace $0x8FFFFFFF  }
0x98: {  	s18 =	sld [smem:$0x3FDB];
	_ =	sdelay $0x1  }
0x99: {  	s19 =	simm.s32 $_scs_section_size  }
0x9a: {  	s4 =	simm.s32 $_size__tile_overlayer_lowered;
	s5 =	simm.s32 $_tile_overlayer_lowered  }
0x9b: {  	s22 =	simm.s32 $0x1BFF;
	s21 =	sshll.u32 s5, $0x1;
	s2 =	sadd.s32 s19, s18  }
0x9c: {  	s6 =	simm.s32 $0x0;
	s20 =	sshll.u32 s4, $0x1;
	s4 =	sadd.s32 s21, s2  }
0x9d: {  	[timem:s6], [sflag:s22] =	dma.local [hbm:s4], s20  }
0x9e: {  	_ =	swait.ge [sflag:s22], s20  }
0x9f: {  	s3 =	ssub.s32 $0x0, s20;
	[sflag:s22] =	ssyncset.done $0x0  }
0xa0: {  	[sflag:s22] =	ssyncadd.s32 s3;
	_ =	sdelay $0x1  }
0xa1: {  	s23 =	simm.s32 $0x1B8B  }
0xa2: {  	_ =	swait.ge [sflag:s23], $0x1  }
0xa3: {  	[sflag:s23] =	ssyncset.done $0x0  }
0xa4: {  	s25 =	simm.s32 $0x1B8E;
	s24 =	sld [smem:$0x3FFE];
	[sflag:s23] =	ssyncadd.s32 $0xFFFFFFFF  }
0xa5: {  	s26 =	simm.s32 $execute0_lowered;
	[smem:$0x3FD2] =	sst s25  }
0xa6: {  	s4 =	sshll.u32 s26, $0x1;
	_ =	strace $0x8000004C;
	[dreg:$0x1] =	wrdreg $0xFFFFFFFF  }
0xa7: {  	s28 =	simm.s32 $_size_execute0_lowered;
	s2 =	sadd.s32 s2, s4;
	[dreg:$0x0] =	wrdreg $0x0  }
0xa8: {  	s4 =	sshll.u32 s28, $0x1;
	[dreg:$0x2] =	wrdreg s2  }
0xa9: {  	[dreg:$0x3] =	wrdreg s4  }
0xaa: {  	[dreg:$0x4] =	wrdreg $0xC0  }
0xab: {  	_ =	task [dreg:s6], $0x5FFFF  }
0xac: {  	[dreg:$0x1] =	wrdreg $0xFFFFFFFF  }
0xad: {  	[dreg:$0x0] =	wrdreg $0x60  }
0xae: {  	[dreg:$0x2] =	wrdreg s24  }
0xaf: {  	[dreg:$0x3] =	wrdreg $0x88000  }
0xb0: {  	[dreg:$0x4] =	wrdreg $0x9  }
0xb1: {  	_ =	task.clear_ibuf [dreg:s6], $0x5FFFF;
	_ =	strace $0x9000004C  }
0xb2: {  	s29 =	simm.s32 $0x9;
	_ =	strace $0x8000004E  }
0xb3: {  	_ =	swait.ge [sflag:s29], $0x1  }
0xb4: {  	[sflag:s29] =	ssyncadd.s32 $0xFFFFFFFF  }
0xb5: {  	_ =	strace $0x9000004E  }
0xb6: {  	_ =	sfence  }
0xb7: {  	s30 =	sld [smem:$0x0];
	_ =	sdelay $0x2  }
0xb8: {  	s31 =	sshll.u32 s1, $0xD;
	s1 =	sshrl.u32 s1, $0x2  }
0xb9: {  	s3 =	sand.u32 $0x4000, s31;
	s1 =	sadd.s32 s1, s30  }
0xba: {  	s0 =	sor.u32 s3, s0;
	s1 =	sshll.u32 s1, $0x11  }
0xbb: {  	s0 =	sor.u32 s1, s0  }
0xbc: {  	s0 =	sadd.s32 $0x8F2B, s0  }
0xbd: {  	[sflag:s0] =	ssyncadd.remote.s32 $0x1  }
0xbe: {  	_ =	sfence.sel $0xFFFF  }
0xbf: {  	[dreg:$0x0] =	wrdreg $0xFFFFFFFF;
	(pc) =	sbr.abs _section_cstart, $3  }
0xc0: {  	[dreg:$0x1] =	wrdreg $0xFFFFFFFF  }
0xc1: {  	_ =	task.clear_ibuf [dreg:s6], $0x2FFFF;
	_ =	strace $0x9FFFFFFF  }
0xc2: {  	(tm) =	ssettm $0x7FFFFFFF  }
0xc3: {  	_ =	shalt  }
tec
execute0_lowered:
.L_overlay_start_1:
0x0: {  	(tag) =	ssettag $0x1  }
0x1: {  	s0 =	srdreg.scid;
	s1 =	rddreg [dreg:$0x0]  }
0x2: {  	s10 =	stileid.u32;
	s2 =	rddreg [dreg:$0x1]  }
0x3: {  	s3 =	simm.s32 $0x0;
	s28 =	simm.s32 $0x7D;
	s4 =	smul.u32 $0x5000, s10  }
0x4: {  	s29 =	simm.s32 $0x80;
	s30 =	simm.s32 $0x4800;
	s7 =	smul.u32 $0x14000, s10  }
0x5: {  	s0 =	sand.u32 $0x1, s0;
	[smem:$0x7FF] =	sst s3;
	s10 =	smul.u32 $0x50000, s10  }
0x6: {  	s31 =	simm.s32 $0x1;
	s5 =	smul.u32 $0x2800, s0;
	_ =	strace $0x8000004D  }
0x7: {  	s18 =	sshrl.u32 s10, $0x2;
	s19 =	sor.u32 $0x2800, s7;
	s20 =	sadd.s32 $0x5000, s7  }
0x8: {  	s22 =	sadd.s32 $0x7800, s7;
	s24 =	sadd.s32 $0xA000, s7;
	s11 =	sadd.s32 $0xC800, s7  }
0x9: {  	s26 =	sadd.s32 $0xF000, s7;
	s4 =	sadd.s32 s5, s4;
	s21 =	sadd.s32 s20, s2  }
0xa: {  	s5 =	smul.u32 $0x140000, s0;
	s23 =	sadd.s32 s22, s2;
	[dreg:$0x7] =	wrdreg s21  }
0xb: {  	s0 =	ssub.s32 $0x2, s0;
	s12 =	sadd.s32 s24, s2;
	[dreg:$0x8] =	wrdreg s23  }
0xc: {  	s13 =	sadd.s32 s18, s2;
	s25 =	sadd.s32 s11, s2;
	[dreg:$0x9] =	wrdreg s12  }
0xd: {  	s14 =	sadd.s32 s19, s2;
	s15 =	sadd.s32 s26, s2;
	[dreg:$0xa] =	wrdreg s25  }
0xe: {  	s6 =	sshrl.u32 s4, $0x3;
	s4 =	sadd.s32 $0x38C00, s1;
	[dreg:$0xb] =	wrdreg s15  }
0xf: {  	s8 =	sshrl.u32 s0, $0x1;
	s15 =	simm.s32 $0x500;
	[dreg:$0x5] =	wrdreg s13  }
0x10: {  	[dreg:$0x6] =	wrdreg s14;
	s6 =	sadd.s32 s6, s1;
	s9 =	sadd.s32 s5, s7  }
0x11: {  	s1 =	sadd.s32 $0xB0C00, s1;
	s0 =	ssub.s32 s0, s8;
	s7 =	sadd.s32 $0x11800, s7  }
0x12: {  	s18 =	sadd.s32 s5, s22;
	s22 =	sadd.s32 s5, s11;
	s23 =	sadd.s32 s5, s26  }
0x13: {  	s11 =	simm.s32 $0x0;
	s17 =	sshrl.u32 s9, $0x3;
	s0 =	smax.u32 s0, $0x1  }
0x14: {  	s16 =	sadd.s32 s7, s2;
	s8 =	sadd.s32 s1, s17;
	[dreg:$0x4] =	wrdreg s0  }
0x15: {  	s0 =	sadd.s32 s5, s19;
	[dreg:$0xc] =	wrdreg s16;
	s17 =	sadd.s32 s5, s20  }
0x16: {  	s19 =	sadd.s32 s5, s24;
	s5 =	sadd.s32 s5, s7;
	s24 =	sshrl.u32 s23, $0x3  }
0x17: {  	s23 =	sadd.s32 $0x24C00, s6;
	s16 =	simm.s32 $0x200;
	s7 =	simm.s32 $0x380  }
0x18: {  	[dreg:$0x3] =	wrdreg s8;
	s0 =	sshrl.u32 s0, $0x3;
	s8 =	sshrl.u32 s18, $0x3  }
0x19: {  	s9 =	sshrl.u32 s19, $0x3;
	s5 =	sshrl.u32 s5, $0x3;
	s25 =	sadd.s32 s1, s24  }
0x1a: {  	s24 =	simm.s32 $0x800;
	s18 =	simm.s32 $0x280;
	s19 =	simm.s32 $0x600  }
0x1b: {  	s0 =	sadd.s32 s1, s0;
	s20 =	sadd.s32 s1, s8;
	[dreg:$0x12] =	wrdreg s25  }
0x1c: {  	s21 =	sadd.s32 s1, s9;
	s26 =	sadd.s32 s1, s5;
	[dreg:$0xd] =	wrdreg s0  }
0x1d: {  	s25 =	simm.s32 $0x3;
	s5 =	simm.s32 $0x480;
	[dreg:$0xf] =	wrdreg s20  }
0x1e: {  	s8 =	simm.s32 $0x700;
	s9 =	simm.s32 $0x780;
	[dreg:$0x10] =	wrdreg s21  }
0x1f: {  	s0 =	sshrl.u32 s17, $0x3;
	[dreg:$0x13] =	wrdreg s26;
	s26 =	simm.s32 $0x400  }
0x20: {  	s17 =	simm.s32 $0x580;
	s20 =	simm.s32 $0x300;
	s0 =	sadd.s32 s1, s0  }
0x21: {  	s21 =	simm.s32 $0x680;
	[dreg:$0xe] =	wrdreg s0;
	s0 =	sshrl.u32 s22, $0x3  }
0x22: {  	s22 =	sadd.s32 $0x2EC00, s6;
	s6 =	simm.s32 $0x180;
	s0 =	sadd.s32 s1, s0  }
0x23: {  	v0 =	vimm.f32 $0.0e+00;
	s1 =	simm.s32 $0x100;
	[dreg:$0x11] =	wrdreg s0;
	s0 =	simm.s32 $0x2  }
.LBB2_1:
0x24: {  	[dreg:$0x14] =	wrdreg s11;
	s11 =	simm.s32 $0x0;
	s12 =	simm.s32 $0x200  }
.LBB2_2:
0x25: {  	p0 =	sne.s32 s12, $0x9E00;
	[tilespmem:s11+$0x870] =	vst v0  }
0x26: {  	[tilespmem:s11+$0x800] =	vst v0  }
0x27: {  	[tilespmem:s11+$0x810] =	vst v0  }
.Ltmp0:
0x28: {  	[tilespmem:s11+$0x820] =	vst v0;
	(pc) =	sbr.rel @p0 .LBB2_2-.Ltmp0, $4  }
0x29: {  	[tilespmem:s11+$0x830] =	vst v0  }
0x2a: {  	[tilespmem:s11+$0x840] =	vst v0  }
0x2b: {  	[tilespmem:s11+$0x850] =	vst v0  }
0x2c: {  	[tilespmem:s11+$0x860] =	vst v0;
	s11 =	sshra.s32 s12, $0x2;
	s12 =	sadd.s32 $0x200, s12  }
0x2d: {  	[tilespmem:s11+$0x870] =	vst v0  }
0x2e: {  	[tilespmem:s11+$0x800] =	vst v0  }
0x2f: {  	[tilespmem:s11+$0x810] =	vst v0  }
0x30: {  	[tilespmem:s11+$0x820] =	vst v0  }
0x31: {  	[tilespmem:s11+$0x830] =	vst v0  }
0x32: {  	[tilespmem:s11+$0x840] =	vst v0  }
0x33: {  	[tilespmem:s11+$0x850] =	vst v0  }
0x34: {  	[tilespmem:s11+$0x860] =	vst v0  }
0x35: {  	[spmem:s13] =	stream.linear.scatter [tilespmem:s24], [sflag:$0x3], $0x2800, $0x38;
	[tilespmem:$0x1C800] =	vst v63  }
0x36: {  	_ =	swait.ge [sflag:s25], $0x2800  }
0x37: {  	[sflag:s25] =	ssyncset.done $0x0  }
0x38: {  	[sflag:s25] =	ssyncadd.s32 $0xFFFFD800  }
0x39: {  	[spmem:s14] =	stream.linear.scatter [tilespmem:s24], [sflag:$0x3], $0x2800, $0x38;
	[tilespmem:$0x1C800] =	vst v63  }
0x3a: {  	_ =	swait.ge [sflag:s25], $0x2800  }
0x3b: {  	[sflag:s25] =	ssyncset.done $0x0  }
0x3c: {  	s10 =	rddreg [dreg:$0x7];
	[sflag:s25] =	ssyncadd.s32 $0xFFFFD800  }
0x3d: {  	[spmem:s10] =	stream.linear.scatter [tilespmem:s24], [sflag:$0x3], $0x2800, $0x38;
	[tilespmem:$0x1C800] =	vst v63  }
0x3e: {  	_ =	swait.ge [sflag:s25], $0x2800  }
0x3f: {  	[sflag:s25] =	ssyncset.done $0x0  }
0x40: {  	s12 =	rddreg [dreg:$0x8];
	[sflag:s25] =	ssyncadd.s32 $0xFFFFD800  }
0x41: {  	[spmem:s12] =	stream.linear.scatter [tilespmem:s24], [sflag:$0x3], $0x2800, $0x38;
	[tilespmem:$0x1C800] =	vst v63  }
0x42: {  	_ =	swait.ge [sflag:s25], $0x2800  }
0x43: {  	[sflag:s25] =	ssyncset.done $0x0  }
0x44: {  	s13 =	rddreg [dreg:$0x9];
	[sflag:s25] =	ssyncadd.s32 $0xFFFFD800  }
0x45: {  	[spmem:s13] =	stream.linear.scatter [tilespmem:s24], [sflag:$0x3], $0x2800, $0x38;
	[tilespmem:$0x1C800] =	vst v63  }
0x46: {  	_ =	swait.ge [sflag:s25], $0x2800  }
0x47: {  	[sflag:s25] =	ssyncset.done $0x0  }
0x48: {  	s14 =	rddreg [dreg:$0xa];
	[sflag:s25] =	ssyncadd.s32 $0xFFFFD800  }
0x49: {  	[spmem:s14] =	stream.linear.scatter [tilespmem:s24], [sflag:$0x3], $0x2800, $0x38;
	[tilespmem:$0x1C800] =	vst v63  }
0x4a: {  	_ =	swait.ge [sflag:s25], $0x2800  }
0x4b: {  	[sflag:s25] =	ssyncset.done $0x0  }
0x4c: {  	s11 =	rddreg [dreg:$0xb];
	[sflag:s25] =	ssyncadd.s32 $0xFFFFD800  }
0x4d: {  	[spmem:s11] =	stream.linear.scatter [tilespmem:s24], [sflag:$0x3], $0x2800, $0x38;
	[tilespmem:$0x1C800] =	vst v63  }
0x4e: {  	_ =	swait.ge [sflag:s25], $0x2800  }
0x4f: {  	[sflag:s25] =	ssyncset.done $0x0  }
0x50: {  	s12 =	rddreg [dreg:$0xc];
	[sflag:s25] =	ssyncadd.s32 $0xFFFFD800  }
0x51: {  	[spmem:s12] =	stream.linear.scatter [tilespmem:s24], [sflag:$0x3], $0x2800, $0x38;
	[tilespmem:$0x1C800] =	vst v63  }
0x52: {  	_ =	swait.ge [sflag:s25], $0x2800  }
0x53: {  	[sflag:s25] =	ssyncset.done $0x0  }
0x54: {  	[sflag:s25] =	ssyncadd.s32 $0xFFFFD800  }
0x55: {  	s13 =	sadd.s32 $0x0, s23;
	[bflag:$0x0] =	sbarrier.arrive $0xFFFF  }
0x56: {  	[tilespmem:s3], [sflag:$0x3] =	stream.linear.gather [hbm4b:s13+s3], $0x400, $0x38;
	[tilespmem:$0x1C800] =	vst v63  }
0x57: {  	_ =	swait.ge [sflag:s25], $0x400  }
0x58: {  	[sflag:s25] =	ssyncset.done $0x0  }
0x59: {  	s14 =	sadd.s32 $0x0, s22;
	[sflag:s25] =	ssyncadd.s32 $0xFFFFFC00  }
0x5a: {  	[tilespmem:s26], [sflag:$0x3] =	stream.linear.gather [hbm4b:s14+s3], $0x400, $0x38;
	[tilespmem:$0x1C800] =	vst v63  }
0x5b: {  	_ =	swait.ge [sflag:s25], $0x400  }
0x5c: {  	[sflag:s25] =	ssyncset.done $0x0  }
0x5d: {  	[sflag:s25] =	ssyncadd.s32 $0xFFFFFC00  }
0x5e: {  	[tilespmem:s24], [sflag:$0x1] =	stream.indirect.gather [hbm4b:s4+s28], $0x80, s3, s28, $0xb8;
	[tilespmem:$0x1C800] =	vst v63  }
0x5f: {  	_ = 	snop  }
0x60: {  	[tilespmem:s30], [sflag:$0x2] =	stream.indirect.gather [hbm4b:s4+s28], $0x80, s29, s28, $0xb8;
	[tilespmem:$0x1C800] =	vst v63  }
0x61: {  	_ =	swait.ge [sflag:s31], $0x3E80  }
0x62: {  	[sflag:s31] =	ssyncset.done $0x0  }
0x63: {  	[sflag:s31] =	ssyncadd.s32 $0xFFFFC180  }
0x64: {  	[spmem:s2] =	stream.indirect.scatter.add.f32 [tilespmem:s24], [sflag:$0x3], $0x80, s26, s28, $0xb8;
	[tilespmem:$0x1C800] =	vst v63  }
0x65: {  	_ =	swait.ge [sflag:s25], $0x3E80  }
0x66: {  	[sflag:s25] =	ssyncset.done $0x0  }
0x67: {  	[sflag:s25] =	ssyncadd.s32 $0xFFFFC180  }
0x68: {  	[tilespmem:s24], [sflag:$0x1] =	stream.indirect.gather [hbm4b:s4+s28], $0x80, s1, s28, $0xb8;
	[tilespmem:$0x1C800] =	vst v63  }
0x69: {  	_ =	swait.ge [sflag:s0], $0x3E80  }
0x6a: {  	[sflag:s0] =	ssyncset.done $0x0  }
0x6b: {  	[sflag:s0] =	ssyncadd.s32 $0xFFFFC180  }
0x6c: {  	[spmem:s2] =	stream.indirect.scatter.add.f32 [tilespmem:s30], [sflag:$0x3], $0x80, s5, s28, $0xb8;
	[tilespmem:$0x1C800] =	vst v63  }
0x6d: {  	_ =	swait.ge [sflag:s25], $0x3E80  }
0x6e: {  	[sflag:s25] =	ssyncset.done $0x0  }
0x6f: {  	[sflag:s25] =	ssyncadd.s32 $0xFFFFC180  }
0x70: {  	[tilespmem:s30], [sflag:$0x2] =	stream.indirect.gather [hbm4b:s4+s28], $0x80, s6, s28, $0xb8;
	[tilespmem:$0x1C800] =	vst v63  }
0x71: {  	_ =	swait.ge [sflag:s31], $0x3E80  }
0x72: {  	[sflag:s31] =	ssyncset.done $0x0  }
0x73: {  	[sflag:s31] =	ssyncadd.s32 $0xFFFFC180  }
0x74: {  	[spmem:s2] =	stream.indirect.scatter.add.f32 [tilespmem:s24], [sflag:$0x3], $0x80, s15, s28, $0xb8;
	[tilespmem:$0x1C800] =	vst v63  }
0x75: {  	_ =	swait.ge [sflag:s25], $0x3E80  }
0x76: {  	[sflag:s25] =	ssyncset.done $0x0  }
0x77: {  	[sflag:s25] =	ssyncadd.s32 $0xFFFFC180  }
0x78: {  	[tilespmem:s24], [sflag:$0x1] =	stream.indirect.gather [hbm4b:s4+s28], $0x80, s16, s28, $0xb8;
	[tilespmem:$0x1C800] =	vst v63  }
0x79: {  	_ =	swait.ge [sflag:s0], $0x3E80  }
0x7a: {  	[sflag:s0] =	ssyncset.done $0x0  }
0x7b: {  	[sflag:s0] =	ssyncadd.s32 $0xFFFFC180  }
0x7c: {  	[spmem:s2] =	stream.indirect.scatter.add.f32 [tilespmem:s30], [sflag:$0x3], $0x80, s17, s28, $0xb8;
	[tilespmem:$0x1C800] =	vst v63  }
0x7d: {  	_ =	swait.ge [sflag:s25], $0x3E80  }
0x7e: {  	[sflag:s25] =	ssyncset.done $0x0  }
0x7f: {  	[sflag:s25] =	ssyncadd.s32 $0xFFFFC180  }
0x80: {  	[tilespmem:s30], [sflag:$0x2] =	stream.indirect.gather [hbm4b:s4+s28], $0x80, s18, s28, $0xb8;
	[tilespmem:$0x1C800] =	vst v63  }
0x81: {  	_ =	swait.ge [sflag:s31], $0x3E80  }
0x82: {  	[sflag:s31] =	ssyncset.done $0x0  }
0x83: {  	[sflag:s31] =	ssyncadd.s32 $0xFFFFC180  }
0x84: {  	[spmem:s2] =	stream.indirect.scatter.add.f32 [tilespmem:s24], [sflag:$0x3], $0x80, s19, s28, $0xb8;
	[tilespmem:$0x1C800] =	vst v63  }
0x85: {  	_ =	swait.ge [sflag:s25], $0x3E80  }
0x86: {  	[sflag:s25] =	ssyncset.done $0x0  }
0x87: {  	[sflag:s25] =	ssyncadd.s32 $0xFFFFC180  }
0x88: {  	[tilespmem:s24], [sflag:$0x1] =	stream.indirect.gather [hbm4b:s4+s28], $0x80, s20, s28, $0xb8;
	[tilespmem:$0x1C800] =	vst v63  }
0x89: {  	_ =	swait.ge [sflag:s0], $0x3E80  }
0x8a: {  	[sflag:s0] =	ssyncset.done $0x0  }
0x8b: {  	[sflag:s0] =	ssyncadd.s32 $0xFFFFC180  }
0x8c: {  	[spmem:s2] =	stream.indirect.scatter.add.f32 [tilespmem:s30], [sflag:$0x3], $0x80, s21, s28, $0xb8;
	[tilespmem:$0x1C800] =	vst v63  }
0x8d: {  	_ =	swait.ge [sflag:s25], $0x3E80  }
0x8e: {  	[sflag:s25] =	ssyncset.done $0x0  }
0x8f: {  	[sflag:s25] =	ssyncadd.s32 $0xFFFFC180  }
0x90: {  	[tilespmem:s30], [sflag:$0x2] =	stream.indirect.gather [hbm4b:s4+s28], $0x80, s7, s28, $0xb8;
	[tilespmem:$0x1C800] =	vst v63  }
0x91: {  	_ =	swait.ge [sflag:s31], $0x3E80  }
0x92: {  	[sflag:s31] =	ssyncset.done $0x0  }
0x93: {  	[sflag:s31] =	ssyncadd.s32 $0xFFFFC180  }
0x94: {  	[spmem:s2] =	stream.indirect.scatter.add.f32 [tilespmem:s24], [sflag:$0x3], $0x80, s8, s28, $0xb8;
	[tilespmem:$0x1C800] =	vst v63  }
0x95: {  	_ =	swait.ge [sflag:s25], $0x3E80  }
0x96: {  	[sflag:s25] =	ssyncset.done $0x0  }
0x97: {  	[sflag:s25] =	ssyncadd.s32 $0xFFFFC180  }
0x98: {  	_ =	swait.ge [sflag:s0], $0x3E80  }
0x99: {  	[sflag:s0] =	ssyncset.done $0x0  }
0x9a: {  	[sflag:s0] =	ssyncadd.s32 $0xFFFFC180  }
0x9b: {  	[spmem:s2] =	stream.indirect.scatter.add.f32 [tilespmem:s30], [sflag:$0x3], $0x80, s9, s28, $0xb8;
	[tilespmem:$0x1C800] =	vst v63  }
0x9c: {  	_ =	swait.ge [sflag:s25], $0x3E80  }
0x9d: {  	s11 =	simm.s32 $0x80;
	s12 =	simm.s32 $0x100;
	[sflag:s25] =	ssyncset.done $0x0  }
.LBB2_4:
0x9e: {  	s14 =	sadd.s32 s11, s23  }
0x9f: {  	[sflag:s25] =	ssyncadd.s32 $0xFFFFC180;
	s10 =	smov.u32 s12;
	s13 =	sadd.s32 $0x80, s12  }
0xa0: {  	[tilespmem:s3], [sflag:$0x3] =	stream.linear.gather [hbm4b:s14+s3], $0x400, $0x38;
	[tilespmem:$0x1C800] =	vst v63  }
0xa1: {  	p0 =	sne.s32 s12, $0x480;
	_ =	swait.ge [sflag:s25], $0x400  }
0xa2: {  	[sflag:s25] =	ssyncset.done $0x0  }
0xa3: {  	s12 =	sadd.s32 s11, s22;
	s11 =	smov.u32 s10;
	[sflag:s25] =	ssyncadd.s32 $0xFFFFFC00  }
0xa4: {  	[tilespmem:s26], [sflag:$0x3] =	stream.linear.gather [hbm4b:s12+s3], $0x400, $0x38;
	[tilespmem:$0x1C800] =	vst v63  }
0xa5: {  	_ =	swait.ge [sflag:s25], $0x400  }
0xa6: {  	[sflag:s25] =	ssyncset.done $0x0  }
0xa7: {  	[sflag:s25] =	ssyncadd.s32 $0xFFFFFC00  }
0xa8: {  	[tilespmem:s24], [sflag:$0x1] =	stream.indirect.gather [hbm4b:s4+s28], $0x80, s3, s28, $0xb8;
	[tilespmem:$0x1C800] =	vst v63  }
0xa9: {  	_ = 	snop  }
0xaa: {  	[tilespmem:s30], [sflag:$0x2] =	stream.indirect.gather [hbm4b:s4+s28], $0x80, s29, s28, $0xb8;
	[tilespmem:$0x1C800] =	vst v63  }
0xab: {  	_ =	swait.ge [sflag:s31], $0x3E80  }
0xac: {  	[sflag:s31] =	ssyncset.done $0x0  }
0xad: {  	[sflag:s31] =	ssyncadd.s32 $0xFFFFC180  }
0xae: {  	[spmem:s2] =	stream.indirect.scatter.add.f32 [tilespmem:s24], [sflag:$0x3], $0x80, s26, s28, $0xb8;
	[tilespmem:$0x1C800] =	vst v63  }
0xaf: {  	_ =	swait.ge [sflag:s25], $0x3E80  }
0xb0: {  	[sflag:s25] =	ssyncset.done $0x0  }
0xb1: {  	[sflag:s25] =	ssyncadd.s32 $0xFFFFC180  }
0xb2: {  	[tilespmem:s24], [sflag:$0x1] =	stream.indirect.gather [hbm4b:s4+s28], $0x80, s1, s28, $0xb8;
	[tilespmem:$0x1C800] =	vst v63  }
0xb3: {  	_ =	swait.ge [sflag:s0], $0x3E80  }
0xb4: {  	[sflag:s0] =	ssyncset.done $0x0  }
0xb5: {  	[sflag:s0] =	ssyncadd.s32 $0xFFFFC180  }
0xb6: {  	[spmem:s2] =	stream.indirect.scatter.add.f32 [tilespmem:s30], [sflag:$0x3], $0x80, s5, s28, $0xb8;
	[tilespmem:$0x1C800] =	vst v63  }
0xb7: {  	_ =	swait.ge [sflag:s25], $0x3E80  }
0xb8: {  	[sflag:s25] =	ssyncset.done $0x0  }
0xb9: {  	[sflag:s25] =	ssyncadd.s32 $0xFFFFC180  }
0xba: {  	[tilespmem:s30], [sflag:$0x2] =	stream.indirect.gather [hbm4b:s4+s28], $0x80, s6, s28, $0xb8;
	[tilespmem:$0x1C800] =	vst v63  }
0xbb: {  	_ =	swait.ge [sflag:s31], $0x3E80  }
0xbc: {  	[sflag:s31] =	ssyncset.done $0x0  }
0xbd: {  	[sflag:s31] =	ssyncadd.s32 $0xFFFFC180  }
0xbe: {  	[spmem:s2] =	stream.indirect.scatter.add.f32 [tilespmem:s24], [sflag:$0x3], $0x80, s15, s28, $0xb8;
	[tilespmem:$0x1C800] =	vst v63  }
0xbf: {  	_ =	swait.ge [sflag:s25], $0x3E80  }
0xc0: {  	[sflag:s25] =	ssyncset.done $0x0  }
0xc1: {  	[sflag:s25] =	ssyncadd.s32 $0xFFFFC180  }
0xc2: {  	[tilespmem:s24], [sflag:$0x1] =	stream.indirect.gather [hbm4b:s4+s28], $0x80, s16, s28, $0xb8;
	[tilespmem:$0x1C800] =	vst v63  }
0xc3: {  	_ =	swait.ge [sflag:s0], $0x3E80  }
0xc4: {  	[sflag:s0] =	ssyncset.done $0x0  }
0xc5: {  	[sflag:s0] =	ssyncadd.s32 $0xFFFFC180  }
0xc6: {  	[spmem:s2] =	stream.indirect.scatter.add.f32 [tilespmem:s30], [sflag:$0x3], $0x80, s17, s28, $0xb8;
	[tilespmem:$0x1C800] =	vst v63  }
0xc7: {  	_ =	swait.ge [sflag:s25], $0x3E80  }
0xc8: {  	[sflag:s25] =	ssyncset.done $0x0  }
0xc9: {  	[sflag:s25] =	ssyncadd.s32 $0xFFFFC180  }
0xca: {  	[tilespmem:s30], [sflag:$0x2] =	stream.indirect.gather [hbm4b:s4+s28], $0x80, s18, s28, $0xb8;
	[tilespmem:$0x1C800] =	vst v63  }
0xcb: {  	_ =	swait.ge [sflag:s31], $0x3E80  }
0xcc: {  	[sflag:s31] =	ssyncset.done $0x0  }
0xcd: {  	[sflag:s31] =	ssyncadd.s32 $0xFFFFC180  }
0xce: {  	[spmem:s2] =	stream.indirect.scatter.add.f32 [tilespmem:s24], [sflag:$0x3], $0x80, s19, s28, $0xb8;
	[tilespmem:$0x1C800] =	vst v63  }
0xcf: {  	_ =	swait.ge [sflag:s25], $0x3E80  }
0xd0: {  	[sflag:s25] =	ssyncset.done $0x0  }
0xd1: {  	[sflag:s25] =	ssyncadd.s32 $0xFFFFC180  }
0xd2: {  	[tilespmem:s24], [sflag:$0x1] =	stream.indirect.gather [hbm4b:s4+s28], $0x80, s20, s28, $0xb8;
	[tilespmem:$0x1C800] =	vst v63  }
0xd3: {  	_ =	swait.ge [sflag:s0], $0x3E80  }
0xd4: {  	[sflag:s0] =	ssyncset.done $0x0  }
0xd5: {  	[sflag:s0] =	ssyncadd.s32 $0xFFFFC180  }
0xd6: {  	[spmem:s2] =	stream.indirect.scatter.add.f32 [tilespmem:s30], [sflag:$0x3], $0x80, s21, s28, $0xb8;
	[tilespmem:$0x1C800] =	vst v63  }
0xd7: {  	_ =	swait.ge [sflag:s25], $0x3E80  }
0xd8: {  	[sflag:s25] =	ssyncset.done $0x0  }
0xd9: {  	[sflag:s25] =	ssyncadd.s32 $0xFFFFC180  }
0xda: {  	[tilespmem:s30], [sflag:$0x2] =	stream.indirect.gather [hbm4b:s4+s28], $0x80, s7, s28, $0xb8;
	[tilespmem:$0x1C800] =	vst v63  }
0xdb: {  	_ =	swait.ge [sflag:s31], $0x3E80  }
0xdc: {  	[sflag:s31] =	ssyncset.done $0x0  }
0xdd: {  	[sflag:s31] =	ssyncadd.s32 $0xFFFFC180  }
0xde: {  	[spmem:s2] =	stream.indirect.scatter.add.f32 [tilespmem:s24], [sflag:$0x3], $0x80, s8, s28, $0xb8;
	[tilespmem:$0x1C800] =	vst v63  }
0xdf: {  	_ =	swait.ge [sflag:s25], $0x3E80  }
0xe0: {  	[sflag:s25] =	ssyncset.done $0x0  }
0xe1: {  	[sflag:s25] =	ssyncadd.s32 $0xFFFFC180  }
0xe2: {  	_ =	swait.ge [sflag:s0], $0x3E80  }
.Ltmp1:
0xe3: {  	[sflag:s0] =	ssyncset.done $0x0;
	(pc) =	sbr.rel @p0 .LBB2_4-.Ltmp1, $4  }
0xe4: {  	[sflag:s0] =	ssyncadd.s32 $0xFFFFC180  }
0xe5: {  	[spmem:s2] =	stream.indirect.scatter.add.f32 [tilespmem:s30], [sflag:$0x3], $0x80, s9, s28, $0xb8;
	[tilespmem:$0x1C800] =	vst v63  }
0xe6: {  	_ =	swait.ge [sflag:s25], $0x3E80  }
0xe7: {  	s12 =	smov.u32 s13;
	[sflag:s25] =	ssyncset.done $0x0  }
0xe8: {  	s10 =	sadd.s32 s11, s23;
	[sflag:s25] =	ssyncadd.s32 $0xFFFFC180  }
0xe9: {  	[tilespmem:s3], [sflag:$0x3] =	stream.linear.gather [hbm4b:s10+s3], $0x400, $0x38;
	[tilespmem:$0x1C800] =	vst v63  }
0xea: {  	_ =	swait.ge [sflag:s25], $0x400  }
0xeb: {  	[sflag:s25] =	ssyncset.done $0x0  }
0xec: {  	s12 =	sadd.s32 s11, s22;
	[sflag:s25] =	ssyncadd.s32 $0xFFFFFC00  }
0xed: {  	[tilespmem:s26], [sflag:$0x3] =	stream.linear.gather [hbm4b:s12+s3], $0x400, $0x38;
	[tilespmem:$0x1C800] =	vst v63  }
0xee: {  	_ =	swait.ge [sflag:s25], $0x400  }
0xef: {  	[sflag:s25] =	ssyncset.done $0x0  }
0xf0: {  	[sflag:s25] =	ssyncadd.s32 $0xFFFFFC00  }
0xf1: {  	[tilespmem:s24], [sflag:$0x1] =	stream.indirect.gather [hbm4b:s4+s28], $0x80, s3, s28, $0xb8;
	[tilespmem:$0x1C800] =	vst v63  }
0xf2: {  	_ = 	snop  }
0xf3: {  	[tilespmem:s30], [sflag:$0x2] =	stream.indirect.gather [hbm4b:s4+s28], $0x80, s29, s28, $0xb8;
	[tilespmem:$0x1C800] =	vst v63  }
0xf4: {  	_ =	swait.ge [sflag:s31], $0x3E80  }
0xf5: {  	[sflag:s31] =	ssyncset.done $0x0  }
0xf6: {  	[sflag:s31] =	ssyncadd.s32 $0xFFFFC180  }
0xf7: {  	[spmem:s2] =	stream.indirect.scatter.add.f32 [tilespmem:s24], [sflag:$0x3], $0x80, s26, s28, $0xb8;
	[tilespmem:$0x1C800] =	vst v63  }
0xf8: {  	_ =	swait.ge [sflag:s25], $0x3E80  }
0xf9: {  	[sflag:s25] =	ssyncset.done $0x0  }
0xfa: {  	[sflag:s25] =	ssyncadd.s32 $0xFFFFC180  }
0xfb: {  	[tilespmem:s24], [sflag:$0x1] =	stream.indirect.gather [hbm4b:s4+s28], $0x80, s1, s28, $0xb8;
	[tilespmem:$0x1C800] =	vst v63  }
0xfc: {  	_ =	swait.ge [sflag:s0], $0x3E80  }
0xfd: {  	[sflag:s0] =	ssyncset.done $0x0  }
0xfe: {  	[sflag:s0] =	ssyncadd.s32 $0xFFFFC180  }
0xff: {  	[spmem:s2] =	stream.indirect.scatter.add.f32 [tilespmem:s30], [sflag:$0x3], $0x80, s5, s28, $0xb8;
	[tilespmem:$0x1C800] =	vst v63  }
0x100: {  	_ =	swait.ge [sflag:s25], $0x3E80  }
0x101: {  	[sflag:s25] =	ssyncset.done $0x0  }
0x102: {  	[sflag:s25] =	ssyncadd.s32 $0xFFFFC180  }
0x103: {  	[tilespmem:s30], [sflag:$0x2] =	stream.indirect.gather [hbm4b:s4+s28], $0x80, s6, s28, $0xb8;
	[tilespmem:$0x1C800] =	vst v63  }
0x104: {  	_ =	swait.ge [sflag:s31], $0x3E80  }
0x105: {  	[sflag:s31] =	ssyncset.done $0x0  }
0x106: {  	[sflag:s31] =	ssyncadd.s32 $0xFFFFC180  }
0x107: {  	[spmem:s2] =	stream.indirect.scatter.add.f32 [tilespmem:s24], [sflag:$0x3], $0x80, s15, s28, $0xb8;
	[tilespmem:$0x1C800] =	vst v63  }
0x108: {  	_ =	swait.ge [sflag:s25], $0x3E80  }
0x109: {  	[sflag:s25] =	ssyncset.done $0x0  }
0x10a: {  	[sflag:s25] =	ssyncadd.s32 $0xFFFFC180  }
0x10b: {  	[tilespmem:s24], [sflag:$0x1] =	stream.indirect.gather [hbm4b:s4+s28], $0x80, s16, s28, $0xb8;
	[tilespmem:$0x1C800] =	vst v63  }
0x10c: {  	_ =	swait.ge [sflag:s0], $0x3E80  }
0x10d: {  	[sflag:s0] =	ssyncset.done $0x0  }
0x10e: {  	[sflag:s0] =	ssyncadd.s32 $0xFFFFC180  }
0x10f: {  	[spmem:s2] =	stream.indirect.scatter.add.f32 [tilespmem:s30], [sflag:$0x3], $0x80, s17, s28, $0xb8;
	[tilespmem:$0x1C800] =	vst v63  }
0x110: {  	_ =	swait.ge [sflag:s25], $0x3E80  }
0x111: {  	[sflag:s25] =	ssyncset.done $0x0  }
0x112: {  	[sflag:s25] =	ssyncadd.s32 $0xFFFFC180  }
0x113: {  	[tilespmem:s30], [sflag:$0x2] =	stream.indirect.gather [hbm4b:s4+s28], $0x80, s18, s28, $0xb8;
	[tilespmem:$0x1C800] =	vst v63  }
0x114: {  	_ =	swait.ge [sflag:s31], $0x3E80  }
0x115: {  	[sflag:s31] =	ssyncset.done $0x0  }
0x116: {  	[sflag:s31] =	ssyncadd.s32 $0xFFFFC180  }
0x117: {  	[spmem:s2] =	stream.indirect.scatter.add.f32 [tilespmem:s24], [sflag:$0x3], $0x80, s19, s28, $0xb8;
	[tilespmem:$0x1C800] =	vst v63  }
0x118: {  	_ =	swait.ge [sflag:s25], $0x3E80  }
0x119: {  	[sflag:s25] =	ssyncset.done $0x0  }
0x11a: {  	[sflag:s25] =	ssyncadd.s32 $0xFFFFC180  }
0x11b: {  	[tilespmem:s24], [sflag:$0x1] =	stream.indirect.gather [hbm4b:s4+s28], $0x80, s20, s28, $0xb8;
	[tilespmem:$0x1C800] =	vst v63  }
0x11c: {  	_ =	swait.ge [sflag:s0], $0x3E80  }
0x11d: {  	[sflag:s0] =	ssyncset.done $0x0  }
0x11e: {  	[sflag:s0] =	ssyncadd.s32 $0xFFFFC180  }
0x11f: {  	[spmem:s2] =	stream.indirect.scatter.add.f32 [tilespmem:s30], [sflag:$0x3], $0x80, s21, s28, $0xb8;
	[tilespmem:$0x1C800] =	vst v63  }
0x120: {  	_ =	swait.ge [sflag:s25], $0x3E80  }
0x121: {  	[sflag:s25] =	ssyncset.done $0x0  }
0x122: {  	[sflag:s25] =	ssyncadd.s32 $0xFFFFC180  }
0x123: {  	[tilespmem:s30], [sflag:$0x2] =	stream.indirect.gather [hbm4b:s4+s28], $0x80, s7, s28, $0xb8;
	[tilespmem:$0x1C800] =	vst v63  }
0x124: {  	_ =	swait.ge [sflag:s31], $0x3E80  }
0x125: {  	[sflag:s31] =	ssyncset.done $0x0  }
0x126: {  	[sflag:s31] =	ssyncadd.s32 $0xFFFFC180  }
0x127: {  	[spmem:s2] =	stream.indirect.scatter.add.f32 [tilespmem:s24], [sflag:$0x3], $0x80, s8, s28, $0xb8;
	[tilespmem:$0x1C800] =	vst v63  }
0x128: {  	_ =	swait.ge [sflag:s25], $0x3E80  }
0x129: {  	[sflag:s25] =	ssyncset.done $0x0  }
0x12a: {  	[sflag:s25] =	ssyncadd.s32 $0xFFFFC180  }
0x12b: {  	_ =	swait.ge [sflag:s0], $0x3E80  }
0x12c: {  	[sflag:s0] =	ssyncset.done $0x0  }
0x12d: {  	[sflag:s0] =	ssyncadd.s32 $0xFFFFC180  }
0x12e: {  	[spmem:s2] =	stream.indirect.scatter.add.f32 [tilespmem:s30], [sflag:$0x3], $0x80, s9, s28, $0xb8;
	[tilespmem:$0x1C800] =	vst v63  }
0x12f: {  	_ =	swait.ge [sflag:s25], $0x3E80  }
0x130: {  	[sflag:s25] =	ssyncset.done $0x0  }
0x131: {  	[sflag:s25] =	ssyncadd.s32 $0xFFFFC180  }
0x132: {  	s13 =	stileid.u32;
	[bflag:$0x0] =	sbarrier.arrive $0xFFFF  }
0x133: {  	s10 =	sshll.u32 s13, $0x6;
	s13 =	rddreg [dreg:$0x5]  }
0x134: {  	s10 =	sor.u32 $0x1C03, s10;
	s12 =	rddreg [dreg:$0x3];
	s14 =	sshrl.u32 s13, $0x3  }
0x135: {  	[hbm:s12], [sflag:s10] =	dma.local [spmem:s14], $0x500  }
0x136: {  	_ =	swait.ge [sflag:s25], $0x500  }
0x137: {  	[sflag:s25] =	ssyncset.done $0x0;
	s14 =	rddreg [dreg:$0x6]  }
0x138: {  	s12 =	rddreg [dreg:$0xd];
	[sflag:s25] =	ssyncadd.s32 $0xFFFFFB00;
	s11 =	sshrl.u32 s14, $0x3  }
0x139: {  	[hbm:s12], [sflag:s10] =	dma.local [spmem:s11], $0x500  }
0x13a: {  	_ =	swait.ge [sflag:s25], $0x500  }
0x13b: {  	[sflag:s25] =	ssyncset.done $0x0;
	s12 =	rddreg [dreg:$0x7]  }
0x13c: {  	[sflag:s25] =	ssyncadd.s32 $0xFFFFFB00;
	s11 =	sshrl.u32 s12, $0x3;
	s12 =	rddreg [dreg:$0xe]  }
0x13d: {  	[hbm:s12], [sflag:s10] =	dma.local [spmem:s11], $0x500  }
0x13e: {  	_ =	swait.ge [sflag:s25], $0x500  }
0x13f: {  	[sflag:s25] =	ssyncset.done $0x0;
	s12 =	rddreg [dreg:$0x8]  }
0x140: {  	[sflag:s25] =	ssyncadd.s32 $0xFFFFFB00;
	s11 =	sshrl.u32 s12, $0x3;
	s12 =	rddreg [dreg:$0xf]  }
0x141: {  	[hbm:s12], [sflag:s10] =	dma.local [spmem:s11], $0x500  }
0x142: {  	_ =	swait.ge [sflag:s25], $0x500  }
0x143: {  	[sflag:s25] =	ssyncset.done $0x0;
	s12 =	rddreg [dreg:$0x9]  }
0x144: {  	[sflag:s25] =	ssyncadd.s32 $0xFFFFFB00;
	s11 =	sshrl.u32 s12, $0x3;
	s12 =	rddreg [dreg:$0x10]  }
0x145: {  	[hbm:s12], [sflag:s10] =	dma.local [spmem:s11], $0x500  }
0x146: {  	_ =	swait.ge [sflag:s25], $0x500  }
0x147: {  	[sflag:s25] =	ssyncset.done $0x0;
	s12 =	rddreg [dreg:$0xa]  }
0x148: {  	[sflag:s25] =	ssyncadd.s32 $0xFFFFFB00;
	s11 =	sshrl.u32 s12, $0x3;
	s12 =	rddreg [dreg:$0x11]  }
0x149: {  	[hbm:s12], [sflag:s10] =	dma.local [spmem:s11], $0x500  }
0x14a: {  	_ =	swait.ge [sflag:s25], $0x500  }
0x14b: {  	[sflag:s25] =	ssyncset.done $0x0;
	s12 =	rddreg [dreg:$0xb]  }
0x14c: {  	[sflag:s25] =	ssyncadd.s32 $0xFFFFFB00;
	s11 =	sshrl.u32 s12, $0x3;
	s12 =	rddreg [dreg:$0x12]  }
0x14d: {  	[hbm:s12], [sflag:s10] =	dma.local [spmem:s11], $0x500  }
0x14e: {  	_ =	swait.ge [sflag:s25], $0x500  }
0x14f: {  	[sflag:s25] =	ssyncset.done $0x0;
	s12 =	rddreg [dreg:$0xc]  }
0x150: {  	[sflag:s25] =	ssyncadd.s32 $0xFFFFFB00;
	s11 =	sshrl.u32 s12, $0x3;
	s12 =	rddreg [dreg:$0x13]  }
0x151: {  	[hbm:s12], [sflag:s10] =	dma.local [spmem:s11], $0x500  }
0x152: {  	_ =	swait.ge [sflag:s25], $0x500  }
0x153: {  	s10 =	rddreg [dreg:$0x14]  }
0x154: {  	s12 =	rddreg [dreg:$0x4];
	s11 =	sadd.s32 $0x1, s10  }
0x155: {  	p0 =	sne.s32 s11, s12  }
.Ltmp2:
0x156: {  	_ = 	snop;
	(pc) =	sbr.rel @p0 .LBB2_1-.Ltmp2, $3  }
0x157: {  	_ =	sdelay $0x1  }
0x158: {  	[sflag:s25] =	ssyncset.done $0x0  }
0x159: {  	[sflag:s25] =	ssyncadd.s32 $0xFFFFFB00  }
0x15a: {  	_ =	sfence.sel $0x180000  }
0x15b: {  	[bflag:$0x0] =	sbarrier.arrive $0xFFFF  }
0x15c: {  	_ =	strace $0x9000004D  }
0x15d: {  	s0 =	stileid.u32;
	[bflag:$0x2] =	sbarrier.arrive $0xFFFF  }
0x15e: {  	p0 =	sne.s32 s0, $0x0;
	s0 =	rddreg [dreg:$0x2]  }
0x15f: {  	s0 =	sadd.s32 @!p0 $0x100000, s0  }
0x160: {  	[sflag:s0] =	ssyncadd.tile.s32 @!p0 $0x1;
	_ =	shalt  }
.Lfunc_end2:
_tile_overlayer_lowered:
.L_overlay_start_2:
0x161: {  	(tag) =	ssettag $0x2  }
0x162: {  	s0 =	rddreg [dreg:$0x0];
	s2 =	stileid.u32  }
0x163: {  	s1 =	rddreg [dreg:$0x1];
	p0 =	sne.s32 s2, $0x0  }
0x164: {  	s3 =	rddreg [dreg:$0x2];
	[bflag:$0x3] =	sbarrier.arrive $0xFFFF;
	s2 =	simm.s32 @!p0 $0x1C03  }
0x165: {  	[timem:s3], [sflag:s2] =	dma.local @!p0 [hbm:s0], s1  }
0x166: {  	s0 =	simm.s32 @!p0 $0x3  }
0x167: {  	_ =	swait.ge @!p0 [sflag:s0], s1  }
0x168: {  	s1 =	ssub.s32 @!p0 $0x0, s1;
	[sflag:s0] =	ssyncset.done @!p0 $0x0  }
0x169: {  	[sflag:s0] =	ssyncadd.s32 @!p0 s1  }
0x16a: {  	[bflag:$0x3] =	sbarrier.arrive $0xFFFF  }
0x16b: {  	_ =	shalt  }

</sc_bundles>
